<compile_context>
chip_gen: v7x
topology: tpu7x:2x2x1
jax: 0.10.2.dev20260603
libtpu: 0.0.44.dev20260713+nightly
codegen_flags: <defaults>
</compile_context>

<pallas_src>
import functools

import jax
import jax.numpy as jnp
from jax import lax
from jax.experimental import pallas as pl
from jax.experimental.pallas import tpu as pltpu
from jax.experimental.pallas import tpu_sc as plsc

N_NODES = 10000
N_EDGES = 320000
NC = 2
NS = 16
NW = NC * NS
EPT = N_EDGES // NW
CHUNK = 40
NCHUNK = EPT // CHUNK
ACC_ROWS = 10240
RPT = ACC_ROWS // NS
N_INIT = N_NODES // NS
BLK = 1024
NBLK = ACC_ROWS // BLK

_sc_mesh = functools.partial(
    plsc.VectorSubcoreMesh, core_axis_name="c", subcore_axis_name="s"
)


@functools.partial(
    pl.kernel,
    out_type=jax.ShapeDtypeStruct((NC, ACC_ROWS), jnp.float32),
    mesh=_sc_mesh(),
    scratch_types=[
        pltpu.VMEM((NCHUNK, CHUNK), jnp.int32),
        pltpu.VMEM((80,), jnp.float32),
        pltpu.VMEM((RPT,), jnp.float32),
        pltpu.VMEM_SHARED((ACC_ROWS,), jnp.float32),
        pltpu.SemaphoreType.DMA,
    ],
)
def _deg_kernel(ei_hbm, out_hbm, dst_v, ones_v, zero_v, acc, sem):
    c = lax.axis_index("c")
    s = lax.axis_index("s")
    wid = s * NC + c

    pltpu.sync_copy(ei_hbm.at[1, wid], dst_v)
    for i in range(5):
        ones_v[pl.ds(i * 16, 16)] = jnp.full((16,), 1.0, jnp.float32)

    def zfill(i, carry):
        zero_v[pl.ds(i * 16, 16)] = jnp.zeros((16,), jnp.float32)
        return carry

    lax.fori_loop(0, RPT // 16, zfill, 0)
    pltpu.sync_copy(zero_v, acc.at[pl.ds(s * RPT, RPT)])
    plsc.subcore_barrier()

    def step(j, carry):
        pltpu.sync_copy(ones_v.at[pl.ds(0, CHUNK)], acc.at[dst_v.at[j]], add=True)
        return carry

    lax.fori_loop(0, NCHUNK, step, 0)
    plsc.subcore_barrier()
    pltpu.sync_copy(acc.at[pl.ds(s * RPT, RPT)], out_hbm.at[c, pl.ds(s * RPT, RPT)])


def _make_agg(d, chunk, nbuf):
    nchunk = EPT // chunk
    assert nchunk % nbuf == 0

    @functools.partial(
        pl.kernel,
        out_type=jax.ShapeDtypeStruct((NC, ACC_ROWS, d), jnp.float32),
        mesh=_sc_mesh(),
        scratch_types=[
            pltpu.VMEM((nchunk, chunk), jnp.int32),
            pltpu.VMEM((nchunk, chunk), jnp.int32),
            [pltpu.VMEM((chunk, d), jnp.float32) for _ in range(nbuf)],
            pltpu.VMEM_SHARED((ACC_ROWS, d), jnp.float32),
            pltpu.SemaphoreType.DMA,
        ],
        compiler_params=pltpu.CompilerParams(use_tc_tiling_on_sc=False),
    )
    def agg(h_hbm, ei_hbm, out_hbm, src_v, dst_v, bufs, acc, sem):
        c = lax.axis_index("c")
        s = lax.axis_index("s")
        wid = s * NC + c

        pltpu.sync_copy(ei_hbm.at[0, wid], src_v)
        pltpu.sync_copy(ei_hbm.at[1, wid], dst_v)

        zbuf = bufs[0]

        def zrow(i, carry):
            for k in range(d // 16):
                zbuf[i, pl.ds(k * 16, 16)] = jnp.zeros((16,), jnp.float32)
            return carry

        lax.fori_loop(0, chunk, zrow, 0)

        @pl.when(c == 0)
        def _():
            @pl.when(s < NS - 1)
            def _():
                pltpu.sync_copy(
                    h_hbm.at[pl.ds(s * RPT, RPT)], acc.at[pl.ds(s * RPT, RPT)]
                )

            @pl.when(s == NS - 1)
            def _():
                last = N_NODES - (NS - 1) * RPT
                pltpu.sync_copy(
                    h_hbm.at[pl.ds((NS - 1) * RPT, last)],
                    acc.at[pl.ds((NS - 1) * RPT, last)],
                )

                def ztail(t, carry):
                    pltpu.sync_copy(
                        zbuf, acc.at[pl.ds(N_NODES + t * chunk, chunk)]
                    )
                    return carry

                lax.fori_loop(0, (ACC_ROWS - N_NODES) // chunk, ztail, 0)

        @pl.when(c == 1)
        def _():
            def zslice(t, carry):
                pltpu.sync_copy(zbuf, acc.at[pl.ds(s * RPT + t * chunk, chunk)])
                return carry

            lax.fori_loop(0, RPT // chunk, zslice, 0)

        for b in range(nbuf):
            pltpu.async_copy(h_hbm.at[src_v.at[b]], bufs[b], sem)
        plsc.subcore_barrier()

        def step(jj, carry):
            for b in range(nbuf):
                j = nbuf * jj + b
                pltpu.make_async_copy(h_hbm.at[src_v.at[j]], bufs[b], sem).wait()
                pltpu.sync_copy(bufs[b], acc.at[dst_v.at[j]], add=True)

                def refire(b=b, j=j):
                    pltpu.async_copy(
                        h_hbm.at[src_v.at[j + nbuf]], bufs[b], sem
                    )

                pl.when(j + nbuf < nchunk)(refire)
            return carry

        lax.fori_loop(0, nchunk // nbuf, step, 0)
        plsc.subcore_barrier()
        pltpu.sync_copy(
            acc.at[pl.ds(s * RPT, RPT)], out_hbm.at[c, pl.ds(s * RPT, RPT)]
        )

    return agg


_CHUNK1, _NBUF1 = 40, 5
_CHUNK2, _NBUF2 = 40, 10
_agg128 = _make_agg(128, _CHUNK1, _NBUF1)
_agg64 = _make_agg(64, _CHUNK2, _NBUF2)


def _mm1_body(x_ref, w_ref, dp_ref, o_ref):
    deg = dp_ref[0] + dp_ref[1] + 1.0
    dis = lax.rsqrt(deg)
    h = jnp.dot(x_ref[...], w_ref[...], preferred_element_type=jnp.float32)
    o_ref[...] = h * dis


def _mm1(x, W1, dpr):
    return pl.pallas_call(
        _mm1_body,
        grid=(NBLK,),
        in_specs=[
            pl.BlockSpec((BLK, 128), lambda i: (i, 0)),
            pl.BlockSpec((128, 128), lambda i: (0, 0)),
            pl.BlockSpec((NC, BLK, 1), lambda i: (0, i, 0)),
        ],
        out_specs=pl.BlockSpec((BLK, 128), lambda i: (i, 0)),
        out_shape=jax.ShapeDtypeStruct((ACC_ROWS, 128), jnp.float32),
    )(x, W1, dpr)


def _mm2_body(p_ref, dp_ref, b1_ref, w_ref, o_ref):
    deg = dp_ref[0] + dp_ref[1] + 1.0
    dis = lax.rsqrt(deg)
    aggd = p_ref[0] + p_ref[1]
    h = jnp.maximum(aggd * dis + b1_ref[...], 0.0)
    o_ref[...] = jnp.dot(h, w_ref[...], preferred_element_type=jnp.float32) * dis


def _mm2(p, dpr, b1, W2):
    return pl.pallas_call(
        _mm2_body,
        grid=(NBLK,),
        in_specs=[
            pl.BlockSpec((NC, BLK, 128), lambda i: (0, i, 0)),
            pl.BlockSpec((NC, BLK, 1), lambda i: (0, i, 0)),
            pl.BlockSpec((1, 128), lambda i: (0, 0)),
            pl.BlockSpec((128, 64), lambda i: (0, 0)),
        ],
        out_specs=pl.BlockSpec((BLK, 64), lambda i: (i, 0)),
        out_shape=jax.ShapeDtypeStruct((ACC_ROWS, 64), jnp.float32),
    )(p, dpr, b1, W2)


def _fin_body(q_ref, dp_ref, b2_ref, o_ref):
    deg = dp_ref[0] + dp_ref[1] + 1.0
    dis = lax.rsqrt(deg)
    o_ref[...] = (q_ref[0] + q_ref[1]) * dis + b2_ref[...]


def _fin(q, dpr, b2):
    return pl.pallas_call(
        _fin_body,
        grid=(NBLK,),
        in_specs=[
            pl.BlockSpec((NC, BLK, 64), lambda i: (0, i, 0)),
            pl.BlockSpec((NC, BLK, 1), lambda i: (0, i, 0)),
            pl.BlockSpec((1, 64), lambda i: (0, 0)),
        ],
        out_specs=pl.BlockSpec((BLK, 64), lambda i: (i, 0)),
        out_shape=jax.ShapeDtypeStruct((N_NODES, 64), jnp.float32),
    )(q, dpr, b2)


@jax.jit
def kernel(x, edge_index, W1, b1, W2, b2):
    ei = edge_index.astype(jnp.int32)
    ei1 = ei.reshape(2, NW, EPT // _CHUNK1, _CHUNK1)
    ei2 = ei1
    dp = _deg_kernel(ei1)
    dpr = dp.reshape(NC, ACC_ROWS, 1)
    h1p = _mm1(x, W1, dpr)
    p = _agg128(h1p, ei1)
    h2p = _mm2(p, dpr, b1.reshape(1, 128), W2)
    q = _agg64(h2p, ei2)
    return _fin(q, dpr, b2.reshape(1, 64))

# --- scband reference (transcript-rebuilt; emitter-appended) ---
"""Pipeline reference for scband-encoder-23639499997815 (READ-ONLY COPY).

The authoritative reference and input builder live on the scoring server;
editing this copy changes nothing except your own understanding.
"""

import jax, jax.numpy as jnp
import numpy as np

N_NODES = 10000
IN_DIM = 128
HID_DIM = 128  # 2 * output_dim
OUT_DIM = 64
N_EDGES = 320000


def setup_inputs(seed: int = 0) -> dict:
    key = jax.random.key(seed)
    k1, k2, k3, k4 = jax.random.split(key, 4)
    x = jax.random.normal(k1, (N_NODES, IN_DIM), dtype=jnp.float32)
    edge_index = jax.random.randint(k2, (2, N_EDGES), 0, N_NODES, dtype=jnp.int64)
    # GCNConv layer 1: input_dim -> 2*output_dim
    W1 = jax.random.normal(k3, (IN_DIM, HID_DIM), dtype=jnp.float32) * (1.0 / np.sqrt(IN_DIM))
    b1 = jnp.zeros((HID_DIM,), dtype=jnp.float32)
    # GCNConv layer 2: 2*output_dim -> output_dim
    W2 = jax.random.normal(k4, (HID_DIM, OUT_DIM), dtype=jnp.float32) * (1.0 / np.sqrt(HID_DIM))
    b2 = jnp.zeros((OUT_DIM,), dtype=jnp.float32)
    return {"x": x, "edge_index": edge_index, "W1": W1, "b1": b1, "W2": W2, "b2": b2}


def _gcn_conv(x, src, dst, norm, W, b, n_nodes):
    h = x @ W
    msg = h[src] * norm[:, None]
    out = jnp.zeros((n_nodes, W.shape[1]), dtype=h.dtype).at[dst].add(msg)
    return out + b


def reference(x, edge_index, W1, b1, W2, b2):
    n_nodes = x.shape[0]
    src = edge_index[0]
    dst = edge_index[1]
    # add self loops (PyG GCNConv default)
    loop = jnp.arange(n_nodes, dtype=src.dtype)
    src = jnp.concatenate([src, loop])
    dst = jnp.concatenate([dst, loop])
    # symmetric normalization D^-1/2 A D^-1/2 (shared/cached across layers)
    deg = jnp.zeros((n_nodes,), dtype=jnp.float32).at[dst].add(1.0)
    deg_inv_sqrt = jnp.where(deg > 0, deg ** -0.5, 0.0)
    norm = deg_inv_sqrt[src] * deg_inv_sqrt[dst]
    h = _gcn_conv(x, src, dst, norm, W1, b1, n_nodes)
    h = jax.nn.relu(h)
    out = _gcn_conv(h, src, dst, norm, W2, b2, n_nodes)
    return out

if __name__ == "__main__":
    import jax
    _d = setup_inputs()
    print(jax.jit(kernel)(*tuple(_d.values())))

</pallas_src>

<mosaic_0001>
#map = affine_map<(d0, d1) -> (0, 0)>
#map1 = affine_map<(d0, d1) -> (0, 0, 0, 0)>
#map2 = affine_map<(d0, d1) -> (0, 0, 0)>
module attributes {stable_mosaic.version = 14 : i64} {
  func.func @agg(%arg0: i32, %arg1: i32, %arg2: memref<10240x64xf32, #tpu.memory_space<hbm>>, %arg3: memref<2x32x250x40xi32, #tpu.memory_space<hbm>>, %arg4: memref<2x10240x64xf32, #tpu.memory_space<hbm>>, %arg5: memref<250x40xi32, #tpu.memory_space<vmem>>, %arg6: memref<250x40xi32, #tpu.memory_space<vmem>>, %arg7: memref<40x64xf32, #tpu.memory_space<vmem>>, %arg8: memref<40x64xf32, #tpu.memory_space<vmem>>, %arg9: memref<40x64xf32, #tpu.memory_space<vmem>>, %arg10: memref<40x64xf32, #tpu.memory_space<vmem>>, %arg11: memref<40x64xf32, #tpu.memory_space<vmem>>, %arg12: memref<40x64xf32, #tpu.memory_space<vmem>>, %arg13: memref<40x64xf32, #tpu.memory_space<vmem>>, %arg14: memref<40x64xf32, #tpu.memory_space<vmem>>, %arg15: memref<40x64xf32, #tpu.memory_space<vmem>>, %arg16: memref<40x64xf32, #tpu.memory_space<vmem>>, %arg17: memref<10240x64xf32, #tpu.memory_space<vmem_shared>>, %arg18: memref<!tpu.dma_semaphore, #tpu.memory_space<semaphore_mem>>) attributes {dimension_semantics = [#tpu.dimension_semantics<core_parallel>, #tpu.dimension_semantics<subcore_parallel>], iteration_bounds = array<i64: 2, 16>, scalar_prefetch = 0 : i64, scratch_operands = 14 : i64, tpu.core_type = #tpu.core_type<sc_vector_subcore>, window_params = [{transform_indices = #map}, {transform_indices = #map1}, {transform_indices = #map2}]} {
    %mul3A = arith.constant 2 : i32
    %mul3A_0 = arith.muli %arg1, %mul3A : i32
    %add3A = arith.addi %mul3A_0, %arg0 : i32
    %run_scoped3A = arith.constant 0 : i32
    "tpu.region"() ({
      %run_scoped3A_94 = tpu.sem_alloc : memref<!tpu.dma_semaphore, #tpu.memory_space<semaphore_mem>>
      %dma_start3A_95 = arith.constant 0 : i32
      %dma_start3A_96 = arith.constant 0 : i32
      %dma_start3A_97 = tpu.memref_slice %arg3[%run_scoped3A, %add3A, %dma_start3A_95, %dma_start3A_96] : memref<2x32x250x40xi32, #tpu.memory_space<hbm>> -> memref<1x1x250x40xi32, #tpu.memory_space<hbm>>
      %dma_start3A_98 = tpu.memref_squeeze %dma_start3A_97 : memref<1x1x250x40xi32, #tpu.memory_space<hbm>> -> memref<250x40xi32, #tpu.memory_space<hbm>>
      %dma_start3A_99 = arith.constant 0 : i32
      %dma_start3A_100 = arith.constant 0 : i32
      %dma_start3A_101 = tpu.memref_slice %arg3[%run_scoped3A, %add3A, %dma_start3A_99, %dma_start3A_100] : memref<2x32x250x40xi32, #tpu.memory_space<hbm>> -> memref<1x1x250x40xi32, #tpu.memory_space<hbm>>
      %dma_start3A_102 = tpu.memref_squeeze %dma_start3A_101 : memref<1x1x250x40xi32, #tpu.memory_space<hbm>> -> memref<250x40xi32, #tpu.memory_space<hbm>>
      tpu.enqueue_dma source(%dma_start3A_102 : memref<250x40xi32, #tpu.memory_space<hbm>>) target(%arg5 : memref<250x40xi32, #tpu.memory_space<vmem>>) target_semaphore(%run_scoped3A_94 : memref<!tpu.dma_semaphore, #tpu.memory_space<semaphore_mem>>)
      %dma_wait3A = arith.constant 0 : i32
      %dma_wait3A_103 = arith.constant 0 : i32
      %dma_wait3A_104 = tpu.memref_slice %arg3[%run_scoped3A, %add3A, %dma_wait3A, %dma_wait3A_103] : memref<2x32x250x40xi32, #tpu.memory_space<hbm>> -> memref<1x1x250x40xi32, #tpu.memory_space<hbm>>
      %dma_wait3A_105 = tpu.memref_squeeze %dma_wait3A_104 : memref<1x1x250x40xi32, #tpu.memory_space<hbm>> -> memref<250x40xi32, #tpu.memory_space<hbm>>
      %dma_wait3A_106 = arith.constant 0 : i32
      %dma_wait3A_107 = arith.constant 0 : i32
      %dma_wait3A_108 = tpu.memref_slice %arg3[%run_scoped3A, %add3A, %dma_wait3A_106, %dma_wait3A_107] : memref<2x32x250x40xi32, #tpu.memory_space<hbm>> -> memref<1x1x250x40xi32, #tpu.memory_space<hbm>>
      %dma_wait3A_109 = tpu.memref_squeeze %dma_wait3A_108 : memref<1x1x250x40xi32, #tpu.memory_space<hbm>> -> memref<250x40xi32, #tpu.memory_space<hbm>>
      tpu.wait_dma2 semaphore(%run_scoped3A_94 : memref<!tpu.dma_semaphore, #tpu.memory_space<semaphore_mem>>) src(%dma_wait3A_109 : memref<250x40xi32, #tpu.memory_space<hbm>>) dst(%arg5 : memref<250x40xi32, #tpu.memory_space<vmem>>)
      tpu.yield
    }) : () -> ()
    %run_scoped3A_1 = arith.constant 1 : i32
    "tpu.region"() ({
      %run_scoped3A_94 = tpu.sem_alloc : memref<!tpu.dma_semaphore, #tpu.memory_space<semaphore_mem>>
      %dma_start3A_95 = arith.constant 0 : i32
      %dma_start3A_96 = arith.constant 0 : i32
      %dma_start3A_97 = tpu.memref_slice %arg3[%run_scoped3A_1, %add3A, %dma_start3A_95, %dma_start3A_96] : memref<2x32x250x40xi32, #tpu.memory_space<hbm>> -> memref<1x1x250x40xi32, #tpu.memory_space<hbm>>
      %dma_start3A_98 = tpu.memref_squeeze %dma_start3A_97 : memref<1x1x250x40xi32, #tpu.memory_space<hbm>> -> memref<250x40xi32, #tpu.memory_space<hbm>>
      %dma_start3A_99 = arith.constant 0 : i32
      %dma_start3A_100 = arith.constant 0 : i32
      %dma_start3A_101 = tpu.memref_slice %arg3[%run_scoped3A_1, %add3A, %dma_start3A_99, %dma_start3A_100] : memref<2x32x250x40xi32, #tpu.memory_space<hbm>> -> memref<1x1x250x40xi32, #tpu.memory_space<hbm>>
      %dma_start3A_102 = tpu.memref_squeeze %dma_start3A_101 : memref<1x1x250x40xi32, #tpu.memory_space<hbm>> -> memref<250x40xi32, #tpu.memory_space<hbm>>
      tpu.enqueue_dma source(%dma_start3A_102 : memref<250x40xi32, #tpu.memory_space<hbm>>) target(%arg6 : memref<250x40xi32, #tpu.memory_space<vmem>>) target_semaphore(%run_scoped3A_94 : memref<!tpu.dma_semaphore, #tpu.memory_space<semaphore_mem>>)
      %dma_wait3A = arith.constant 0 : i32
      %dma_wait3A_103 = arith.constant 0 : i32
      %dma_wait3A_104 = tpu.memref_slice %arg3[%run_scoped3A_1, %add3A, %dma_wait3A, %dma_wait3A_103] : memref<2x32x250x40xi32, #tpu.memory_space<hbm>> -> memref<1x1x250x40xi32, #tpu.memory_space<hbm>>
      %dma_wait3A_105 = tpu.memref_squeeze %dma_wait3A_104 : memref<1x1x250x40xi32, #tpu.memory_space<hbm>> -> memref<250x40xi32, #tpu.memory_space<hbm>>
      %dma_wait3A_106 = arith.constant 0 : i32
      %dma_wait3A_107 = arith.constant 0 : i32
      %dma_wait3A_108 = tpu.memref_slice %arg3[%run_scoped3A_1, %add3A, %dma_wait3A_106, %dma_wait3A_107] : memref<2x32x250x40xi32, #tpu.memory_space<hbm>> -> memref<1x1x250x40xi32, #tpu.memory_space<hbm>>
      %dma_wait3A_109 = tpu.memref_squeeze %dma_wait3A_108 : memref<1x1x250x40xi32, #tpu.memory_space<hbm>> -> memref<250x40xi32, #tpu.memory_space<hbm>>
      tpu.wait_dma2 semaphore(%run_scoped3A_94 : memref<!tpu.dma_semaphore, #tpu.memory_space<semaphore_mem>>) src(%dma_wait3A_109 : memref<250x40xi32, #tpu.memory_space<hbm>>) dst(%arg6 : memref<250x40xi32, #tpu.memory_space<vmem>>)
      tpu.yield
    }) : () -> ()
    %scan3A = arith.constant 0 : i32
    %scan3A_2 = arith.constant 0 : i32
    %scan3A_3 = arith.constant 40 : i32
    %scan3A_4 = arith.addi %scan3A_2, %scan3A_3 : i32
    %scan3A_5 = arith.constant 1 : i32
    scf.for %scan3A_94 = %scan3A_2 to %scan3A_4 step %scan3A_5  : i32 {
      %broadcast_in_dim3A = arith.constant 0.000000e+00 : f32
      %broadcast_in_dim3A_95 = vector.broadcast %broadcast_in_dim3A : f32 to vector<16xf32>
      %swap3A = arith.index_cast %scan3A_94 : i32 to index
      %swap3A_96 = arith.constant 0 : index
      %swap3A_97 = tpu.vector_load %arg7[%swap3A, %swap3A_96] {strides = array<i32>} : memref<40x64xf32, #tpu.memory_space<vmem>>, vector<1x16xf32>,
      %swap3A_98 = vector.shape_cast %swap3A_97 : vector<1x16xf32> to vector<16xf32>
      %swap3A_99 = vector.shape_cast %broadcast_in_dim3A_95 : vector<16xf32> to vector<1x16xf32>
      tpu.vector_store %arg7[%swap3A, %swap3A_96], %swap3A_99 {strides = array<i32>} : memref<40x64xf32, #tpu.memory_space<vmem>>, vector<1x16xf32>,
      %broadcast_in_dim3A_100 = arith.constant 0.000000e+00 : f32
      %broadcast_in_dim3A_101 = vector.broadcast %broadcast_in_dim3A_100 : f32 to vector<16xf32>
      %swap3A_102 = arith.index_cast %scan3A_94 : i32 to index
      %swap3A_103 = arith.constant 16 : index
      %swap3A_104 = tpu.vector_load %arg7[%swap3A_102, %swap3A_103] {strides = array<i32>} : memref<40x64xf32, #tpu.memory_space<vmem>>, vector<1x16xf32>,
      %swap3A_105 = vector.shape_cast %swap3A_104 : vector<1x16xf32> to vector<16xf32>
      %swap3A_106 = vector.shape_cast %broadcast_in_dim3A_101 : vector<16xf32> to vector<1x16xf32>
      tpu.vector_store %arg7[%swap3A_102, %swap3A_103], %swap3A_106 {strides = array<i32>} : memref<40x64xf32, #tpu.memory_space<vmem>>, vector<1x16xf32>,
      %broadcast_in_dim3A_107 = arith.constant 0.000000e+00 : f32
      %broadcast_in_dim3A_108 = vector.broadcast %broadcast_in_dim3A_107 : f32 to vector<16xf32>
      %swap3A_109 = arith.index_cast %scan3A_94 : i32 to index
      %swap3A_110 = arith.constant 32 : index
      %swap3A_111 = tpu.vector_load %arg7[%swap3A_109, %swap3A_110] {strides = array<i32>} : memref<40x64xf32, #tpu.memory_space<vmem>>, vector<1x16xf32>,
      %swap3A_112 = vector.shape_cast %swap3A_111 : vector<1x16xf32> to vector<16xf32>
      %swap3A_113 = vector.shape_cast %broadcast_in_dim3A_108 : vector<16xf32> to vector<1x16xf32>
      tpu.vector_store %arg7[%swap3A_109, %swap3A_110], %swap3A_113 {strides = array<i32>} : memref<40x64xf32, #tpu.memory_space<vmem>>, vector<1x16xf32>,
      %broadcast_in_dim3A_114 = arith.constant 0.000000e+00 : f32
      %broadcast_in_dim3A_115 = vector.broadcast %broadcast_in_dim3A_114 : f32 to vector<16xf32>
      %swap3A_116 = arith.index_cast %scan3A_94 : i32 to index
      %swap3A_117 = arith.constant 48 : index
      %swap3A_118 = tpu.vector_load %arg7[%swap3A_116, %swap3A_117] {strides = array<i32>} : memref<40x64xf32, #tpu.memory_space<vmem>>, vector<1x16xf32>,
      %swap3A_119 = vector.shape_cast %swap3A_118 : vector<1x16xf32> to vector<16xf32>
      %swap3A_120 = vector.shape_cast %broadcast_in_dim3A_115 : vector<16xf32> to vector<1x16xf32>
      tpu.vector_store %arg7[%swap3A_116, %swap3A_117], %swap3A_120 {strides = array<i32>} : memref<40x64xf32, #tpu.memory_space<vmem>>, vector<1x16xf32>,
    }
    %scan3A_6 = arith.constant 40 : i32
    %eq3A = arith.constant 0 : i32
    %eq3A_7 = arith.cmpi eq, %arg0, %eq3A : i32
    %convert_element_type3A = arith.extui %eq3A_7 : i1 to i32
    %cond3A = arith.constant 0 : i32
    %cond3A_8 = arith.cmpi ne, %convert_element_type3A, %cond3A : i32
    scf.if %cond3A_8 {
      %lt3A = arith.constant 15 : i32
      %lt3A_94 = arith.cmpi slt, %arg1, %lt3A : i32
      %convert_element_type3A_95 = arith.extui %lt3A_94 : i1 to i32
      %cond3A_96 = arith.constant 0 : i32
      %cond3A_97 = arith.cmpi ne, %convert_element_type3A_95, %cond3A_96 : i32
      scf.if %cond3A_97 {
        %mul3A_103 = arith.constant 640 : i32
        %mul3A_104 = arith.muli %arg1, %mul3A_103 : i32
        %mul3A_105 = arith.constant 640 : i32
        %mul3A_106 = arith.muli %arg1, %mul3A_105 : i32
        "tpu.region"() ({
          %run_scoped3A_107 = tpu.sem_alloc : memref<!tpu.dma_semaphore, #tpu.memory_space<semaphore_mem>>
          %dma_start3A_108 = arith.constant 0 : i32
          %dma_start3A_109 = tpu.memref_slice %arg17[%mul3A_106, %dma_start3A_108] : memref<10240x64xf32, #tpu.memory_space<vmem_shared>> -> memref<640x64xf32, #tpu.memory_space<vmem_shared>>
          %dma_start3A_110 = arith.constant 0 : i32
          %dma_start3A_111 = tpu.memref_slice %arg2[%mul3A_104, %dma_start3A_110] : memref<10240x64xf32, #tpu.memory_space<hbm>> -> memref<640x64xf32, #tpu.memory_space<hbm>>
          tpu.enqueue_dma source(%dma_start3A_111 : memref<640x64xf32, #tpu.memory_space<hbm>>) target(%dma_start3A_109 : memref<640x64xf32, #tpu.memory_space<vmem_shared>>) target_semaphore(%run_scoped3A_107 : memref<!tpu.dma_semaphore, #tpu.memory_space<semaphore_mem>>)
          %dma_wait3A = arith.constant 0 : i32
          %dma_wait3A_112 = tpu.memref_slice %arg17[%mul3A_106, %dma_wait3A] : memref<10240x64xf32, #tpu.memory_space<vmem_shared>> -> memref<640x64xf32, #tpu.memory_space<vmem_shared>>
          %dma_wait3A_113 = arith.constant 0 : i32
          %dma_wait3A_114 = tpu.memref_slice %arg2[%mul3A_104, %dma_wait3A_113] : memref<10240x64xf32, #tpu.memory_space<hbm>> -> memref<640x64xf32, #tpu.memory_space<hbm>>
          tpu.wait_dma2 semaphore(%run_scoped3A_107 : memref<!tpu.dma_semaphore, #tpu.memory_space<semaphore_mem>>) src(%dma_wait3A_114 : memref<640x64xf32, #tpu.memory_space<hbm>>) dst(%dma_wait3A_112 : memref<640x64xf32, #tpu.memory_space<vmem_shared>>)
          tpu.yield
        }) : () -> ()
      } else {
      }
      %eq3A_98 = arith.constant 15 : i32
      %eq3A_99 = arith.cmpi eq, %arg1, %eq3A_98 : i32
      %convert_element_type3A_100 = arith.extui %eq3A_99 : i1 to i32
      %cond3A_101 = arith.constant 0 : i32
      %cond3A_102 = arith.cmpi ne, %convert_element_type3A_100, %cond3A_101 : i32
      scf.if %cond3A_102 {
        "tpu.region"() ({
          %run_scoped3A_109 = tpu.sem_alloc : memref<!tpu.dma_semaphore, #tpu.memory_space<semaphore_mem>>
          %dma_start3A_110 = arith.constant 9600 : i32
          %dma_start3A_111 = arith.constant 0 : i32
          %dma_start3A_112 = tpu.memref_slice %arg17[%dma_start3A_110, %dma_start3A_111] : memref<10240x64xf32, #tpu.memory_space<vmem_shared>> -> memref<400x64xf32, #tpu.memory_space<vmem_shared>>
          %dma_start3A_113 = arith.constant 9600 : i32
          %dma_start3A_114 = arith.constant 0 : i32
          %dma_start3A_115 = tpu.memref_slice %arg2[%dma_start3A_113, %dma_start3A_114] : memref<10240x64xf32, #tpu.memory_space<hbm>> -> memref<400x64xf32, #tpu.memory_space<hbm>>
          tpu.enqueue_dma source(%dma_start3A_115 : memref<400x64xf32, #tpu.memory_space<hbm>>) target(%dma_start3A_112 : memref<400x64xf32, #tpu.memory_space<vmem_shared>>) target_semaphore(%run_scoped3A_109 : memref<!tpu.dma_semaphore, #tpu.memory_space<semaphore_mem>>)
          %dma_wait3A = arith.constant 9600 : i32
          %dma_wait3A_116 = arith.constant 0 : i32
          %dma_wait3A_117 = tpu.memref_slice %arg17[%dma_wait3A, %dma_wait3A_116] : memref<10240x64xf32, #tpu.memory_space<vmem_shared>> -> memref<400x64xf32, #tpu.memory_space<vmem_shared>>
          %dma_wait3A_118 = arith.constant 9600 : i32
          %dma_wait3A_119 = arith.constant 0 : i32
          %dma_wait3A_120 = tpu.memref_slice %arg2[%dma_wait3A_118, %dma_wait3A_119] : memref<10240x64xf32, #tpu.memory_space<hbm>> -> memref<400x64xf32, #tpu.memory_space<hbm>>
          tpu.wait_dma2 semaphore(%run_scoped3A_109 : memref<!tpu.dma_semaphore, #tpu.memory_space<semaphore_mem>>) src(%dma_wait3A_120 : memref<400x64xf32, #tpu.memory_space<hbm>>) dst(%dma_wait3A_117 : memref<400x64xf32, #tpu.memory_space<vmem_shared>>)
          tpu.yield
        }) : () -> ()
        %scan3A_103 = arith.constant 0 : i32
        %scan3A_104 = arith.constant 0 : i32
        %scan3A_105 = arith.constant 6 : i32
        %scan3A_106 = arith.addi %scan3A_104, %scan3A_105 : i32
        %scan3A_107 = arith.constant 1 : i32
        scf.for %scan3A_109 = %scan3A_104 to %scan3A_106 step %scan3A_107  : i32 {
          %mul3A_110 = arith.constant 40 : i32
          %mul3A_111 = arith.muli %scan3A_109, %mul3A_110 : i32
          %add3A_112 = arith.constant 10000 : i32
          %add3A_113 = arith.addi %add3A_112, %mul3A_111 : i32
          "tpu.region"() ({
            %run_scoped3A_114 = tpu.sem_alloc : memref<!tpu.dma_semaphore, #tpu.memory_space<semaphore_mem>>
            %dma_start3A_115 = arith.constant 0 : i32
            %dma_start3A_116 = tpu.memref_slice %arg17[%add3A_113, %dma_start3A_115] : memref<10240x64xf32, #tpu.memory_space<vmem_shared>> -> memref<40x64xf32, #tpu.memory_space<vmem_shared>>
            %dma_start3A_117 = arith.constant 0 : i32
            %dma_start3A_118 = tpu.memref_slice %arg17[%add3A_113, %dma_start3A_117] : memref<10240x64xf32, #tpu.memory_space<vmem_shared>> -> memref<40x64xf32, #tpu.memory_space<vmem_shared>>
            tpu.enqueue_dma source(%arg7 : memref<40x64xf32, #tpu.memory_space<vmem>>) target(%dma_start3A_118 : memref<40x64xf32, #tpu.memory_space<vmem_shared>>) target_semaphore(%run_scoped3A_114 : memref<!tpu.dma_semaphore, #tpu.memory_space<semaphore_mem>>)
            %dma_wait3A = arith.constant 0 : i32
            %dma_wait3A_119 = tpu.memref_slice %arg17[%add3A_113, %dma_wait3A] : memref<10240x64xf32, #tpu.memory_space<vmem_shared>> -> memref<40x64xf32, #tpu.memory_space<vmem_shared>>
            %dma_wait3A_120 = arith.constant 0 : i32
            %dma_wait3A_121 = tpu.memref_slice %arg17[%add3A_113, %dma_wait3A_120] : memref<10240x64xf32, #tpu.memory_space<vmem_shared>> -> memref<40x64xf32, #tpu.memory_space<vmem_shared>>
            tpu.wait_dma2 semaphore(%run_scoped3A_114 : memref<!tpu.dma_semaphore, #tpu.memory_space<semaphore_mem>>) src(%arg7 : memref<40x64xf32, #tpu.memory_space<vmem>>) dst(%dma_wait3A_121 : memref<40x64xf32, #tpu.memory_space<vmem_shared>>)
            tpu.yield
          }) : () -> ()
        }
        %scan3A_108 = arith.constant 6 : i32
      } else {
      }
    } else {
    }
    %eq3A_9 = arith.constant 1 : i32
    %eq3A_10 = arith.cmpi eq, %arg0, %eq3A_9 : i32
    %convert_element_type3A_11 = arith.extui %eq3A_10 : i1 to i32
    %cond3A_12 = arith.constant 0 : i32
    %cond3A_13 = arith.cmpi ne, %convert_element_type3A_11, %cond3A_12 : i32
    scf.if %cond3A_13 {
      %scan3A_94 = arith.constant 0 : i32
      %scan3A_95 = arith.constant 0 : i32
      %scan3A_96 = arith.constant 16 : i32
      %scan3A_97 = arith.addi %scan3A_95, %scan3A_96 : i32
      %scan3A_98 = arith.constant 1 : i32
      scf.for %scan3A_100 = %scan3A_95 to %scan3A_97 step %scan3A_98  : i32 {
        %mul3A_101 = arith.constant 640 : i32
        %mul3A_102 = arith.muli %arg1, %mul3A_101 : i32
        %mul3A_103 = arith.constant 40 : i32
        %mul3A_104 = arith.muli %scan3A_100, %mul3A_103 : i32
        %add3A_105 = arith.addi %mul3A_102, %mul3A_104 : i32
        "tpu.region"() ({
          %run_scoped3A_106 = tpu.sem_alloc : memref<!tpu.dma_semaphore, #tpu.memory_space<semaphore_mem>>
          %dma_start3A_107 = arith.constant 0 : i32
          %dma_start3A_108 = tpu.memref_slice %arg17[%add3A_105, %dma_start3A_107] : memref<10240x64xf32, #tpu.memory_space<vmem_shared>> -> memref<40x64xf32, #tpu.memory_space<vmem_shared>>
          %dma_start3A_109 = arith.constant 0 : i32
          %dma_start3A_110 = tpu.memref_slice %arg17[%add3A_105, %dma_start3A_109] : memref<10240x64xf32, #tpu.memory_space<vmem_shared>> -> memref<40x64xf32, #tpu.memory_space<vmem_shared>>
          tpu.enqueue_dma source(%arg7 : memref<40x64xf32, #tpu.memory_space<vmem>>) target(%dma_start3A_110 : memref<40x64xf32, #tpu.memory_space<vmem_shared>>) target_semaphore(%run_scoped3A_106 : memref<!tpu.dma_semaphore, #tpu.memory_space<semaphore_mem>>)
          %dma_wait3A = arith.constant 0 : i32
          %dma_wait3A_111 = tpu.memref_slice %arg17[%add3A_105, %dma_wait3A] : memref<10240x64xf32, #tpu.memory_space<vmem_shared>> -> memref<40x64xf32, #tpu.memory_space<vmem_shared>>
          %dma_wait3A_112 = arith.constant 0 : i32
          %dma_wait3A_113 = tpu.memref_slice %arg17[%add3A_105, %dma_wait3A_112] : memref<10240x64xf32, #tpu.memory_space<vmem_shared>> -> memref<40x64xf32, #tpu.memory_space<vmem_shared>>
          tpu.wait_dma2 semaphore(%run_scoped3A_106 : memref<!tpu.dma_semaphore, #tpu.memory_space<semaphore_mem>>) src(%arg7 : memref<40x64xf32, #tpu.memory_space<vmem>>) dst(%dma_wait3A_113 : memref<40x64xf32, #tpu.memory_space<vmem_shared>>)
          tpu.yield
        }) : () -> ()
      }
      %scan3A_99 = arith.constant 16 : i32
    } else {
    }
    %dma_start3A = arith.constant 0 : i32
    %dma_start3A_14 = arith.constant 0 : i32
    %dma_start3A_15 = tpu.memref_slice %arg5[%dma_start3A, %dma_start3A_14] : memref<250x40xi32, #tpu.memory_space<vmem>> -> memref<1x40xi32, #tpu.memory_space<vmem>>
    %dma_start3A_16 = tpu.memref_squeeze %dma_start3A_15 : memref<1x40xi32, #tpu.memory_space<vmem>> -> memref<40xi32, #tpu.memory_space<vmem>>
    %dma_start3A_17 = arith.constant 0 : i32
    %dma_start3A_18 = arith.constant 0 : i32
    %dma_start3A_19 = tpu.memref_slice %arg2[%dma_start3A_17, %dma_start3A_18] : memref<10240x64xf32, #tpu.memory_space<hbm>> -> memref<10240x64xf32, #tpu.memory_space<hbm>>
    tpu.enqueue_indirect_dma source(%dma_start3A_19 : memref<10240x64xf32, #tpu.memory_space<hbm>>) target(%arg7 : memref<40x64xf32, #tpu.memory_space<vmem>>) offsets(%dma_start3A_16 : memref<40xi32, #tpu.memory_space<vmem>>) semaphore(%arg18 : memref<!tpu.dma_semaphore, #tpu.memory_space<semaphore_mem>>)
    %dma_start3A_20 = arith.constant 1 : i32
    %dma_start3A_21 = arith.constant 0 : i32
    %dma_start3A_22 = tpu.memref_slice %arg5[%dma_start3A_20, %dma_start3A_21] : memref<250x40xi32, #tpu.memory_space<vmem>> -> memref<1x40xi32, #tpu.memory_space<vmem>>
    %dma_start3A_23 = tpu.memref_squeeze %dma_start3A_22 : memref<1x40xi32, #tpu.memory_space<vmem>> -> memref<40xi32, #tpu.memory_space<vmem>>
    %dma_start3A_24 = arith.constant 0 : i32
    %dma_start3A_25 = arith.constant 0 : i32
    %dma_start3A_26 = tpu.memref_slice %arg2[%dma_start3A_24, %dma_start3A_25] : memref<10240x64xf32, #tpu.memory_space<hbm>> -> memref<10240x64xf32, #tpu.memory_space<hbm>>
    tpu.enqueue_indirect_dma source(%dma_start3A_26 : memref<10240x64xf32, #tpu.memory_space<hbm>>) target(%arg8 : memref<40x64xf32, #tpu.memory_space<vmem>>) offsets(%dma_start3A_23 : memref<40xi32, #tpu.memory_space<vmem>>) semaphore(%arg18 : memref<!tpu.dma_semaphore, #tpu.memory_space<semaphore_mem>>)
    %dma_start3A_27 = arith.constant 2 : i32
    %dma_start3A_28 = arith.constant 0 : i32
    %dma_start3A_29 = tpu.memref_slice %arg5[%dma_start3A_27, %dma_start3A_28] : memref<250x40xi32, #tpu.memory_space<vmem>> -> memref<1x40xi32, #tpu.memory_space<vmem>>
    %dma_start3A_30 = tpu.memref_squeeze %dma_start3A_29 : memref<1x40xi32, #tpu.memory_space<vmem>> -> memref<40xi32, #tpu.memory_space<vmem>>
    %dma_start3A_31 = arith.constant 0 : i32
    %dma_start3A_32 = arith.constant 0 : i32
    %dma_start3A_33 = tpu.memref_slice %arg2[%dma_start3A_31, %dma_start3A_32] : memref<10240x64xf32, #tpu.memory_space<hbm>> -> memref<10240x64xf32, #tpu.memory_space<hbm>>
    tpu.enqueue_indirect_dma source(%dma_start3A_33 : memref<10240x64xf32, #tpu.memory_space<hbm>>) target(%arg9 : memref<40x64xf32, #tpu.memory_space<vmem>>) offsets(%dma_start3A_30 : memref<40xi32, #tpu.memory_space<vmem>>) semaphore(%arg18 : memref<!tpu.dma_semaphore, #tpu.memory_space<semaphore_mem>>)
    %dma_start3A_34 = arith.constant 3 : i32
    %dma_start3A_35 = arith.constant 0 : i32
    %dma_start3A_36 = tpu.memref_slice %arg5[%dma_start3A_34, %dma_start3A_35] : memref<250x40xi32, #tpu.memory_space<vmem>> -> memref<1x40xi32, #tpu.memory_space<vmem>>
    %dma_start3A_37 = tpu.memref_squeeze %dma_start3A_36 : memref<1x40xi32, #tpu.memory_space<vmem>> -> memref<40xi32, #tpu.memory_space<vmem>>
    %dma_start3A_38 = arith.constant 0 : i32
    %dma_start3A_39 = arith.constant 0 : i32
    %dma_start3A_40 = tpu.memref_slice %arg2[%dma_start3A_38, %dma_start3A_39] : memref<10240x64xf32, #tpu.memory_space<hbm>> -> memref<10240x64xf32, #tpu.memory_space<hbm>>
    tpu.enqueue_indirect_dma source(%dma_start3A_40 : memref<10240x64xf32, #tpu.memory_space<hbm>>) target(%arg10 : memref<40x64xf32, #tpu.memory_space<vmem>>) offsets(%dma_start3A_37 : memref<40xi32, #tpu.memory_space<vmem>>) semaphore(%arg18 : memref<!tpu.dma_semaphore, #tpu.memory_space<semaphore_mem>>)
    %dma_start3A_41 = arith.constant 4 : i32
    %dma_start3A_42 = arith.constant 0 : i32
    %dma_start3A_43 = tpu.memref_slice %arg5[%dma_start3A_41, %dma_start3A_42] : memref<250x40xi32, #tpu.memory_space<vmem>> -> memref<1x40xi32, #tpu.memory_space<vmem>>
    %dma_start3A_44 = tpu.memref_squeeze %dma_start3A_43 : memref<1x40xi32, #tpu.memory_space<vmem>> -> memref<40xi32, #tpu.memory_space<vmem>>
    %dma_start3A_45 = arith.constant 0 : i32
    %dma_start3A_46 = arith.constant 0 : i32
    %dma_start3A_47 = tpu.memref_slice %arg2[%dma_start3A_45, %dma_start3A_46] : memref<10240x64xf32, #tpu.memory_space<hbm>> -> memref<10240x64xf32, #tpu.memory_space<hbm>>
    tpu.enqueue_indirect_dma source(%dma_start3A_47 : memref<10240x64xf32, #tpu.memory_space<hbm>>) target(%arg11 : memref<40x64xf32, #tpu.memory_space<vmem>>) offsets(%dma_start3A_44 : memref<40xi32, #tpu.memory_space<vmem>>) semaphore(%arg18 : memref<!tpu.dma_semaphore, #tpu.memory_space<semaphore_mem>>)
    %dma_start3A_48 = arith.constant 5 : i32
    %dma_start3A_49 = arith.constant 0 : i32
    %dma_start3A_50 = tpu.memref_slice %arg5[%dma_start3A_48, %dma_start3A_49] : memref<250x40xi32, #tpu.memory_space<vmem>> -> memref<1x40xi32, #tpu.memory_space<vmem>>
    %dma_start3A_51 = tpu.memref_squeeze %dma_start3A_50 : memref<1x40xi32, #tpu.memory_space<vmem>> -> memref<40xi32, #tpu.memory_space<vmem>>
    %dma_start3A_52 = arith.constant 0 : i32
    %dma_start3A_53 = arith.constant 0 : i32
    %dma_start3A_54 = tpu.memref_slice %arg2[%dma_start3A_52, %dma_start3A_53] : memref<10240x64xf32, #tpu.memory_space<hbm>> -> memref<10240x64xf32, #tpu.memory_space<hbm>>
    tpu.enqueue_indirect_dma source(%dma_start3A_54 : memref<10240x64xf32, #tpu.memory_space<hbm>>) target(%arg12 : memref<40x64xf32, #tpu.memory_space<vmem>>) offsets(%dma_start3A_51 : memref<40xi32, #tpu.memory_space<vmem>>) semaphore(%arg18 : memref<!tpu.dma_semaphore, #tpu.memory_space<semaphore_mem>>)
    %dma_start3A_55 = arith.constant 6 : i32
    %dma_start3A_56 = arith.constant 0 : i32
    %dma_start3A_57 = tpu.memref_slice %arg5[%dma_start3A_55, %dma_start3A_56] : memref<250x40xi32, #tpu.memory_space<vmem>> -> memref<1x40xi32, #tpu.memory_space<vmem>>
    %dma_start3A_58 = tpu.memref_squeeze %dma_start3A_57 : memref<1x40xi32, #tpu.memory_space<vmem>> -> memref<40xi32, #tpu.memory_space<vmem>>
    %dma_start3A_59 = arith.constant 0 : i32
    %dma_start3A_60 = arith.constant 0 : i32
    %dma_start3A_61 = tpu.memref_slice %arg2[%dma_start3A_59, %dma_start3A_60] : memref<10240x64xf32, #tpu.memory_space<hbm>> -> memref<10240x64xf32, #tpu.memory_space<hbm>>
    tpu.enqueue_indirect_dma source(%dma_start3A_61 : memref<10240x64xf32, #tpu.memory_space<hbm>>) target(%arg13 : memref<40x64xf32, #tpu.memory_space<vmem>>) offsets(%dma_start3A_58 : memref<40xi32, #tpu.memory_space<vmem>>) semaphore(%arg18 : memref<!tpu.dma_semaphore, #tpu.memory_space<semaphore_mem>>)
    %dma_start3A_62 = arith.constant 7 : i32
    %dma_start3A_63 = arith.constant 0 : i32
    %dma_start3A_64 = tpu.memref_slice %arg5[%dma_start3A_62, %dma_start3A_63] : memref<250x40xi32, #tpu.memory_space<vmem>> -> memref<1x40xi32, #tpu.memory_space<vmem>>
    %dma_start3A_65 = tpu.memref_squeeze %dma_start3A_64 : memref<1x40xi32, #tpu.memory_space<vmem>> -> memref<40xi32, #tpu.memory_space<vmem>>
    %dma_start3A_66 = arith.constant 0 : i32
    %dma_start3A_67 = arith.constant 0 : i32
    %dma_start3A_68 = tpu.memref_slice %arg2[%dma_start3A_66, %dma_start3A_67] : memref<10240x64xf32, #tpu.memory_space<hbm>> -> memref<10240x64xf32, #tpu.memory_space<hbm>>
    tpu.enqueue_indirect_dma source(%dma_start3A_68 : memref<10240x64xf32, #tpu.memory_space<hbm>>) target(%arg14 : memref<40x64xf32, #tpu.memory_space<vmem>>) offsets(%dma_start3A_65 : memref<40xi32, #tpu.memory_space<vmem>>) semaphore(%arg18 : memref<!tpu.dma_semaphore, #tpu.memory_space<semaphore_mem>>)
    %dma_start3A_69 = arith.constant 8 : i32
    %dma_start3A_70 = arith.constant 0 : i32
    %dma_start3A_71 = tpu.memref_slice %arg5[%dma_start3A_69, %dma_start3A_70] : memref<250x40xi32, #tpu.memory_space<vmem>> -> memref<1x40xi32, #tpu.memory_space<vmem>>
    %dma_start3A_72 = tpu.memref_squeeze %dma_start3A_71 : memref<1x40xi32, #tpu.memory_space<vmem>> -> memref<40xi32, #tpu.memory_space<vmem>>
    %dma_start3A_73 = arith.constant 0 : i32
    %dma_start3A_74 = arith.constant 0 : i32
    %dma_start3A_75 = tpu.memref_slice %arg2[%dma_start3A_73, %dma_start3A_74] : memref<10240x64xf32, #tpu.memory_space<hbm>> -> memref<10240x64xf32, #tpu.memory_space<hbm>>
    tpu.enqueue_indirect_dma source(%dma_start3A_75 : memref<10240x64xf32, #tpu.memory_space<hbm>>) target(%arg15 : memref<40x64xf32, #tpu.memory_space<vmem>>) offsets(%dma_start3A_72 : memref<40xi32, #tpu.memory_space<vmem>>) semaphore(%arg18 : memref<!tpu.dma_semaphore, #tpu.memory_space<semaphore_mem>>)
    %dma_start3A_76 = arith.constant 9 : i32
    %dma_start3A_77 = arith.constant 0 : i32
    %dma_start3A_78 = tpu.memref_slice %arg5[%dma_start3A_76, %dma_start3A_77] : memref<250x40xi32, #tpu.memory_space<vmem>> -> memref<1x40xi32, #tpu.memory_space<vmem>>
    %dma_start3A_79 = tpu.memref_squeeze %dma_start3A_78 : memref<1x40xi32, #tpu.memory_space<vmem>> -> memref<40xi32, #tpu.memory_space<vmem>>
    %dma_start3A_80 = arith.constant 0 : i32
    %dma_start3A_81 = arith.constant 0 : i32
    %dma_start3A_82 = tpu.memref_slice %arg2[%dma_start3A_80, %dma_start3A_81] : memref<10240x64xf32, #tpu.memory_space<hbm>> -> memref<10240x64xf32, #tpu.memory_space<hbm>>
    tpu.enqueue_indirect_dma source(%dma_start3A_82 : memref<10240x64xf32, #tpu.memory_space<hbm>>) target(%arg16 : memref<40x64xf32, #tpu.memory_space<vmem>>) offsets(%dma_start3A_79 : memref<40xi32, #tpu.memory_space<vmem>>) semaphore(%arg18 : memref<!tpu.dma_semaphore, #tpu.memory_space<semaphore_mem>>)
    %barrier3A = arith.constant 0 : index
    tpu.barrier barrier_id(%barrier3A)
    %scan3A_83 = arith.constant 0 : i32
    %scan3A_84 = arith.constant 0 : i32
    %scan3A_85 = arith.constant 25 : i32
    %scan3A_86 = arith.addi %scan3A_84, %scan3A_85 : i32
    %scan3A_87 = arith.constant 1 : i32
    scf.for %scan3A_94 = %scan3A_84 to %scan3A_86 step %scan3A_87  : i32 {
      %mul3A_95 = arith.constant 10 : i32
      %mul3A_96 = arith.muli %mul3A_95, %scan3A_94 : i32
      %add3A_97 = arith.constant 0 : i32
      %add3A_98 = arith.addi %mul3A_96, %add3A_97 : i32
      %dma_wait3A = arith.constant 0 : i32
      %dma_wait3A_99 = tpu.memref_slice %arg5[%add3A_98, %dma_wait3A] : memref<250x40xi32, #tpu.memory_space<vmem>> -> memref<1x40xi32, #tpu.memory_space<vmem>>
      %dma_wait3A_100 = tpu.memref_squeeze %dma_wait3A_99 : memref<1x40xi32, #tpu.memory_space<vmem>> -> memref<40xi32, #tpu.memory_space<vmem>>
      %dma_wait3A_101 = arith.constant 0 : i32
      %dma_wait3A_102 = arith.constant 0 : i32
      %dma_wait3A_103 = tpu.memref_slice %arg2[%dma_wait3A_101, %dma_wait3A_102] : memref<10240x64xf32, #tpu.memory_space<hbm>> -> memref<10240x64xf32, #tpu.memory_space<hbm>>
      tpu.wait_indirect_dma semaphore(%arg18 : memref<!tpu.dma_semaphore, #tpu.memory_space<semaphore_mem>>) src(%dma_wait3A_103 : memref<10240x64xf32, #tpu.memory_space<hbm>>) dst(%arg7 : memref<40x64xf32, #tpu.memory_space<vmem>>)
      "tpu.region"() ({
        %run_scoped3A_263 = tpu.sem_alloc : memref<!tpu.dma_semaphore, #tpu.memory_space<semaphore_mem>>
        %dma_start3A_264 = arith.constant 0 : i32
        %dma_start3A_265 = tpu.memref_slice %arg6[%add3A_98, %dma_start3A_264] : memref<250x40xi32, #tpu.memory_space<vmem>> -> memref<1x40xi32, #tpu.memory_space<vmem>>
        %dma_start3A_266 = tpu.memref_squeeze %dma_start3A_265 : memref<1x40xi32, #tpu.memory_space<vmem>> -> memref<40xi32, #tpu.memory_space<vmem>>
        %dma_start3A_267 = arith.constant 0 : i32
        %dma_start3A_268 = arith.constant 0 : i32
        %dma_start3A_269 = tpu.memref_slice %arg17[%dma_start3A_267, %dma_start3A_268] : memref<10240x64xf32, #tpu.memory_space<vmem_shared>> -> memref<10240x64xf32, #tpu.memory_space<vmem_shared>>
        tpu.enqueue_indirect_dma source(%arg7 : memref<40x64xf32, #tpu.memory_space<vmem>>) target(%dma_start3A_269 : memref<10240x64xf32, #tpu.memory_space<vmem_shared>>) offsets(%dma_start3A_266 : memref<40xi32, #tpu.memory_space<vmem>>) semaphore(%run_scoped3A_263 : memref<!tpu.dma_semaphore, #tpu.memory_space<semaphore_mem>>) {add = true}
        %dma_wait3A_270 = arith.constant 0 : i32
        %dma_wait3A_271 = tpu.memref_slice %arg6[%add3A_98, %dma_wait3A_270] : memref<250x40xi32, #tpu.memory_space<vmem>> -> memref<1x40xi32, #tpu.memory_space<vmem>>
        %dma_wait3A_272 = tpu.memref_squeeze %dma_wait3A_271 : memref<1x40xi32, #tpu.memory_space<vmem>> -> memref<40xi32, #tpu.memory_space<vmem>>
        %dma_wait3A_273 = arith.constant 0 : i32
        %dma_wait3A_274 = arith.constant 0 : i32
        %dma_wait3A_275 = tpu.memref_slice %arg17[%dma_wait3A_273, %dma_wait3A_274] : memref<10240x64xf32, #tpu.memory_space<vmem_shared>> -> memref<10240x64xf32, #tpu.memory_space<vmem_shared>>
        tpu.wait_indirect_dma semaphore(%run_scoped3A_263 : memref<!tpu.dma_semaphore, #tpu.memory_space<semaphore_mem>>) src(%arg7 : memref<40x64xf32, #tpu.memory_space<vmem>>) dst(%dma_wait3A_275 : memref<10240x64xf32, #tpu.memory_space<vmem_shared>>)
        tpu.yield
      }) : () -> ()
      %add3A_104 = arith.constant 10 : i32
      %add3A_105 = arith.addi %add3A_98, %add3A_104 : i32
      %lt3A = arith.constant 250 : i32
      %lt3A_106 = arith.cmpi slt, %add3A_105, %lt3A : i32
      %convert_element_type3A_107 = arith.extui %lt3A_106 : i1 to i32
      %cond3A_108 = arith.constant 0 : i32
      %cond3A_109 = arith.cmpi ne, %convert_element_type3A_107, %cond3A_108 : i32
      scf.if %cond3A_109 {
        %add3A_263 = arith.constant 10 : i32
        %add3A_264 = arith.addi %add3A_98, %add3A_263 : i32
        %dma_start3A_265 = arith.constant 0 : i32
        %dma_start3A_266 = tpu.memref_slice %arg5[%add3A_264, %dma_start3A_265] : memref<250x40xi32, #tpu.memory_space<vmem>> -> memref<1x40xi32, #tpu.memory_space<vmem>>
        %dma_start3A_267 = tpu.memref_squeeze %dma_start3A_266 : memref<1x40xi32, #tpu.memory_space<vmem>> -> memref<40xi32, #tpu.memory_space<vmem>>
        %dma_start3A_268 = arith.constant 0 : i32
        %dma_start3A_269 = arith.constant 0 : i32
        %dma_start3A_270 = tpu.memref_slice %arg2[%dma_start3A_268, %dma_start3A_269] : memref<10240x64xf32, #tpu.memory_space<hbm>> -> memref<10240x64xf32, #tpu.memory_space<hbm>>
        tpu.enqueue_indirect_dma source(%dma_start3A_270 : memref<10240x64xf32, #tpu.memory_space<hbm>>) target(%arg7 : memref<40x64xf32, #tpu.memory_space<vmem>>) offsets(%dma_start3A_267 : memref<40xi32, #tpu.memory_space<vmem>>) semaphore(%arg18 : memref<!tpu.dma_semaphore, #tpu.memory_space<semaphore_mem>>)
      } else {
      }
      %mul3A_110 = arith.constant 10 : i32
      %mul3A_111 = arith.muli %mul3A_110, %scan3A_94 : i32
      %add3A_112 = arith.constant 1 : i32
      %add3A_113 = arith.addi %mul3A_111, %add3A_112 : i32
      %dma_wait3A_114 = arith.constant 0 : i32
      %dma_wait3A_115 = tpu.memref_slice %arg5[%add3A_113, %dma_wait3A_114] : memref<250x40xi32, #tpu.memory_space<vmem>> -> memref<1x40xi32, #tpu.memory_space<vmem>>
      %dma_wait3A_116 = tpu.memref_squeeze %dma_wait3A_115 : memref<1x40xi32, #tpu.memory_space<vmem>> -> memref<40xi32, #tpu.memory_space<vmem>>
      %dma_wait3A_117 = arith.constant 0 : i32
      %dma_wait3A_118 = arith.constant 0 : i32
      %dma_wait3A_119 = tpu.memref_slice %arg2[%dma_wait3A_117, %dma_wait3A_118] : memref<10240x64xf32, #tpu.memory_space<hbm>> -> memref<10240x64xf32, #tpu.memory_space<hbm>>
      tpu.wait_indirect_dma semaphore(%arg18 : memref<!tpu.dma_semaphore, #tpu.memory_space<semaphore_mem>>) src(%dma_wait3A_119 : memref<10240x64xf32, #tpu.memory_space<hbm>>) dst(%arg8 : memref<40x64xf32, #tpu.memory_space<vmem>>)
      "tpu.region"() ({
        %run_scoped3A_263 = tpu.sem_alloc : memref<!tpu.dma_semaphore, #tpu.memory_space<semaphore_mem>>
        %dma_start3A_264 = arith.constant 0 : i32
        %dma_start3A_265 = tpu.memref_slice %arg6[%add3A_113, %dma_start3A_264] : memref<250x40xi32, #tpu.memory_space<vmem>> -> memref<1x40xi32, #tpu.memory_space<vmem>>
        %dma_start3A_266 = tpu.memref_squeeze %dma_start3A_265 : memref<1x40xi32, #tpu.memory_space<vmem>> -> memref<40xi32, #tpu.memory_space<vmem>>
        %dma_start3A_267 = arith.constant 0 : i32
        %dma_start3A_268 = arith.constant 0 : i32
        %dma_start3A_269 = tpu.memref_slice %arg17[%dma_start3A_267, %dma_start3A_268] : memref<10240x64xf32, #tpu.memory_space<vmem_shared>> -> memref<10240x64xf32, #tpu.memory_space<vmem_shared>>
        tpu.enqueue_indirect_dma source(%arg8 : memref<40x64xf32, #tpu.memory_space<vmem>>) target(%dma_start3A_269 : memref<10240x64xf32, #tpu.memory_space<vmem_shared>>) offsets(%dma_start3A_266 : memref<40xi32, #tpu.memory_space<vmem>>) semaphore(%run_scoped3A_263 : memref<!tpu.dma_semaphore, #tpu.memory_space<semaphore_mem>>) {add = true}
        %dma_wait3A_270 = arith.constant 0 : i32
        %dma_wait3A_271 = tpu.memref_slice %arg6[%add3A_113, %dma_wait3A_270] : memref<250x40xi32, #tpu.memory_space<vmem>> -> memref<1x40xi32, #tpu.memory_space<vmem>>
        %dma_wait3A_272 = tpu.memref_squeeze %dma_wait3A_271 : memref<1x40xi32, #tpu.memory_space<vmem>> -> memref<40xi32, #tpu.memory_space<vmem>>
        %dma_wait3A_273 = arith.constant 0 : i32
        %dma_wait3A_274 = arith.constant 0 : i32
        %dma_wait3A_275 = tpu.memref_slice %arg17[%dma_wait3A_273, %dma_wait3A_274] : memref<10240x64xf32, #tpu.memory_space<vmem_shared>> -> memref<10240x64xf32, #tpu.memory_space<vmem_shared>>
        tpu.wait_indirect_dma semaphore(%run_scoped3A_263 : memref<!tpu.dma_semaphore, #tpu.memory_space<semaphore_mem>>) src(%arg8 : memref<40x64xf32, #tpu.memory_space<vmem>>) dst(%dma_wait3A_275 : memref<10240x64xf32, #tpu.memory_space<vmem_shared>>)
        tpu.yield
      }) : () -> ()
      %add3A_120 = arith.constant 10 : i32
      %add3A_121 = arith.addi %add3A_113, %add3A_120 : i32
      %lt3A_122 = arith.constant 250 : i32
      %lt3A_123 = arith.cmpi slt, %add3A_121, %lt3A_122 : i32
      %convert_element_type3A_124 = arith.extui %lt3A_123 : i1 to i32
      %cond3A_125 = arith.constant 0 : i32
      %cond3A_126 = arith.cmpi ne, %convert_element_type3A_124, %cond3A_125 : i32
      scf.if %cond3A_126 {
        %add3A_263 = arith.constant 10 : i32
        %add3A_264 = arith.addi %add3A_113, %add3A_263 : i32
        %dma_start3A_265 = arith.constant 0 : i32
        %dma_start3A_266 = tpu.memref_slice %arg5[%add3A_264, %dma_start3A_265] : memref<250x40xi32, #tpu.memory_space<vmem>> -> memref<1x40xi32, #tpu.memory_space<vmem>>
        %dma_start3A_267 = tpu.memref_squeeze %dma_start3A_266 : memref<1x40xi32, #tpu.memory_space<vmem>> -> memref<40xi32, #tpu.memory_space<vmem>>
        %dma_start3A_268 = arith.constant 0 : i32
        %dma_start3A_269 = arith.constant 0 : i32
        %dma_start3A_270 = tpu.memref_slice %arg2[%dma_start3A_268, %dma_start3A_269] : memref<10240x64xf32, #tpu.memory_space<hbm>> -> memref<10240x64xf32, #tpu.memory_space<hbm>>
        tpu.enqueue_indirect_dma source(%dma_start3A_270 : memref<10240x64xf32, #tpu.memory_space<hbm>>) target(%arg8 : memref<40x64xf32, #tpu.memory_space<vmem>>) offsets(%dma_start3A_267 : memref<40xi32, #tpu.memory_space<vmem>>) semaphore(%arg18 : memref<!tpu.dma_semaphore, #tpu.memory_space<semaphore_mem>>)
      } else {
      }
      %mul3A_127 = arith.constant 10 : i32
      %mul3A_128 = arith.muli %mul3A_127, %scan3A_94 : i32
      %add3A_129 = arith.constant 2 : i32
      %add3A_130 = arith.addi %mul3A_128, %add3A_129 : i32
      %dma_wait3A_131 = arith.constant 0 : i32
      %dma_wait3A_132 = tpu.memref_slice %arg5[%add3A_130, %dma_wait3A_131] : memref<250x40xi32, #tpu.memory_space<vmem>> -> memref<1x40xi32, #tpu.memory_space<vmem>>
      %dma_wait3A_133 = tpu.memref_squeeze %dma_wait3A_132 : memref<1x40xi32, #tpu.memory_space<vmem>> -> memref<40xi32, #tpu.memory_space<vmem>>
      %dma_wait3A_134 = arith.constant 0 : i32
      %dma_wait3A_135 = arith.constant 0 : i32
      %dma_wait3A_136 = tpu.memref_slice %arg2[%dma_wait3A_134, %dma_wait3A_135] : memref<10240x64xf32, #tpu.memory_space<hbm>> -> memref<10240x64xf32, #tpu.memory_space<hbm>>
      tpu.wait_indirect_dma semaphore(%arg18 : memref<!tpu.dma_semaphore, #tpu.memory_space<semaphore_mem>>) src(%dma_wait3A_136 : memref<10240x64xf32, #tpu.memory_space<hbm>>) dst(%arg9 : memref<40x64xf32, #tpu.memory_space<vmem>>)
      "tpu.region"() ({
        %run_scoped3A_263 = tpu.sem_alloc : memref<!tpu.dma_semaphore, #tpu.memory_space<semaphore_mem>>
        %dma_start3A_264 = arith.constant 0 : i32
        %dma_start3A_265 = tpu.memref_slice %arg6[%add3A_130, %dma_start3A_264] : memref<250x40xi32, #tpu.memory_space<vmem>> -> memref<1x40xi32, #tpu.memory_space<vmem>>
        %dma_start3A_266 = tpu.memref_squeeze %dma_start3A_265 : memref<1x40xi32, #tpu.memory_space<vmem>> -> memref<40xi32, #tpu.memory_space<vmem>>
        %dma_start3A_267 = arith.constant 0 : i32
        %dma_start3A_268 = arith.constant 0 : i32
        %dma_start3A_269 = tpu.memref_slice %arg17[%dma_start3A_267, %dma_start3A_268] : memref<10240x64xf32, #tpu.memory_space<vmem_shared>> -> memref<10240x64xf32, #tpu.memory_space<vmem_shared>>
        tpu.enqueue_indirect_dma source(%arg9 : memref<40x64xf32, #tpu.memory_space<vmem>>) target(%dma_start3A_269 : memref<10240x64xf32, #tpu.memory_space<vmem_shared>>) offsets(%dma_start3A_266 : memref<40xi32, #tpu.memory_space<vmem>>) semaphore(%run_scoped3A_263 : memref<!tpu.dma_semaphore, #tpu.memory_space<semaphore_mem>>) {add = true}
        %dma_wait3A_270 = arith.constant 0 : i32
        %dma_wait3A_271 = tpu.memref_slice %arg6[%add3A_130, %dma_wait3A_270] : memref<250x40xi32, #tpu.memory_space<vmem>> -> memref<1x40xi32, #tpu.memory_space<vmem>>
        %dma_wait3A_272 = tpu.memref_squeeze %dma_wait3A_271 : memref<1x40xi32, #tpu.memory_space<vmem>> -> memref<40xi32, #tpu.memory_space<vmem>>
        %dma_wait3A_273 = arith.constant 0 : i32
        %dma_wait3A_274 = arith.constant 0 : i32
        %dma_wait3A_275 = tpu.memref_slice %arg17[%dma_wait3A_273, %dma_wait3A_274] : memref<10240x64xf32, #tpu.memory_space<vmem_shared>> -> memref<10240x64xf32, #tpu.memory_space<vmem_shared>>
        tpu.wait_indirect_dma semaphore(%run_scoped3A_263 : memref<!tpu.dma_semaphore, #tpu.memory_space<semaphore_mem>>) src(%arg9 : memref<40x64xf32, #tpu.memory_space<vmem>>) dst(%dma_wait3A_275 : memref<10240x64xf32, #tpu.memory_space<vmem_shared>>)
        tpu.yield
      }) : () -> ()
      %add3A_137 = arith.constant 10 : i32
      %add3A_138 = arith.addi %add3A_130, %add3A_137 : i32
      %lt3A_139 = arith.constant 250 : i32
      %lt3A_140 = arith.cmpi slt, %add3A_138, %lt3A_139 : i32
      %convert_element_type3A_141 = arith.extui %lt3A_140 : i1 to i32
      %cond3A_142 = arith.constant 0 : i32
      %cond3A_143 = arith.cmpi ne, %convert_element_type3A_141, %cond3A_142 : i32
      scf.if %cond3A_143 {
        %add3A_263 = arith.constant 10 : i32
        %add3A_264 = arith.addi %add3A_130, %add3A_263 : i32
        %dma_start3A_265 = arith.constant 0 : i32
        %dma_start3A_266 = tpu.memref_slice %arg5[%add3A_264, %dma_start3A_265] : memref<250x40xi32, #tpu.memory_space<vmem>> -> memref<1x40xi32, #tpu.memory_space<vmem>>
        %dma_start3A_267 = tpu.memref_squeeze %dma_start3A_266 : memref<1x40xi32, #tpu.memory_space<vmem>> -> memref<40xi32, #tpu.memory_space<vmem>>
        %dma_start3A_268 = arith.constant 0 : i32
        %dma_start3A_269 = arith.constant 0 : i32
        %dma_start3A_270 = tpu.memref_slice %arg2[%dma_start3A_268, %dma_start3A_269] : memref<10240x64xf32, #tpu.memory_space<hbm>> -> memref<10240x64xf32, #tpu.memory_space<hbm>>
        tpu.enqueue_indirect_dma source(%dma_start3A_270 : memref<10240x64xf32, #tpu.memory_space<hbm>>) target(%arg9 : memref<40x64xf32, #tpu.memory_space<vmem>>) offsets(%dma_start3A_267 : memref<40xi32, #tpu.memory_space<vmem>>) semaphore(%arg18 : memref<!tpu.dma_semaphore, #tpu.memory_space<semaphore_mem>>)
      } else {
      }
      %mul3A_144 = arith.constant 10 : i32
      %mul3A_145 = arith.muli %mul3A_144, %scan3A_94 : i32
      %add3A_146 = arith.constant 3 : i32
      %add3A_147 = arith.addi %mul3A_145, %add3A_146 : i32
      %dma_wait3A_148 = arith.constant 0 : i32
      %dma_wait3A_149 = tpu.memref_slice %arg5[%add3A_147, %dma_wait3A_148] : memref<250x40xi32, #tpu.memory_space<vmem>> -> memref<1x40xi32, #tpu.memory_space<vmem>>
      %dma_wait3A_150 = tpu.memref_squeeze %dma_wait3A_149 : memref<1x40xi32, #tpu.memory_space<vmem>> -> memref<40xi32, #tpu.memory_space<vmem>>
      %dma_wait3A_151 = arith.constant 0 : i32
      %dma_wait3A_152 = arith.constant 0 : i32
      %dma_wait3A_153 = tpu.memref_slice %arg2[%dma_wait3A_151, %dma_wait3A_152] : memref<10240x64xf32, #tpu.memory_space<hbm>> -> memref<10240x64xf32, #tpu.memory_space<hbm>>
      tpu.wait_indirect_dma semaphore(%arg18 : memref<!tpu.dma_semaphore, #tpu.memory_space<semaphore_mem>>) src(%dma_wait3A_153 : memref<10240x64xf32, #tpu.memory_space<hbm>>) dst(%arg10 : memref<40x64xf32, #tpu.memory_space<vmem>>)
      "tpu.region"() ({
        %run_scoped3A_263 = tpu.sem_alloc : memref<!tpu.dma_semaphore, #tpu.memory_space<semaphore_mem>>
        %dma_start3A_264 = arith.constant 0 : i32
        %dma_start3A_265 = tpu.memref_slice %arg6[%add3A_147, %dma_start3A_264] : memref<250x40xi32, #tpu.memory_space<vmem>> -> memref<1x40xi32, #tpu.memory_space<vmem>>
        %dma_start3A_266 = tpu.memref_squeeze %dma_start3A_265 : memref<1x40xi32, #tpu.memory_space<vmem>> -> memref<40xi32, #tpu.memory_space<vmem>>
        %dma_start3A_267 = arith.constant 0 : i32
        %dma_start3A_268 = arith.constant 0 : i32
        %dma_start3A_269 = tpu.memref_slice %arg17[%dma_start3A_267, %dma_start3A_268] : memref<10240x64xf32, #tpu.memory_space<vmem_shared>> -> memref<10240x64xf32, #tpu.memory_space<vmem_shared>>
        tpu.enqueue_indirect_dma source(%arg10 : memref<40x64xf32, #tpu.memory_space<vmem>>) target(%dma_start3A_269 : memref<10240x64xf32, #tpu.memory_space<vmem_shared>>) offsets(%dma_start3A_266 : memref<40xi32, #tpu.memory_space<vmem>>) semaphore(%run_scoped3A_263 : memref<!tpu.dma_semaphore, #tpu.memory_space<semaphore_mem>>) {add = true}
        %dma_wait3A_270 = arith.constant 0 : i32
        %dma_wait3A_271 = tpu.memref_slice %arg6[%add3A_147, %dma_wait3A_270] : memref<250x40xi32, #tpu.memory_space<vmem>> -> memref<1x40xi32, #tpu.memory_space<vmem>>
        %dma_wait3A_272 = tpu.memref_squeeze %dma_wait3A_271 : memref<1x40xi32, #tpu.memory_space<vmem>> -> memref<40xi32, #tpu.memory_space<vmem>>
        %dma_wait3A_273 = arith.constant 0 : i32
        %dma_wait3A_274 = arith.constant 0 : i32
        %dma_wait3A_275 = tpu.memref_slice %arg17[%dma_wait3A_273, %dma_wait3A_274] : memref<10240x64xf32, #tpu.memory_space<vmem_shared>> -> memref<10240x64xf32, #tpu.memory_space<vmem_shared>>
        tpu.wait_indirect_dma semaphore(%run_scoped3A_263 : memref<!tpu.dma_semaphore, #tpu.memory_space<semaphore_mem>>) src(%arg10 : memref<40x64xf32, #tpu.memory_space<vmem>>) dst(%dma_wait3A_275 : memref<10240x64xf32, #tpu.memory_space<vmem_shared>>)
        tpu.yield
      }) : () -> ()
      %add3A_154 = arith.constant 10 : i32
      %add3A_155 = arith.addi %add3A_147, %add3A_154 : i32
      %lt3A_156 = arith.constant 250 : i32
      %lt3A_157 = arith.cmpi slt, %add3A_155, %lt3A_156 : i32
      %convert_element_type3A_158 = arith.extui %lt3A_157 : i1 to i32
      %cond3A_159 = arith.constant 0 : i32
      %cond3A_160 = arith.cmpi ne, %convert_element_type3A_158, %cond3A_159 : i32
      scf.if %cond3A_160 {
        %add3A_263 = arith.constant 10 : i32
        %add3A_264 = arith.addi %add3A_147, %add3A_263 : i32
        %dma_start3A_265 = arith.constant 0 : i32
        %dma_start3A_266 = tpu.memref_slice %arg5[%add3A_264, %dma_start3A_265] : memref<250x40xi32, #tpu.memory_space<vmem>> -> memref<1x40xi32, #tpu.memory_space<vmem>>
        %dma_start3A_267 = tpu.memref_squeeze %dma_start3A_266 : memref<1x40xi32, #tpu.memory_space<vmem>> -> memref<40xi32, #tpu.memory_space<vmem>>
        %dma_start3A_268 = arith.constant 0 : i32
        %dma_start3A_269 = arith.constant 0 : i32
        %dma_start3A_270 = tpu.memref_slice %arg2[%dma_start3A_268, %dma_start3A_269] : memref<10240x64xf32, #tpu.memory_space<hbm>> -> memref<10240x64xf32, #tpu.memory_space<hbm>>
        tpu.enqueue_indirect_dma source(%dma_start3A_270 : memref<10240x64xf32, #tpu.memory_space<hbm>>) target(%arg10 : memref<40x64xf32, #tpu.memory_space<vmem>>) offsets(%dma_start3A_267 : memref<40xi32, #tpu.memory_space<vmem>>) semaphore(%arg18 : memref<!tpu.dma_semaphore, #tpu.memory_space<semaphore_mem>>)
      } else {
      }
      %mul3A_161 = arith.constant 10 : i32
      %mul3A_162 = arith.muli %mul3A_161, %scan3A_94 : i32
      %add3A_163 = arith.constant 4 : i32
      %add3A_164 = arith.addi %mul3A_162, %add3A_163 : i32
      %dma_wait3A_165 = arith.constant 0 : i32
      %dma_wait3A_166 = tpu.memref_slice %arg5[%add3A_164, %dma_wait3A_165] : memref<250x40xi32, #tpu.memory_space<vmem>> -> memref<1x40xi32, #tpu.memory_space<vmem>>
      %dma_wait3A_167 = tpu.memref_squeeze %dma_wait3A_166 : memref<1x40xi32, #tpu.memory_space<vmem>> -> memref<40xi32, #tpu.memory_space<vmem>>
      %dma_wait3A_168 = arith.constant 0 : i32
      %dma_wait3A_169 = arith.constant 0 : i32
      %dma_wait3A_170 = tpu.memref_slice %arg2[%dma_wait3A_168, %dma_wait3A_169] : memref<10240x64xf32, #tpu.memory_space<hbm>> -> memref<10240x64xf32, #tpu.memory_space<hbm>>
      tpu.wait_indirect_dma semaphore(%arg18 : memref<!tpu.dma_semaphore, #tpu.memory_space<semaphore_mem>>) src(%dma_wait3A_170 : memref<10240x64xf32, #tpu.memory_space<hbm>>) dst(%arg11 : memref<40x64xf32, #tpu.memory_space<vmem>>)
      "tpu.region"() ({
        %run_scoped3A_263 = tpu.sem_alloc : memref<!tpu.dma_semaphore, #tpu.memory_space<semaphore_mem>>
        %dma_start3A_264 = arith.constant 0 : i32
        %dma_start3A_265 = tpu.memref_slice %arg6[%add3A_164, %dma_start3A_264] : memref<250x40xi32, #tpu.memory_space<vmem>> -> memref<1x40xi32, #tpu.memory_space<vmem>>
        %dma_start3A_266 = tpu.memref_squeeze %dma_start3A_265 : memref<1x40xi32, #tpu.memory_space<vmem>> -> memref<40xi32, #tpu.memory_space<vmem>>
        %dma_start3A_267 = arith.constant 0 : i32
        %dma_start3A_268 = arith.constant 0 : i32
        %dma_start3A_269 = tpu.memref_slice %arg17[%dma_start3A_267, %dma_start3A_268] : memref<10240x64xf32, #tpu.memory_space<vmem_shared>> -> memref<10240x64xf32, #tpu.memory_space<vmem_shared>>
        tpu.enqueue_indirect_dma source(%arg11 : memref<40x64xf32, #tpu.memory_space<vmem>>) target(%dma_start3A_269 : memref<10240x64xf32, #tpu.memory_space<vmem_shared>>) offsets(%dma_start3A_266 : memref<40xi32, #tpu.memory_space<vmem>>) semaphore(%run_scoped3A_263 : memref<!tpu.dma_semaphore, #tpu.memory_space<semaphore_mem>>) {add = true}
        %dma_wait3A_270 = arith.constant 0 : i32
        %dma_wait3A_271 = tpu.memref_slice %arg6[%add3A_164, %dma_wait3A_270] : memref<250x40xi32, #tpu.memory_space<vmem>> -> memref<1x40xi32, #tpu.memory_space<vmem>>
        %dma_wait3A_272 = tpu.memref_squeeze %dma_wait3A_271 : memref<1x40xi32, #tpu.memory_space<vmem>> -> memref<40xi32, #tpu.memory_space<vmem>>
        %dma_wait3A_273 = arith.constant 0 : i32
        %dma_wait3A_274 = arith.constant 0 : i32
        %dma_wait3A_275 = tpu.memref_slice %arg17[%dma_wait3A_273, %dma_wait3A_274] : memref<10240x64xf32, #tpu.memory_space<vmem_shared>> -> memref<10240x64xf32, #tpu.memory_space<vmem_shared>>
        tpu.wait_indirect_dma semaphore(%run_scoped3A_263 : memref<!tpu.dma_semaphore, #tpu.memory_space<semaphore_mem>>) src(%arg11 : memref<40x64xf32, #tpu.memory_space<vmem>>) dst(%dma_wait3A_275 : memref<10240x64xf32, #tpu.memory_space<vmem_shared>>)
        tpu.yield
      }) : () -> ()
      %add3A_171 = arith.constant 10 : i32
      %add3A_172 = arith.addi %add3A_164, %add3A_171 : i32
      %lt3A_173 = arith.constant 250 : i32
      %lt3A_174 = arith.cmpi slt, %add3A_172, %lt3A_173 : i32
      %convert_element_type3A_175 = arith.extui %lt3A_174 : i1 to i32
      %cond3A_176 = arith.constant 0 : i32
      %cond3A_177 = arith.cmpi ne, %convert_element_type3A_175, %cond3A_176 : i32
      scf.if %cond3A_177 {
        %add3A_263 = arith.constant 10 : i32
        %add3A_264 = arith.addi %add3A_164, %add3A_263 : i32
        %dma_start3A_265 = arith.constant 0 : i32
        %dma_start3A_266 = tpu.memref_slice %arg5[%add3A_264, %dma_start3A_265] : memref<250x40xi32, #tpu.memory_space<vmem>> -> memref<1x40xi32, #tpu.memory_space<vmem>>
        %dma_start3A_267 = tpu.memref_squeeze %dma_start3A_266 : memref<1x40xi32, #tpu.memory_space<vmem>> -> memref<40xi32, #tpu.memory_space<vmem>>
        %dma_start3A_268 = arith.constant 0 : i32
        %dma_start3A_269 = arith.constant 0 : i32
        %dma_start3A_270 = tpu.memref_slice %arg2[%dma_start3A_268, %dma_start3A_269] : memref<10240x64xf32, #tpu.memory_space<hbm>> -> memref<10240x64xf32, #tpu.memory_space<hbm>>
        tpu.enqueue_indirect_dma source(%dma_start3A_270 : memref<10240x64xf32, #tpu.memory_space<hbm>>) target(%arg11 : memref<40x64xf32, #tpu.memory_space<vmem>>) offsets(%dma_start3A_267 : memref<40xi32, #tpu.memory_space<vmem>>) semaphore(%arg18 : memref<!tpu.dma_semaphore, #tpu.memory_space<semaphore_mem>>)
      } else {
      }
      %mul3A_178 = arith.constant 10 : i32
      %mul3A_179 = arith.muli %mul3A_178, %scan3A_94 : i32
      %add3A_180 = arith.constant 5 : i32
      %add3A_181 = arith.addi %mul3A_179, %add3A_180 : i32
      %dma_wait3A_182 = arith.constant 0 : i32
      %dma_wait3A_183 = tpu.memref_slice %arg5[%add3A_181, %dma_wait3A_182] : memref<250x40xi32, #tpu.memory_space<vmem>> -> memref<1x40xi32, #tpu.memory_space<vmem>>
      %dma_wait3A_184 = tpu.memref_squeeze %dma_wait3A_183 : memref<1x40xi32, #tpu.memory_space<vmem>> -> memref<40xi32, #tpu.memory_space<vmem>>
      %dma_wait3A_185 = arith.constant 0 : i32
      %dma_wait3A_186 = arith.constant 0 : i32
      %dma_wait3A_187 = tpu.memref_slice %arg2[%dma_wait3A_185, %dma_wait3A_186] : memref<10240x64xf32, #tpu.memory_space<hbm>> -> memref<10240x64xf32, #tpu.memory_space<hbm>>
      tpu.wait_indirect_dma semaphore(%arg18 : memref<!tpu.dma_semaphore, #tpu.memory_space<semaphore_mem>>) src(%dma_wait3A_187 : memref<10240x64xf32, #tpu.memory_space<hbm>>) dst(%arg12 : memref<40x64xf32, #tpu.memory_space<vmem>>)
      "tpu.region"() ({
        %run_scoped3A_263 = tpu.sem_alloc : memref<!tpu.dma_semaphore, #tpu.memory_space<semaphore_mem>>
        %dma_start3A_264 = arith.constant 0 : i32
        %dma_start3A_265 = tpu.memref_slice %arg6[%add3A_181, %dma_start3A_264] : memref<250x40xi32, #tpu.memory_space<vmem>> -> memref<1x40xi32, #tpu.memory_space<vmem>>
        %dma_start3A_266 = tpu.memref_squeeze %dma_start3A_265 : memref<1x40xi32, #tpu.memory_space<vmem>> -> memref<40xi32, #tpu.memory_space<vmem>>
        %dma_start3A_267 = arith.constant 0 : i32
        %dma_start3A_268 = arith.constant 0 : i32
        %dma_start3A_269 = tpu.memref_slice %arg17[%dma_start3A_267, %dma_start3A_268] : memref<10240x64xf32, #tpu.memory_space<vmem_shared>> -> memref<10240x64xf32, #tpu.memory_space<vmem_shared>>
        tpu.enqueue_indirect_dma source(%arg12 : memref<40x64xf32, #tpu.memory_space<vmem>>) target(%dma_start3A_269 : memref<10240x64xf32, #tpu.memory_space<vmem_shared>>) offsets(%dma_start3A_266 : memref<40xi32, #tpu.memory_space<vmem>>) semaphore(%run_scoped3A_263 : memref<!tpu.dma_semaphore, #tpu.memory_space<semaphore_mem>>) {add = true}
        %dma_wait3A_270 = arith.constant 0 : i32
        %dma_wait3A_271 = tpu.memref_slice %arg6[%add3A_181, %dma_wait3A_270] : memref<250x40xi32, #tpu.memory_space<vmem>> -> memref<1x40xi32, #tpu.memory_space<vmem>>
        %dma_wait3A_272 = tpu.memref_squeeze %dma_wait3A_271 : memref<1x40xi32, #tpu.memory_space<vmem>> -> memref<40xi32, #tpu.memory_space<vmem>>
        %dma_wait3A_273 = arith.constant 0 : i32
        %dma_wait3A_274 = arith.constant 0 : i32
        %dma_wait3A_275 = tpu.memref_slice %arg17[%dma_wait3A_273, %dma_wait3A_274] : memref<10240x64xf32, #tpu.memory_space<vmem_shared>> -> memref<10240x64xf32, #tpu.memory_space<vmem_shared>>
        tpu.wait_indirect_dma semaphore(%run_scoped3A_263 : memref<!tpu.dma_semaphore, #tpu.memory_space<semaphore_mem>>) src(%arg12 : memref<40x64xf32, #tpu.memory_space<vmem>>) dst(%dma_wait3A_275 : memref<10240x64xf32, #tpu.memory_space<vmem_shared>>)
        tpu.yield
      }) : () -> ()
      %add3A_188 = arith.constant 10 : i32
      %add3A_189 = arith.addi %add3A_181, %add3A_188 : i32
      %lt3A_190 = arith.constant 250 : i32
      %lt3A_191 = arith.cmpi slt, %add3A_189, %lt3A_190 : i32
      %convert_element_type3A_192 = arith.extui %lt3A_191 : i1 to i32
      %cond3A_193 = arith.constant 0 : i32
      %cond3A_194 = arith.cmpi ne, %convert_element_type3A_192, %cond3A_193 : i32
      scf.if %cond3A_194 {
        %add3A_263 = arith.constant 10 : i32
        %add3A_264 = arith.addi %add3A_181, %add3A_263 : i32
        %dma_start3A_265 = arith.constant 0 : i32
        %dma_start3A_266 = tpu.memref_slice %arg5[%add3A_264, %dma_start3A_265] : memref<250x40xi32, #tpu.memory_space<vmem>> -> memref<1x40xi32, #tpu.memory_space<vmem>>
        %dma_start3A_267 = tpu.memref_squeeze %dma_start3A_266 : memref<1x40xi32, #tpu.memory_space<vmem>> -> memref<40xi32, #tpu.memory_space<vmem>>
        %dma_start3A_268 = arith.constant 0 : i32
        %dma_start3A_269 = arith.constant 0 : i32
        %dma_start3A_270 = tpu.memref_slice %arg2[%dma_start3A_268, %dma_start3A_269] : memref<10240x64xf32, #tpu.memory_space<hbm>> -> memref<10240x64xf32, #tpu.memory_space<hbm>>
        tpu.enqueue_indirect_dma source(%dma_start3A_270 : memref<10240x64xf32, #tpu.memory_space<hbm>>) target(%arg12 : memref<40x64xf32, #tpu.memory_space<vmem>>) offsets(%dma_start3A_267 : memref<40xi32, #tpu.memory_space<vmem>>) semaphore(%arg18 : memref<!tpu.dma_semaphore, #tpu.memory_space<semaphore_mem>>)
      } else {
      }
      %mul3A_195 = arith.constant 10 : i32
      %mul3A_196 = arith.muli %mul3A_195, %scan3A_94 : i32
      %add3A_197 = arith.constant 6 : i32
      %add3A_198 = arith.addi %mul3A_196, %add3A_197 : i32
      %dma_wait3A_199 = arith.constant 0 : i32
      %dma_wait3A_200 = tpu.memref_slice %arg5[%add3A_198, %dma_wait3A_199] : memref<250x40xi32, #tpu.memory_space<vmem>> -> memref<1x40xi32, #tpu.memory_space<vmem>>
      %dma_wait3A_201 = tpu.memref_squeeze %dma_wait3A_200 : memref<1x40xi32, #tpu.memory_space<vmem>> -> memref<40xi32, #tpu.memory_space<vmem>>
      %dma_wait3A_202 = arith.constant 0 : i32
      %dma_wait3A_203 = arith.constant 0 : i32
      %dma_wait3A_204 = tpu.memref_slice %arg2[%dma_wait3A_202, %dma_wait3A_203] : memref<10240x64xf32, #tpu.memory_space<hbm>> -> memref<10240x64xf32, #tpu.memory_space<hbm>>
      tpu.wait_indirect_dma semaphore(%arg18 : memref<!tpu.dma_semaphore, #tpu.memory_space<semaphore_mem>>) src(%dma_wait3A_204 : memref<10240x64xf32, #tpu.memory_space<hbm>>) dst(%arg13 : memref<40x64xf32, #tpu.memory_space<vmem>>)
      "tpu.region"() ({
        %run_scoped3A_263 = tpu.sem_alloc : memref<!tpu.dma_semaphore, #tpu.memory_space<semaphore_mem>>
        %dma_start3A_264 = arith.constant 0 : i32
        %dma_start3A_265 = tpu.memref_slice %arg6[%add3A_198, %dma_start3A_264] : memref<250x40xi32, #tpu.memory_space<vmem>> -> memref<1x40xi32, #tpu.memory_space<vmem>>
        %dma_start3A_266 = tpu.memref_squeeze %dma_start3A_265 : memref<1x40xi32, #tpu.memory_space<vmem>> -> memref<40xi32, #tpu.memory_space<vmem>>
        %dma_start3A_267 = arith.constant 0 : i32
        %dma_start3A_268 = arith.constant 0 : i32
        %dma_start3A_269 = tpu.memref_slice %arg17[%dma_start3A_267, %dma_start3A_268] : memref<10240x64xf32, #tpu.memory_space<vmem_shared>> -> memref<10240x64xf32, #tpu.memory_space<vmem_shared>>
        tpu.enqueue_indirect_dma source(%arg13 : memref<40x64xf32, #tpu.memory_space<vmem>>) target(%dma_start3A_269 : memref<10240x64xf32, #tpu.memory_space<vmem_shared>>) offsets(%dma_start3A_266 : memref<40xi32, #tpu.memory_space<vmem>>) semaphore(%run_scoped3A_263 : memref<!tpu.dma_semaphore, #tpu.memory_space<semaphore_mem>>) {add = true}
        %dma_wait3A_270 = arith.constant 0 : i32
        %dma_wait3A_271 = tpu.memref_slice %arg6[%add3A_198, %dma_wait3A_270] : memref<250x40xi32, #tpu.memory_space<vmem>> -> memref<1x40xi32, #tpu.memory_space<vmem>>
        %dma_wait3A_272 = tpu.memref_squeeze %dma_wait3A_271 : memref<1x40xi32, #tpu.memory_space<vmem>> -> memref<40xi32, #tpu.memory_space<vmem>>
        %dma_wait3A_273 = arith.constant 0 : i32
        %dma_wait3A_274 = arith.constant 0 : i32
        %dma_wait3A_275 = tpu.memref_slice %arg17[%dma_wait3A_273, %dma_wait3A_274] : memref<10240x64xf32, #tpu.memory_space<vmem_shared>> -> memref<10240x64xf32, #tpu.memory_space<vmem_shared>>
        tpu.wait_indirect_dma semaphore(%run_scoped3A_263 : memref<!tpu.dma_semaphore, #tpu.memory_space<semaphore_mem>>) src(%arg13 : memref<40x64xf32, #tpu.memory_space<vmem>>) dst(%dma_wait3A_275 : memref<10240x64xf32, #tpu.memory_space<vmem_shared>>)
        tpu.yield
      }) : () -> ()
      %add3A_205 = arith.constant 10 : i32
      %add3A_206 = arith.addi %add3A_198, %add3A_205 : i32
      %lt3A_207 = arith.constant 250 : i32
      %lt3A_208 = arith.cmpi slt, %add3A_206, %lt3A_207 : i32
      %convert_element_type3A_209 = arith.extui %lt3A_208 : i1 to i32
      %cond3A_210 = arith.constant 0 : i32
      %cond3A_211 = arith.cmpi ne, %convert_element_type3A_209, %cond3A_210 : i32
      scf.if %cond3A_211 {
        %add3A_263 = arith.constant 10 : i32
        %add3A_264 = arith.addi %add3A_198, %add3A_263 : i32
        %dma_start3A_265 = arith.constant 0 : i32
        %dma_start3A_266 = tpu.memref_slice %arg5[%add3A_264, %dma_start3A_265] : memref<250x40xi32, #tpu.memory_space<vmem>> -> memref<1x40xi32, #tpu.memory_space<vmem>>
        %dma_start3A_267 = tpu.memref_squeeze %dma_start3A_266 : memref<1x40xi32, #tpu.memory_space<vmem>> -> memref<40xi32, #tpu.memory_space<vmem>>
        %dma_start3A_268 = arith.constant 0 : i32
        %dma_start3A_269 = arith.constant 0 : i32
        %dma_start3A_270 = tpu.memref_slice %arg2[%dma_start3A_268, %dma_start3A_269] : memref<10240x64xf32, #tpu.memory_space<hbm>> -> memref<10240x64xf32, #tpu.memory_space<hbm>>
        tpu.enqueue_indirect_dma source(%dma_start3A_270 : memref<10240x64xf32, #tpu.memory_space<hbm>>) target(%arg13 : memref<40x64xf32, #tpu.memory_space<vmem>>) offsets(%dma_start3A_267 : memref<40xi32, #tpu.memory_space<vmem>>) semaphore(%arg18 : memref<!tpu.dma_semaphore, #tpu.memory_space<semaphore_mem>>)
      } else {
      }
      %mul3A_212 = arith.constant 10 : i32
      %mul3A_213 = arith.muli %mul3A_212, %scan3A_94 : i32
      %add3A_214 = arith.constant 7 : i32
      %add3A_215 = arith.addi %mul3A_213, %add3A_214 : i32
      %dma_wait3A_216 = arith.constant 0 : i32
      %dma_wait3A_217 = tpu.memref_slice %arg5[%add3A_215, %dma_wait3A_216] : memref<250x40xi32, #tpu.memory_space<vmem>> -> memref<1x40xi32, #tpu.memory_space<vmem>>
      %dma_wait3A_218 = tpu.memref_squeeze %dma_wait3A_217 : memref<1x40xi32, #tpu.memory_space<vmem>> -> memref<40xi32, #tpu.memory_space<vmem>>
      %dma_wait3A_219 = arith.constant 0 : i32
      %dma_wait3A_220 = arith.constant 0 : i32
      %dma_wait3A_221 = tpu.memref_slice %arg2[%dma_wait3A_219, %dma_wait3A_220] : memref<10240x64xf32, #tpu.memory_space<hbm>> -> memref<10240x64xf32, #tpu.memory_space<hbm>>
      tpu.wait_indirect_dma semaphore(%arg18 : memref<!tpu.dma_semaphore, #tpu.memory_space<semaphore_mem>>) src(%dma_wait3A_221 : memref<10240x64xf32, #tpu.memory_space<hbm>>) dst(%arg14 : memref<40x64xf32, #tpu.memory_space<vmem>>)
      "tpu.region"() ({
        %run_scoped3A_263 = tpu.sem_alloc : memref<!tpu.dma_semaphore, #tpu.memory_space<semaphore_mem>>
        %dma_start3A_264 = arith.constant 0 : i32
        %dma_start3A_265 = tpu.memref_slice %arg6[%add3A_215, %dma_start3A_264] : memref<250x40xi32, #tpu.memory_space<vmem>> -> memref<1x40xi32, #tpu.memory_space<vmem>>
        %dma_start3A_266 = tpu.memref_squeeze %dma_start3A_265 : memref<1x40xi32, #tpu.memory_space<vmem>> -> memref<40xi32, #tpu.memory_space<vmem>>
        %dma_start3A_267 = arith.constant 0 : i32
        %dma_start3A_268 = arith.constant 0 : i32
        %dma_start3A_269 = tpu.memref_slice %arg17[%dma_start3A_267, %dma_start3A_268] : memref<10240x64xf32, #tpu.memory_space<vmem_shared>> -> memref<10240x64xf32, #tpu.memory_space<vmem_shared>>
        tpu.enqueue_indirect_dma source(%arg14 : memref<40x64xf32, #tpu.memory_space<vmem>>) target(%dma_start3A_269 : memref<10240x64xf32, #tpu.memory_space<vmem_shared>>) offsets(%dma_start3A_266 : memref<40xi32, #tpu.memory_space<vmem>>) semaphore(%run_scoped3A_263 : memref<!tpu.dma_semaphore, #tpu.memory_space<semaphore_mem>>) {add = true}
        %dma_wait3A_270 = arith.constant 0 : i32
        %dma_wait3A_271 = tpu.memref_slice %arg6[%add3A_215, %dma_wait3A_270] : memref<250x40xi32, #tpu.memory_space<vmem>> -> memref<1x40xi32, #tpu.memory_space<vmem>>
        %dma_wait3A_272 = tpu.memref_squeeze %dma_wait3A_271 : memref<1x40xi32, #tpu.memory_space<vmem>> -> memref<40xi32, #tpu.memory_space<vmem>>
        %dma_wait3A_273 = arith.constant 0 : i32
        %dma_wait3A_274 = arith.constant 0 : i32
        %dma_wait3A_275 = tpu.memref_slice %arg17[%dma_wait3A_273, %dma_wait3A_274] : memref<10240x64xf32, #tpu.memory_space<vmem_shared>> -> memref<10240x64xf32, #tpu.memory_space<vmem_shared>>
        tpu.wait_indirect_dma semaphore(%run_scoped3A_263 : memref<!tpu.dma_semaphore, #tpu.memory_space<semaphore_mem>>) src(%arg14 : memref<40x64xf32, #tpu.memory_space<vmem>>) dst(%dma_wait3A_275 : memref<10240x64xf32, #tpu.memory_space<vmem_shared>>)
        tpu.yield
      }) : () -> ()
      %add3A_222 = arith.constant 10 : i32
      %add3A_223 = arith.addi %add3A_215, %add3A_222 : i32
      %lt3A_224 = arith.constant 250 : i32
      %lt3A_225 = arith.cmpi slt, %add3A_223, %lt3A_224 : i32
      %convert_element_type3A_226 = arith.extui %lt3A_225 : i1 to i32
      %cond3A_227 = arith.constant 0 : i32
      %cond3A_228 = arith.cmpi ne, %convert_element_type3A_226, %cond3A_227 : i32
      scf.if %cond3A_228 {
        %add3A_263 = arith.constant 10 : i32
        %add3A_264 = arith.addi %add3A_215, %add3A_263 : i32
        %dma_start3A_265 = arith.constant 0 : i32
        %dma_start3A_266 = tpu.memref_slice %arg5[%add3A_264, %dma_start3A_265] : memref<250x40xi32, #tpu.memory_space<vmem>> -> memref<1x40xi32, #tpu.memory_space<vmem>>
        %dma_start3A_267 = tpu.memref_squeeze %dma_start3A_266 : memref<1x40xi32, #tpu.memory_space<vmem>> -> memref<40xi32, #tpu.memory_space<vmem>>
        %dma_start3A_268 = arith.constant 0 : i32
        %dma_start3A_269 = arith.constant 0 : i32
        %dma_start3A_270 = tpu.memref_slice %arg2[%dma_start3A_268, %dma_start3A_269] : memref<10240x64xf32, #tpu.memory_space<hbm>> -> memref<10240x64xf32, #tpu.memory_space<hbm>>
        tpu.enqueue_indirect_dma source(%dma_start3A_270 : memref<10240x64xf32, #tpu.memory_space<hbm>>) target(%arg14 : memref<40x64xf32, #tpu.memory_space<vmem>>) offsets(%dma_start3A_267 : memref<40xi32, #tpu.memory_space<vmem>>) semaphore(%arg18 : memref<!tpu.dma_semaphore, #tpu.memory_space<semaphore_mem>>)
      } else {
      }
      %mul3A_229 = arith.constant 10 : i32
      %mul3A_230 = arith.muli %mul3A_229, %scan3A_94 : i32
      %add3A_231 = arith.constant 8 : i32
      %add3A_232 = arith.addi %mul3A_230, %add3A_231 : i32
      %dma_wait3A_233 = arith.constant 0 : i32
      %dma_wait3A_234 = tpu.memref_slice %arg5[%add3A_232, %dma_wait3A_233] : memref<250x40xi32, #tpu.memory_space<vmem>> -> memref<1x40xi32, #tpu.memory_space<vmem>>
      %dma_wait3A_235 = tpu.memref_squeeze %dma_wait3A_234 : memref<1x40xi32, #tpu.memory_space<vmem>> -> memref<40xi32, #tpu.memory_space<vmem>>
      %dma_wait3A_236 = arith.constant 0 : i32
      %dma_wait3A_237 = arith.constant 0 : i32
      %dma_wait3A_238 = tpu.memref_slice %arg2[%dma_wait3A_236, %dma_wait3A_237] : memref<10240x64xf32, #tpu.memory_space<hbm>> -> memref<10240x64xf32, #tpu.memory_space<hbm>>
      tpu.wait_indirect_dma semaphore(%arg18 : memref<!tpu.dma_semaphore, #tpu.memory_space<semaphore_mem>>) src(%dma_wait3A_238 : memref<10240x64xf32, #tpu.memory_space<hbm>>) dst(%arg15 : memref<40x64xf32, #tpu.memory_space<vmem>>)
      "tpu.region"() ({
        %run_scoped3A_263 = tpu.sem_alloc : memref<!tpu.dma_semaphore, #tpu.memory_space<semaphore_mem>>
        %dma_start3A_264 = arith.constant 0 : i32
        %dma_start3A_265 = tpu.memref_slice %arg6[%add3A_232, %dma_start3A_264] : memref<250x40xi32, #tpu.memory_space<vmem>> -> memref<1x40xi32, #tpu.memory_space<vmem>>
        %dma_start3A_266 = tpu.memref_squeeze %dma_start3A_265 : memref<1x40xi32, #tpu.memory_space<vmem>> -> memref<40xi32, #tpu.memory_space<vmem>>
        %dma_start3A_267 = arith.constant 0 : i32
        %dma_start3A_268 = arith.constant 0 : i32
        %dma_start3A_269 = tpu.memref_slice %arg17[%dma_start3A_267, %dma_start3A_268] : memref<10240x64xf32, #tpu.memory_space<vmem_shared>> -> memref<10240x64xf32, #tpu.memory_space<vmem_shared>>
        tpu.enqueue_indirect_dma source(%arg15 : memref<40x64xf32, #tpu.memory_space<vmem>>) target(%dma_start3A_269 : memref<10240x64xf32, #tpu.memory_space<vmem_shared>>) offsets(%dma_start3A_266 : memref<40xi32, #tpu.memory_space<vmem>>) semaphore(%run_scoped3A_263 : memref<!tpu.dma_semaphore, #tpu.memory_space<semaphore_mem>>) {add = true}
        %dma_wait3A_270 = arith.constant 0 : i32
        %dma_wait3A_271 = tpu.memref_slice %arg6[%add3A_232, %dma_wait3A_270] : memref<250x40xi32, #tpu.memory_space<vmem>> -> memref<1x40xi32, #tpu.memory_space<vmem>>
        %dma_wait3A_272 = tpu.memref_squeeze %dma_wait3A_271 : memref<1x40xi32, #tpu.memory_space<vmem>> -> memref<40xi32, #tpu.memory_space<vmem>>
        %dma_wait3A_273 = arith.constant 0 : i32
        %dma_wait3A_274 = arith.constant 0 : i32
        %dma_wait3A_275 = tpu.memref_slice %arg17[%dma_wait3A_273, %dma_wait3A_274] : memref<10240x64xf32, #tpu.memory_space<vmem_shared>> -> memref<10240x64xf32, #tpu.memory_space<vmem_shared>>
        tpu.wait_indirect_dma semaphore(%run_scoped3A_263 : memref<!tpu.dma_semaphore, #tpu.memory_space<semaphore_mem>>) src(%arg15 : memref<40x64xf32, #tpu.memory_space<vmem>>) dst(%dma_wait3A_275 : memref<10240x64xf32, #tpu.memory_space<vmem_shared>>)
        tpu.yield
      }) : () -> ()
      %add3A_239 = arith.constant 10 : i32
      %add3A_240 = arith.addi %add3A_232, %add3A_239 : i32
      %lt3A_241 = arith.constant 250 : i32
      %lt3A_242 = arith.cmpi slt, %add3A_240, %lt3A_241 : i32
      %convert_element_type3A_243 = arith.extui %lt3A_242 : i1 to i32
      %cond3A_244 = arith.constant 0 : i32
      %cond3A_245 = arith.cmpi ne, %convert_element_type3A_243, %cond3A_244 : i32
      scf.if %cond3A_245 {
        %add3A_263 = arith.constant 10 : i32
        %add3A_264 = arith.addi %add3A_232, %add3A_263 : i32
        %dma_start3A_265 = arith.constant 0 : i32
        %dma_start3A_266 = tpu.memref_slice %arg5[%add3A_264, %dma_start3A_265] : memref<250x40xi32, #tpu.memory_space<vmem>> -> memref<1x40xi32, #tpu.memory_space<vmem>>
        %dma_start3A_267 = tpu.memref_squeeze %dma_start3A_266 : memref<1x40xi32, #tpu.memory_space<vmem>> -> memref<40xi32, #tpu.memory_space<vmem>>
        %dma_start3A_268 = arith.constant 0 : i32
        %dma_start3A_269 = arith.constant 0 : i32
        %dma_start3A_270 = tpu.memref_slice %arg2[%dma_start3A_268, %dma_start3A_269] : memref<10240x64xf32, #tpu.memory_space<hbm>> -> memref<10240x64xf32, #tpu.memory_space<hbm>>
        tpu.enqueue_indirect_dma source(%dma_start3A_270 : memref<10240x64xf32, #tpu.memory_space<hbm>>) target(%arg15 : memref<40x64xf32, #tpu.memory_space<vmem>>) offsets(%dma_start3A_267 : memref<40xi32, #tpu.memory_space<vmem>>) semaphore(%arg18 : memref<!tpu.dma_semaphore, #tpu.memory_space<semaphore_mem>>)
      } else {
      }
      %mul3A_246 = arith.constant 10 : i32
      %mul3A_247 = arith.muli %mul3A_246, %scan3A_94 : i32
      %add3A_248 = arith.constant 9 : i32
      %add3A_249 = arith.addi %mul3A_247, %add3A_248 : i32
      %dma_wait3A_250 = arith.constant 0 : i32
      %dma_wait3A_251 = tpu.memref_slice %arg5[%add3A_249, %dma_wait3A_250] : memref<250x40xi32, #tpu.memory_space<vmem>> -> memref<1x40xi32, #tpu.memory_space<vmem>>
      %dma_wait3A_252 = tpu.memref_squeeze %dma_wait3A_251 : memref<1x40xi32, #tpu.memory_space<vmem>> -> memref<40xi32, #tpu.memory_space<vmem>>
      %dma_wait3A_253 = arith.constant 0 : i32
      %dma_wait3A_254 = arith.constant 0 : i32
      %dma_wait3A_255 = tpu.memref_slice %arg2[%dma_wait3A_253, %dma_wait3A_254] : memref<10240x64xf32, #tpu.memory_space<hbm>> -> memref<10240x64xf32, #tpu.memory_space<hbm>>
      tpu.wait_indirect_dma semaphore(%arg18 : memref<!tpu.dma_semaphore, #tpu.memory_space<semaphore_mem>>) src(%dma_wait3A_255 : memref<10240x64xf32, #tpu.memory_space<hbm>>) dst(%arg16 : memref<40x64xf32, #tpu.memory_space<vmem>>)
      "tpu.region"() ({
        %run_scoped3A_263 = tpu.sem_alloc : memref<!tpu.dma_semaphore, #tpu.memory_space<semaphore_mem>>
        %dma_start3A_264 = arith.constant 0 : i32
        %dma_start3A_265 = tpu.memref_slice %arg6[%add3A_249, %dma_start3A_264] : memref<250x40xi32, #tpu.memory_space<vmem>> -> memref<1x40xi32, #tpu.memory_space<vmem>>
        %dma_start3A_266 = tpu.memref_squeeze %dma_start3A_265 : memref<1x40xi32, #tpu.memory_space<vmem>> -> memref<40xi32, #tpu.memory_space<vmem>>
        %dma_start3A_267 = arith.constant 0 : i32
        %dma_start3A_268 = arith.constant 0 : i32
        %dma_start3A_269 = tpu.memref_slice %arg17[%dma_start3A_267, %dma_start3A_268] : memref<10240x64xf32, #tpu.memory_space<vmem_shared>> -> memref<10240x64xf32, #tpu.memory_space<vmem_shared>>
        tpu.enqueue_indirect_dma source(%arg16 : memref<40x64xf32, #tpu.memory_space<vmem>>) target(%dma_start3A_269 : memref<10240x64xf32, #tpu.memory_space<vmem_shared>>) offsets(%dma_start3A_266 : memref<40xi32, #tpu.memory_space<vmem>>) semaphore(%run_scoped3A_263 : memref<!tpu.dma_semaphore, #tpu.memory_space<semaphore_mem>>) {add = true}
        %dma_wait3A_270 = arith.constant 0 : i32
        %dma_wait3A_271 = tpu.memref_slice %arg6[%add3A_249, %dma_wait3A_270] : memref<250x40xi32, #tpu.memory_space<vmem>> -> memref<1x40xi32, #tpu.memory_space<vmem>>
        %dma_wait3A_272 = tpu.memref_squeeze %dma_wait3A_271 : memref<1x40xi32, #tpu.memory_space<vmem>> -> memref<40xi32, #tpu.memory_space<vmem>>
        %dma_wait3A_273 = arith.constant 0 : i32
        %dma_wait3A_274 = arith.constant 0 : i32
        %dma_wait3A_275 = tpu.memref_slice %arg17[%dma_wait3A_273, %dma_wait3A_274] : memref<10240x64xf32, #tpu.memory_space<vmem_shared>> -> memref<10240x64xf32, #tpu.memory_space<vmem_shared>>
        tpu.wait_indirect_dma semaphore(%run_scoped3A_263 : memref<!tpu.dma_semaphore, #tpu.memory_space<semaphore_mem>>) src(%arg16 : memref<40x64xf32, #tpu.memory_space<vmem>>) dst(%dma_wait3A_275 : memref<10240x64xf32, #tpu.memory_space<vmem_shared>>)
        tpu.yield
      }) : () -> ()
      %add3A_256 = arith.constant 10 : i32
      %add3A_257 = arith.addi %add3A_249, %add3A_256 : i32
      %lt3A_258 = arith.constant 250 : i32
      %lt3A_259 = arith.cmpi slt, %add3A_257, %lt3A_258 : i32
      %convert_element_type3A_260 = arith.extui %lt3A_259 : i1 to i32
      %cond3A_261 = arith.constant 0 : i32
      %cond3A_262 = arith.cmpi ne, %convert_element_type3A_260, %cond3A_261 : i32
      scf.if %cond3A_262 {
        %add3A_263 = arith.constant 10 : i32
        %add3A_264 = arith.addi %add3A_249, %add3A_263 : i32
        %dma_start3A_265 = arith.constant 0 : i32
        %dma_start3A_266 = tpu.memref_slice %arg5[%add3A_264, %dma_start3A_265] : memref<250x40xi32, #tpu.memory_space<vmem>> -> memref<1x40xi32, #tpu.memory_space<vmem>>
        %dma_start3A_267 = tpu.memref_squeeze %dma_start3A_266 : memref<1x40xi32, #tpu.memory_space<vmem>> -> memref<40xi32, #tpu.memory_space<vmem>>
        %dma_start3A_268 = arith.constant 0 : i32
        %dma_start3A_269 = arith.constant 0 : i32
        %dma_start3A_270 = tpu.memref_slice %arg2[%dma_start3A_268, %dma_start3A_269] : memref<10240x64xf32, #tpu.memory_space<hbm>> -> memref<10240x64xf32, #tpu.memory_space<hbm>>
        tpu.enqueue_indirect_dma source(%dma_start3A_270 : memref<10240x64xf32, #tpu.memory_space<hbm>>) target(%arg16 : memref<40x64xf32, #tpu.memory_space<vmem>>) offsets(%dma_start3A_267 : memref<40xi32, #tpu.memory_space<vmem>>) semaphore(%arg18 : memref<!tpu.dma_semaphore, #tpu.memory_space<semaphore_mem>>)
      } else {
      }
    }
    %scan3A_88 = arith.constant 25 : i32
    %barrier3A_89 = arith.constant 0 : index
    tpu.barrier barrier_id(%barrier3A_89)
    %mul3A_90 = arith.constant 640 : i32
    %mul3A_91 = arith.muli %arg1, %mul3A_90 : i32
    %mul3A_92 = arith.constant 640 : i32
    %mul3A_93 = arith.muli %arg1, %mul3A_92 : i32
    "tpu.region"() ({
      %run_scoped3A_94 = tpu.sem_alloc : memref<!tpu.dma_semaphore, #tpu.memory_space<semaphore_mem>>
      %dma_start3A_95 = arith.constant 0 : i32
      %dma_start3A_96 = tpu.memref_slice %arg4[%arg0, %mul3A_93, %dma_start3A_95] : memref<2x10240x64xf32, #tpu.memory_space<hbm>> -> memref<1x640x64xf32, #tpu.memory_space<hbm>>
      %dma_start3A_97 = tpu.memref_squeeze %dma_start3A_96 : memref<1x640x64xf32, #tpu.memory_space<hbm>> -> memref<640x64xf32, #tpu.memory_space<hbm>>
      %dma_start3A_98 = arith.constant 0 : i32
      %dma_start3A_99 = tpu.memref_slice %arg17[%mul3A_91, %dma_start3A_98] : memref<10240x64xf32, #tpu.memory_space<vmem_shared>> -> memref<640x64xf32, #tpu.memory_space<vmem_shared>>
      tpu.enqueue_dma source(%dma_start3A_99 : memref<640x64xf32, #tpu.memory_space<vmem_shared>>) target(%dma_start3A_97 : memref<640x64xf32, #tpu.memory_space<hbm>>) target_semaphore(%run_scoped3A_94 : memref<!tpu.dma_semaphore, #tpu.memory_space<semaphore_mem>>)
      %dma_wait3A = arith.constant 0 : i32
      %dma_wait3A_100 = tpu.memref_slice %arg4[%arg0, %mul3A_93, %dma_wait3A] : memref<2x10240x64xf32, #tpu.memory_space<hbm>> -> memref<1x640x64xf32, #tpu.memory_space<hbm>>
      %dma_wait3A_101 = tpu.memref_squeeze %dma_wait3A_100 : memref<1x640x64xf32, #tpu.memory_space<hbm>> -> memref<640x64xf32, #tpu.memory_space<hbm>>
      %dma_wait3A_102 = arith.constant 0 : i32
      %dma_wait3A_103 = tpu.memref_slice %arg17[%mul3A_91, %dma_wait3A_102] : memref<10240x64xf32, #tpu.memory_space<vmem_shared>> -> memref<640x64xf32, #tpu.memory_space<vmem_shared>>
      tpu.wait_dma2 semaphore(%run_scoped3A_94 : memref<!tpu.dma_semaphore, #tpu.memory_space<semaphore_mem>>) src(%dma_wait3A_103 : memref<640x64xf32, #tpu.memory_space<vmem_shared>>) dst(%dma_wait3A_101 : memref<640x64xf32, #tpu.memory_space<hbm>>)
      tpu.yield
    }) : () -> ()
    return
  }
}

#map = affine_map<(d0, d1) -> (0, 0, 0, 0)>
#map1 = affine_map<(d0, d1) -> (0, 0)>
module attributes {stable_mosaic.version = 14 : i64} {
  func.func @_deg_kernel(%arg0: i32, %arg1: i32, %arg2: memref<2x32x250x40xi32, #tpu.memory_space<hbm>>, %arg3: memref<2x10240xf32, #tpu.memory_space<hbm>>, %arg4: memref<250x40xi32, #tpu.memory_space<vmem>>, %arg5: memref<80xf32, #tpu.memory_space<vmem>>, %arg6: memref<640xf32, #tpu.memory_space<vmem>>, %arg7: memref<10240xf32, #tpu.memory_space<vmem_shared>>, %arg8: memref<!tpu.dma_semaphore, #tpu.memory_space<semaphore_mem>>) attributes {dimension_semantics = [#tpu.dimension_semantics<core_parallel>, #tpu.dimension_semantics<subcore_parallel>], iteration_bounds = array<i64: 2, 16>, scalar_prefetch = 0 : i64, scratch_operands = 5 : i64, tpu.core_type = #tpu.core_type<sc_vector_subcore>, window_params = [{transform_indices = #map}, {transform_indices = #map1}]} {
    %mul3A = arith.constant 2 : i32
    %mul3A_0 = arith.muli %arg1, %mul3A : i32
    %add3A = arith.addi %mul3A_0, %arg0 : i32
    %run_scoped3A = arith.constant 1 : i32
    "tpu.region"() ({
      %run_scoped3A_47 = tpu.sem_alloc : memref<!tpu.dma_semaphore, #tpu.memory_space<semaphore_mem>>
      %dma_start3A = arith.constant 0 : i32
      %dma_start3A_48 = arith.constant 0 : i32
      %dma_start3A_49 = tpu.memref_slice %arg2[%run_scoped3A, %add3A, %dma_start3A, %dma_start3A_48] : memref<2x32x250x40xi32, #tpu.memory_space<hbm>> -> memref<1x1x250x40xi32, #tpu.memory_space<hbm>>
      %dma_start3A_50 = tpu.memref_squeeze %dma_start3A_49 : memref<1x1x250x40xi32, #tpu.memory_space<hbm>> -> memref<250x40xi32, #tpu.memory_space<hbm>>
      %dma_start3A_51 = arith.constant 0 : i32
      %dma_start3A_52 = arith.constant 0 : i32
      %dma_start3A_53 = tpu.memref_slice %arg2[%run_scoped3A, %add3A, %dma_start3A_51, %dma_start3A_52] : memref<2x32x250x40xi32, #tpu.memory_space<hbm>> -> memref<1x1x250x40xi32, #tpu.memory_space<hbm>>
      %dma_start3A_54 = tpu.memref_squeeze %dma_start3A_53 : memref<1x1x250x40xi32, #tpu.memory_space<hbm>> -> memref<250x40xi32, #tpu.memory_space<hbm>>
      tpu.enqueue_dma source(%dma_start3A_54 : memref<250x40xi32, #tpu.memory_space<hbm>>) target(%arg4 : memref<250x40xi32, #tpu.memory_space<vmem>>) target_semaphore(%run_scoped3A_47 : memref<!tpu.dma_semaphore, #tpu.memory_space<semaphore_mem>>)
      %dma_wait3A = arith.constant 0 : i32
      %dma_wait3A_55 = arith.constant 0 : i32
      %dma_wait3A_56 = tpu.memref_slice %arg2[%run_scoped3A, %add3A, %dma_wait3A, %dma_wait3A_55] : memref<2x32x250x40xi32, #tpu.memory_space<hbm>> -> memref<1x1x250x40xi32, #tpu.memory_space<hbm>>
      %dma_wait3A_57 = tpu.memref_squeeze %dma_wait3A_56 : memref<1x1x250x40xi32, #tpu.memory_space<hbm>> -> memref<250x40xi32, #tpu.memory_space<hbm>>
      %dma_wait3A_58 = arith.constant 0 : i32
      %dma_wait3A_59 = arith.constant 0 : i32
      %dma_wait3A_60 = tpu.memref_slice %arg2[%run_scoped3A, %add3A, %dma_wait3A_58, %dma_wait3A_59] : memref<2x32x250x40xi32, #tpu.memory_space<hbm>> -> memref<1x1x250x40xi32, #tpu.memory_space<hbm>>
      %dma_wait3A_61 = tpu.memref_squeeze %dma_wait3A_60 : memref<1x1x250x40xi32, #tpu.memory_space<hbm>> -> memref<250x40xi32, #tpu.memory_space<hbm>>
      tpu.wait_dma2 semaphore(%run_scoped3A_47 : memref<!tpu.dma_semaphore, #tpu.memory_space<semaphore_mem>>) src(%dma_wait3A_61 : memref<250x40xi32, #tpu.memory_space<hbm>>) dst(%arg4 : memref<250x40xi32, #tpu.memory_space<vmem>>)
      tpu.yield
    }) : () -> ()
    %broadcast_in_dim3A = arith.constant 1.000000e+00 : f32
    %broadcast_in_dim3A_1 = vector.broadcast %broadcast_in_dim3A : f32 to vector<16xf32>
    %swap3A = arith.constant 0 : index
    %swap3A_2 = tpu.vector_load %arg5[%swap3A] {strides = array<i32>} : memref<80xf32, #tpu.memory_space<vmem>>, vector<16xf32>,
    %swap3A_3 = vector.shape_cast %swap3A_2 : vector<16xf32> to vector<16xf32>
    %swap3A_4 = vector.shape_cast %broadcast_in_dim3A_1 : vector<16xf32> to vector<16xf32>
    tpu.vector_store %arg5[%swap3A], %swap3A_4 {strides = array<i32>} : memref<80xf32, #tpu.memory_space<vmem>>, vector<16xf32>,
    %broadcast_in_dim3A_5 = arith.constant 1.000000e+00 : f32
    %broadcast_in_dim3A_6 = vector.broadcast %broadcast_in_dim3A_5 : f32 to vector<16xf32>
    %swap3A_7 = arith.constant 16 : index
    %swap3A_8 = tpu.vector_load %arg5[%swap3A_7] {strides = array<i32>} : memref<80xf32, #tpu.memory_space<vmem>>, vector<16xf32>,
    %swap3A_9 = vector.shape_cast %swap3A_8 : vector<16xf32> to vector<16xf32>
    %swap3A_10 = vector.shape_cast %broadcast_in_dim3A_6 : vector<16xf32> to vector<16xf32>
    tpu.vector_store %arg5[%swap3A_7], %swap3A_10 {strides = array<i32>} : memref<80xf32, #tpu.memory_space<vmem>>, vector<16xf32>,
    %broadcast_in_dim3A_11 = arith.constant 1.000000e+00 : f32
    %broadcast_in_dim3A_12 = vector.broadcast %broadcast_in_dim3A_11 : f32 to vector<16xf32>
    %swap3A_13 = arith.constant 32 : index
    %swap3A_14 = tpu.vector_load %arg5[%swap3A_13] {strides = array<i32>} : memref<80xf32, #tpu.memory_space<vmem>>, vector<16xf32>,
    %swap3A_15 = vector.shape_cast %swap3A_14 : vector<16xf32> to vector<16xf32>
    %swap3A_16 = vector.shape_cast %broadcast_in_dim3A_12 : vector<16xf32> to vector<16xf32>
    tpu.vector_store %arg5[%swap3A_13], %swap3A_16 {strides = array<i32>} : memref<80xf32, #tpu.memory_space<vmem>>, vector<16xf32>,
    %broadcast_in_dim3A_17 = arith.constant 1.000000e+00 : f32
    %broadcast_in_dim3A_18 = vector.broadcast %broadcast_in_dim3A_17 : f32 to vector<16xf32>
    %swap3A_19 = arith.constant 48 : index
    %swap3A_20 = tpu.vector_load %arg5[%swap3A_19] {strides = array<i32>} : memref<80xf32, #tpu.memory_space<vmem>>, vector<16xf32>,
    %swap3A_21 = vector.shape_cast %swap3A_20 : vector<16xf32> to vector<16xf32>
    %swap3A_22 = vector.shape_cast %broadcast_in_dim3A_18 : vector<16xf32> to vector<16xf32>
    tpu.vector_store %arg5[%swap3A_19], %swap3A_22 {strides = array<i32>} : memref<80xf32, #tpu.memory_space<vmem>>, vector<16xf32>,
    %broadcast_in_dim3A_23 = arith.constant 1.000000e+00 : f32
    %broadcast_in_dim3A_24 = vector.broadcast %broadcast_in_dim3A_23 : f32 to vector<16xf32>
    %swap3A_25 = arith.constant 64 : index
    %swap3A_26 = tpu.vector_load %arg5[%swap3A_25] {strides = array<i32>} : memref<80xf32, #tpu.memory_space<vmem>>, vector<16xf32>,
    %swap3A_27 = vector.shape_cast %swap3A_26 : vector<16xf32> to vector<16xf32>
    %swap3A_28 = vector.shape_cast %broadcast_in_dim3A_24 : vector<16xf32> to vector<16xf32>
    tpu.vector_store %arg5[%swap3A_25], %swap3A_28 {strides = array<i32>} : memref<80xf32, #tpu.memory_space<vmem>>, vector<16xf32>,
    %scan3A = arith.constant 0 : i32
    %scan3A_29 = arith.constant 0 : i32
    %scan3A_30 = arith.constant 40 : i32
    %scan3A_31 = arith.addi %scan3A_29, %scan3A_30 : i32
    %scan3A_32 = arith.constant 1 : i32
    scf.for %scan3A_47 = %scan3A_29 to %scan3A_31 step %scan3A_32  : i32 {
      %broadcast_in_dim3A_48 = arith.constant 0.000000e+00 : f32
      %broadcast_in_dim3A_49 = vector.broadcast %broadcast_in_dim3A_48 : f32 to vector<16xf32>
      %mul3A_50 = arith.constant 16 : i32
      %mul3A_51 = arith.muli %scan3A_47, %mul3A_50 : i32
      %swap3A_52 = arith.index_cast %mul3A_51 : i32 to index
      %swap3A_53 = tpu.vector_load %arg6[%swap3A_52] {strides = array<i32>} : memref<640xf32, #tpu.memory_space<vmem>>, vector<16xf32>,
      %swap3A_54 = vector.shape_cast %swap3A_53 : vector<16xf32> to vector<16xf32>
      %swap3A_55 = vector.shape_cast %broadcast_in_dim3A_49 : vector<16xf32> to vector<16xf32>
      tpu.vector_store %arg6[%swap3A_52], %swap3A_55 {strides = array<i32>} : memref<640xf32, #tpu.memory_space<vmem>>, vector<16xf32>,
    }
    %scan3A_33 = arith.constant 40 : i32
    %mul3A_34 = arith.constant 640 : i32
    %mul3A_35 = arith.muli %arg1, %mul3A_34 : i32
    "tpu.region"() ({
      %run_scoped3A_47 = tpu.sem_alloc : memref<!tpu.dma_semaphore, #tpu.memory_space<semaphore_mem>>
      %dma_start3A = tpu.memref_slice %arg7[%mul3A_35] : memref<10240xf32, #tpu.memory_space<vmem_shared>> -> memref<640xf32, #tpu.memory_space<vmem_shared>>
      %dma_start3A_48 = tpu.memref_slice %arg7[%mul3A_35] : memref<10240xf32, #tpu.memory_space<vmem_shared>> -> memref<640xf32, #tpu.memory_space<vmem_shared>>
      tpu.enqueue_dma source(%arg6 : memref<640xf32, #tpu.memory_space<vmem>>) target(%dma_start3A_48 : memref<640xf32, #tpu.memory_space<vmem_shared>>) target_semaphore(%run_scoped3A_47 : memref<!tpu.dma_semaphore, #tpu.memory_space<semaphore_mem>>)
      %dma_wait3A = tpu.memref_slice %arg7[%mul3A_35] : memref<10240xf32, #tpu.memory_space<vmem_shared>> -> memref<640xf32, #tpu.memory_space<vmem_shared>>
      %dma_wait3A_49 = tpu.memref_slice %arg7[%mul3A_35] : memref<10240xf32, #tpu.memory_space<vmem_shared>> -> memref<640xf32, #tpu.memory_space<vmem_shared>>
      tpu.wait_dma2 semaphore(%run_scoped3A_47 : memref<!tpu.dma_semaphore, #tpu.memory_space<semaphore_mem>>) src(%arg6 : memref<640xf32, #tpu.memory_space<vmem>>) dst(%dma_wait3A_49 : memref<640xf32, #tpu.memory_space<vmem_shared>>)
      tpu.yield
    }) : () -> ()
    %barrier3A = arith.constant 0 : index
    tpu.barrier barrier_id(%barrier3A)
    %scan3A_36 = arith.constant 0 : i32
    %scan3A_37 = arith.constant 0 : i32
    %scan3A_38 = arith.constant 250 : i32
    %scan3A_39 = arith.addi %scan3A_37, %scan3A_38 : i32
    %scan3A_40 = arith.constant 1 : i32
    scf.for %scan3A_47 = %scan3A_37 to %scan3A_39 step %scan3A_40  : i32 {
      "tpu.region"() ({
        %run_scoped3A_48 = tpu.sem_alloc : memref<!tpu.dma_semaphore, #tpu.memory_space<semaphore_mem>>
        %dma_start3A = arith.constant 0 : i32
        %dma_start3A_49 = tpu.memref_slice %arg5[%dma_start3A] : memref<80xf32, #tpu.memory_space<vmem>> -> memref<40xf32, #tpu.memory_space<vmem>>
        %dma_start3A_50 = arith.constant 0 : i32
        %dma_start3A_51 = tpu.memref_slice %arg4[%scan3A_47, %dma_start3A_50] : memref<250x40xi32, #tpu.memory_space<vmem>> -> memref<1x40xi32, #tpu.memory_space<vmem>>
        %dma_start3A_52 = tpu.memref_squeeze %dma_start3A_51 : memref<1x40xi32, #tpu.memory_space<vmem>> -> memref<40xi32, #tpu.memory_space<vmem>>
        %dma_start3A_53 = arith.constant 0 : i32
        %dma_start3A_54 = tpu.memref_slice %arg7[%dma_start3A_53] : memref<10240xf32, #tpu.memory_space<vmem_shared>> -> memref<10240xf32, #tpu.memory_space<vmem_shared>>
        tpu.enqueue_indirect_dma source(%dma_start3A_49 : memref<40xf32, #tpu.memory_space<vmem>>) target(%dma_start3A_54 : memref<10240xf32, #tpu.memory_space<vmem_shared>>) offsets(%dma_start3A_52 : memref<40xi32, #tpu.memory_space<vmem>>) semaphore(%run_scoped3A_48 : memref<!tpu.dma_semaphore, #tpu.memory_space<semaphore_mem>>) {add = true}
        %dma_wait3A = arith.constant 0 : i32
        %dma_wait3A_55 = tpu.memref_slice %arg5[%dma_wait3A] : memref<80xf32, #tpu.memory_space<vmem>> -> memref<40xf32, #tpu.memory_space<vmem>>
        %dma_wait3A_56 = arith.constant 0 : i32
        %dma_wait3A_57 = tpu.memref_slice %arg4[%scan3A_47, %dma_wait3A_56] : memref<250x40xi32, #tpu.memory_space<vmem>> -> memref<1x40xi32, #tpu.memory_space<vmem>>
        %dma_wait3A_58 = tpu.memref_squeeze %dma_wait3A_57 : memref<1x40xi32, #tpu.memory_space<vmem>> -> memref<40xi32, #tpu.memory_space<vmem>>
        %dma_wait3A_59 = arith.constant 0 : i32
        %dma_wait3A_60 = tpu.memref_slice %arg7[%dma_wait3A_59] : memref<10240xf32, #tpu.memory_space<vmem_shared>> -> memref<10240xf32, #tpu.memory_space<vmem_shared>>
        tpu.wait_indirect_dma semaphore(%run_scoped3A_48 : memref<!tpu.dma_semaphore, #tpu.memory_space<semaphore_mem>>) src(%dma_wait3A_55 : memref<40xf32, #tpu.memory_space<vmem>>) dst(%dma_wait3A_60 : memref<10240xf32, #tpu.memory_space<vmem_shared>>)
        tpu.yield
      }) : () -> ()
    }
    %scan3A_41 = arith.constant 250 : i32
    %barrier3A_42 = arith.constant 0 : index
    tpu.barrier barrier_id(%barrier3A_42)
    %mul3A_43 = arith.constant 640 : i32
    %mul3A_44 = arith.muli %arg1, %mul3A_43 : i32
    %mul3A_45 = arith.constant 640 : i32
    %mul3A_46 = arith.muli %arg1, %mul3A_45 : i32
    "tpu.region"() ({
      %run_scoped3A_47 = tpu.sem_alloc : memref<!tpu.dma_semaphore, #tpu.memory_space<semaphore_mem>>
      %dma_start3A = tpu.memref_slice %arg3[%arg0, %mul3A_46] : memref<2x10240xf32, #tpu.memory_space<hbm>> -> memref<1x640xf32, #tpu.memory_space<hbm>>
      %dma_start3A_48 = tpu.memref_squeeze %dma_start3A : memref<1x640xf32, #tpu.memory_space<hbm>> -> memref<640xf32, #tpu.memory_space<hbm>>
      %dma_start3A_49 = tpu.memref_slice %arg7[%mul3A_44] : memref<10240xf32, #tpu.memory_space<vmem_shared>> -> memref<640xf32, #tpu.memory_space<vmem_shared>>
      tpu.enqueue_dma source(%dma_start3A_49 : memref<640xf32, #tpu.memory_space<vmem_shared>>) target(%dma_start3A_48 : memref<640xf32, #tpu.memory_space<hbm>>) target_semaphore(%run_scoped3A_47 : memref<!tpu.dma_semaphore, #tpu.memory_space<semaphore_mem>>)
      %dma_wait3A = tpu.memref_slice %arg3[%arg0, %mul3A_46] : memref<2x10240xf32, #tpu.memory_space<hbm>> -> memref<1x640xf32, #tpu.memory_space<hbm>>
      %dma_wait3A_50 = tpu.memref_squeeze %dma_wait3A : memref<1x640xf32, #tpu.memory_space<hbm>> -> memref<640xf32, #tpu.memory_space<hbm>>
      %dma_wait3A_51 = tpu.memref_slice %arg7[%mul3A_44] : memref<10240xf32, #tpu.memory_space<vmem_shared>> -> memref<640xf32, #tpu.memory_space<vmem_shared>>
      tpu.wait_dma2 semaphore(%run_scoped3A_47 : memref<!tpu.dma_semaphore, #tpu.memory_space<semaphore_mem>>) src(%dma_wait3A_51 : memref<640xf32, #tpu.memory_space<vmem_shared>>) dst(%dma_wait3A_50 : memref<640xf32, #tpu.memory_space<hbm>>)
      tpu.yield
    }) : () -> ()
    return
  }
}

#map = affine_map<(d0, d1) -> (0, 0)>
#map1 = affine_map<(d0, d1) -> (0, 0, 0, 0)>
#map2 = affine_map<(d0, d1) -> (0, 0, 0)>
module attributes {stable_mosaic.version = 14 : i64} {
  func.func @agg(%arg0: i32, %arg1: i32, %arg2: memref<10240x128xf32, #tpu.memory_space<hbm>>, %arg3: memref<2x32x250x40xi32, #tpu.memory_space<hbm>>, %arg4: memref<2x10240x128xf32, #tpu.memory_space<hbm>>, %arg5: memref<250x40xi32, #tpu.memory_space<vmem>>, %arg6: memref<250x40xi32, #tpu.memory_space<vmem>>, %arg7: memref<40x128xf32, #tpu.memory_space<vmem>>, %arg8: memref<40x128xf32, #tpu.memory_space<vmem>>, %arg9: memref<40x128xf32, #tpu.memory_space<vmem>>, %arg10: memref<40x128xf32, #tpu.memory_space<vmem>>, %arg11: memref<40x128xf32, #tpu.memory_space<vmem>>, %arg12: memref<10240x128xf32, #tpu.memory_space<vmem_shared>>, %arg13: memref<!tpu.dma_semaphore, #tpu.memory_space<semaphore_mem>>) attributes {dimension_semantics = [#tpu.dimension_semantics<core_parallel>, #tpu.dimension_semantics<subcore_parallel>], iteration_bounds = array<i64: 2, 16>, scalar_prefetch = 0 : i64, scratch_operands = 9 : i64, tpu.core_type = #tpu.core_type<sc_vector_subcore>, window_params = [{transform_indices = #map}, {transform_indices = #map1}, {transform_indices = #map2}]} {
    %mul3A = arith.constant 2 : i32
    %mul3A_0 = arith.muli %arg1, %mul3A : i32
    %add3A = arith.addi %mul3A_0, %arg0 : i32
    %run_scoped3A = arith.constant 0 : i32
    "tpu.region"() ({
      %run_scoped3A_59 = tpu.sem_alloc : memref<!tpu.dma_semaphore, #tpu.memory_space<semaphore_mem>>
      %dma_start3A_60 = arith.constant 0 : i32
      %dma_start3A_61 = arith.constant 0 : i32
      %dma_start3A_62 = tpu.memref_slice %arg3[%run_scoped3A, %add3A, %dma_start3A_60, %dma_start3A_61] : memref<2x32x250x40xi32, #tpu.memory_space<hbm>> -> memref<1x1x250x40xi32, #tpu.memory_space<hbm>>
      %dma_start3A_63 = tpu.memref_squeeze %dma_start3A_62 : memref<1x1x250x40xi32, #tpu.memory_space<hbm>> -> memref<250x40xi32, #tpu.memory_space<hbm>>
      %dma_start3A_64 = arith.constant 0 : i32
      %dma_start3A_65 = arith.constant 0 : i32
      %dma_start3A_66 = tpu.memref_slice %arg3[%run_scoped3A, %add3A, %dma_start3A_64, %dma_start3A_65] : memref<2x32x250x40xi32, #tpu.memory_space<hbm>> -> memref<1x1x250x40xi32, #tpu.memory_space<hbm>>
      %dma_start3A_67 = tpu.memref_squeeze %dma_start3A_66 : memref<1x1x250x40xi32, #tpu.memory_space<hbm>> -> memref<250x40xi32, #tpu.memory_space<hbm>>
      tpu.enqueue_dma source(%dma_start3A_67 : memref<250x40xi32, #tpu.memory_space<hbm>>) target(%arg5 : memref<250x40xi32, #tpu.memory_space<vmem>>) target_semaphore(%run_scoped3A_59 : memref<!tpu.dma_semaphore, #tpu.memory_space<semaphore_mem>>)
      %dma_wait3A = arith.constant 0 : i32
      %dma_wait3A_68 = arith.constant 0 : i32
      %dma_wait3A_69 = tpu.memref_slice %arg3[%run_scoped3A, %add3A, %dma_wait3A, %dma_wait3A_68] : memref<2x32x250x40xi32, #tpu.memory_space<hbm>> -> memref<1x1x250x40xi32, #tpu.memory_space<hbm>>
      %dma_wait3A_70 = tpu.memref_squeeze %dma_wait3A_69 : memref<1x1x250x40xi32, #tpu.memory_space<hbm>> -> memref<250x40xi32, #tpu.memory_space<hbm>>
      %dma_wait3A_71 = arith.constant 0 : i32
      %dma_wait3A_72 = arith.constant 0 : i32
      %dma_wait3A_73 = tpu.memref_slice %arg3[%run_scoped3A, %add3A, %dma_wait3A_71, %dma_wait3A_72] : memref<2x32x250x40xi32, #tpu.memory_space<hbm>> -> memref<1x1x250x40xi32, #tpu.memory_space<hbm>>
      %dma_wait3A_74 = tpu.memref_squeeze %dma_wait3A_73 : memref<1x1x250x40xi32, #tpu.memory_space<hbm>> -> memref<250x40xi32, #tpu.memory_space<hbm>>
      tpu.wait_dma2 semaphore(%run_scoped3A_59 : memref<!tpu.dma_semaphore, #tpu.memory_space<semaphore_mem>>) src(%dma_wait3A_74 : memref<250x40xi32, #tpu.memory_space<hbm>>) dst(%arg5 : memref<250x40xi32, #tpu.memory_space<vmem>>)
      tpu.yield
    }) : () -> ()
    %run_scoped3A_1 = arith.constant 1 : i32
    "tpu.region"() ({
      %run_scoped3A_59 = tpu.sem_alloc : memref<!tpu.dma_semaphore, #tpu.memory_space<semaphore_mem>>
      %dma_start3A_60 = arith.constant 0 : i32
      %dma_start3A_61 = arith.constant 0 : i32
      %dma_start3A_62 = tpu.memref_slice %arg3[%run_scoped3A_1, %add3A, %dma_start3A_60, %dma_start3A_61] : memref<2x32x250x40xi32, #tpu.memory_space<hbm>> -> memref<1x1x250x40xi32, #tpu.memory_space<hbm>>
      %dma_start3A_63 = tpu.memref_squeeze %dma_start3A_62 : memref<1x1x250x40xi32, #tpu.memory_space<hbm>> -> memref<250x40xi32, #tpu.memory_space<hbm>>
      %dma_start3A_64 = arith.constant 0 : i32
      %dma_start3A_65 = arith.constant 0 : i32
      %dma_start3A_66 = tpu.memref_slice %arg3[%run_scoped3A_1, %add3A, %dma_start3A_64, %dma_start3A_65] : memref<2x32x250x40xi32, #tpu.memory_space<hbm>> -> memref<1x1x250x40xi32, #tpu.memory_space<hbm>>
      %dma_start3A_67 = tpu.memref_squeeze %dma_start3A_66 : memref<1x1x250x40xi32, #tpu.memory_space<hbm>> -> memref<250x40xi32, #tpu.memory_space<hbm>>
      tpu.enqueue_dma source(%dma_start3A_67 : memref<250x40xi32, #tpu.memory_space<hbm>>) target(%arg6 : memref<250x40xi32, #tpu.memory_space<vmem>>) target_semaphore(%run_scoped3A_59 : memref<!tpu.dma_semaphore, #tpu.memory_space<semaphore_mem>>)
      %dma_wait3A = arith.constant 0 : i32
      %dma_wait3A_68 = arith.constant 0 : i32
      %dma_wait3A_69 = tpu.memref_slice %arg3[%run_scoped3A_1, %add3A, %dma_wait3A, %dma_wait3A_68] : memref<2x32x250x40xi32, #tpu.memory_space<hbm>> -> memref<1x1x250x40xi32, #tpu.memory_space<hbm>>
      %dma_wait3A_70 = tpu.memref_squeeze %dma_wait3A_69 : memref<1x1x250x40xi32, #tpu.memory_space<hbm>> -> memref<250x40xi32, #tpu.memory_space<hbm>>
      %dma_wait3A_71 = arith.constant 0 : i32
      %dma_wait3A_72 = arith.constant 0 : i32
      %dma_wait3A_73 = tpu.memref_slice %arg3[%run_scoped3A_1, %add3A, %dma_wait3A_71, %dma_wait3A_72] : memref<2x32x250x40xi32, #tpu.memory_space<hbm>> -> memref<1x1x250x40xi32, #tpu.memory_space<hbm>>
      %dma_wait3A_74 = tpu.memref_squeeze %dma_wait3A_73 : memref<1x1x250x40xi32, #tpu.memory_space<hbm>> -> memref<250x40xi32, #tpu.memory_space<hbm>>
      tpu.wait_dma2 semaphore(%run_scoped3A_59 : memref<!tpu.dma_semaphore, #tpu.memory_space<semaphore_mem>>) src(%dma_wait3A_74 : memref<250x40xi32, #tpu.memory_space<hbm>>) dst(%arg6 : memref<250x40xi32, #tpu.memory_space<vmem>>)
      tpu.yield
    }) : () -> ()
    %scan3A = arith.constant 0 : i32
    %scan3A_2 = arith.constant 0 : i32
    %scan3A_3 = arith.constant 40 : i32
    %scan3A_4 = arith.addi %scan3A_2, %scan3A_3 : i32
    %scan3A_5 = arith.constant 1 : i32
    scf.for %scan3A_59 = %scan3A_2 to %scan3A_4 step %scan3A_5  : i32 {
      %broadcast_in_dim3A = arith.constant 0.000000e+00 : f32
      %broadcast_in_dim3A_60 = vector.broadcast %broadcast_in_dim3A : f32 to vector<16xf32>
      %swap3A = arith.index_cast %scan3A_59 : i32 to index
      %swap3A_61 = arith.constant 0 : index
      %swap3A_62 = tpu.vector_load %arg7[%swap3A, %swap3A_61] {strides = array<i32>} : memref<40x128xf32, #tpu.memory_space<vmem>>, vector<1x16xf32>,
      %swap3A_63 = vector.shape_cast %swap3A_62 : vector<1x16xf32> to vector<16xf32>
      %swap3A_64 = vector.shape_cast %broadcast_in_dim3A_60 : vector<16xf32> to vector<1x16xf32>
      tpu.vector_store %arg7[%swap3A, %swap3A_61], %swap3A_64 {strides = array<i32>} : memref<40x128xf32, #tpu.memory_space<vmem>>, vector<1x16xf32>,
      %broadcast_in_dim3A_65 = arith.constant 0.000000e+00 : f32
      %broadcast_in_dim3A_66 = vector.broadcast %broadcast_in_dim3A_65 : f32 to vector<16xf32>
      %swap3A_67 = arith.index_cast %scan3A_59 : i32 to index
      %swap3A_68 = arith.constant 16 : index
      %swap3A_69 = tpu.vector_load %arg7[%swap3A_67, %swap3A_68] {strides = array<i32>} : memref<40x128xf32, #tpu.memory_space<vmem>>, vector<1x16xf32>,
      %swap3A_70 = vector.shape_cast %swap3A_69 : vector<1x16xf32> to vector<16xf32>
      %swap3A_71 = vector.shape_cast %broadcast_in_dim3A_66 : vector<16xf32> to vector<1x16xf32>
      tpu.vector_store %arg7[%swap3A_67, %swap3A_68], %swap3A_71 {strides = array<i32>} : memref<40x128xf32, #tpu.memory_space<vmem>>, vector<1x16xf32>,
      %broadcast_in_dim3A_72 = arith.constant 0.000000e+00 : f32
      %broadcast_in_dim3A_73 = vector.broadcast %broadcast_in_dim3A_72 : f32 to vector<16xf32>
      %swap3A_74 = arith.index_cast %scan3A_59 : i32 to index
      %swap3A_75 = arith.constant 32 : index
      %swap3A_76 = tpu.vector_load %arg7[%swap3A_74, %swap3A_75] {strides = array<i32>} : memref<40x128xf32, #tpu.memory_space<vmem>>, vector<1x16xf32>,
      %swap3A_77 = vector.shape_cast %swap3A_76 : vector<1x16xf32> to vector<16xf32>
      %swap3A_78 = vector.shape_cast %broadcast_in_dim3A_73 : vector<16xf32> to vector<1x16xf32>
      tpu.vector_store %arg7[%swap3A_74, %swap3A_75], %swap3A_78 {strides = array<i32>} : memref<40x128xf32, #tpu.memory_space<vmem>>, vector<1x16xf32>,
      %broadcast_in_dim3A_79 = arith.constant 0.000000e+00 : f32
      %broadcast_in_dim3A_80 = vector.broadcast %broadcast_in_dim3A_79 : f32 to vector<16xf32>
      %swap3A_81 = arith.index_cast %scan3A_59 : i32 to index
      %swap3A_82 = arith.constant 48 : index
      %swap3A_83 = tpu.vector_load %arg7[%swap3A_81, %swap3A_82] {strides = array<i32>} : memref<40x128xf32, #tpu.memory_space<vmem>>, vector<1x16xf32>,
      %swap3A_84 = vector.shape_cast %swap3A_83 : vector<1x16xf32> to vector<16xf32>
      %swap3A_85 = vector.shape_cast %broadcast_in_dim3A_80 : vector<16xf32> to vector<1x16xf32>
      tpu.vector_store %arg7[%swap3A_81, %swap3A_82], %swap3A_85 {strides = array<i32>} : memref<40x128xf32, #tpu.memory_space<vmem>>, vector<1x16xf32>,
      %broadcast_in_dim3A_86 = arith.constant 0.000000e+00 : f32
      %broadcast_in_dim3A_87 = vector.broadcast %broadcast_in_dim3A_86 : f32 to vector<16xf32>
      %swap3A_88 = arith.index_cast %scan3A_59 : i32 to index
      %swap3A_89 = arith.constant 64 : index
      %swap3A_90 = tpu.vector_load %arg7[%swap3A_88, %swap3A_89] {strides = array<i32>} : memref<40x128xf32, #tpu.memory_space<vmem>>, vector<1x16xf32>,
      %swap3A_91 = vector.shape_cast %swap3A_90 : vector<1x16xf32> to vector<16xf32>
      %swap3A_92 = vector.shape_cast %broadcast_in_dim3A_87 : vector<16xf32> to vector<1x16xf32>
      tpu.vector_store %arg7[%swap3A_88, %swap3A_89], %swap3A_92 {strides = array<i32>} : memref<40x128xf32, #tpu.memory_space<vmem>>, vector<1x16xf32>,
      %broadcast_in_dim3A_93 = arith.constant 0.000000e+00 : f32
      %broadcast_in_dim3A_94 = vector.broadcast %broadcast_in_dim3A_93 : f32 to vector<16xf32>
      %swap3A_95 = arith.index_cast %scan3A_59 : i32 to index
      %swap3A_96 = arith.constant 80 : index
      %swap3A_97 = tpu.vector_load %arg7[%swap3A_95, %swap3A_96] {strides = array<i32>} : memref<40x128xf32, #tpu.memory_space<vmem>>, vector<1x16xf32>,
      %swap3A_98 = vector.shape_cast %swap3A_97 : vector<1x16xf32> to vector<16xf32>
      %swap3A_99 = vector.shape_cast %broadcast_in_dim3A_94 : vector<16xf32> to vector<1x16xf32>
      tpu.vector_store %arg7[%swap3A_95, %swap3A_96], %swap3A_99 {strides = array<i32>} : memref<40x128xf32, #tpu.memory_space<vmem>>, vector<1x16xf32>,
      %broadcast_in_dim3A_100 = arith.constant 0.000000e+00 : f32
      %broadcast_in_dim3A_101 = vector.broadcast %broadcast_in_dim3A_100 : f32 to vector<16xf32>
      %swap3A_102 = arith.index_cast %scan3A_59 : i32 to index
      %swap3A_103 = arith.constant 96 : index
      %swap3A_104 = tpu.vector_load %arg7[%swap3A_102, %swap3A_103] {strides = array<i32>} : memref<40x128xf32, #tpu.memory_space<vmem>>, vector<1x16xf32>,
      %swap3A_105 = vector.shape_cast %swap3A_104 : vector<1x16xf32> to vector<16xf32>
      %swap3A_106 = vector.shape_cast %broadcast_in_dim3A_101 : vector<16xf32> to vector<1x16xf32>
      tpu.vector_store %arg7[%swap3A_102, %swap3A_103], %swap3A_106 {strides = array<i32>} : memref<40x128xf32, #tpu.memory_space<vmem>>, vector<1x16xf32>,
      %broadcast_in_dim3A_107 = arith.constant 0.000000e+00 : f32
      %broadcast_in_dim3A_108 = vector.broadcast %broadcast_in_dim3A_107 : f32 to vector<16xf32>
      %swap3A_109 = arith.index_cast %scan3A_59 : i32 to index
      %swap3A_110 = arith.constant 112 : index
      %swap3A_111 = tpu.vector_load %arg7[%swap3A_109, %swap3A_110] {strides = array<i32>} : memref<40x128xf32, #tpu.memory_space<vmem>>, vector<1x16xf32>,
      %swap3A_112 = vector.shape_cast %swap3A_111 : vector<1x16xf32> to vector<16xf32>
      %swap3A_113 = vector.shape_cast %broadcast_in_dim3A_108 : vector<16xf32> to vector<1x16xf32>
      tpu.vector_store %arg7[%swap3A_109, %swap3A_110], %swap3A_113 {strides = array<i32>} : memref<40x128xf32, #tpu.memory_space<vmem>>, vector<1x16xf32>,
    }
    %scan3A_6 = arith.constant 40 : i32
    %eq3A = arith.constant 0 : i32
    %eq3A_7 = arith.cmpi eq, %arg0, %eq3A : i32
    %convert_element_type3A = arith.extui %eq3A_7 : i1 to i32
    %cond3A = arith.constant 0 : i32
    %cond3A_8 = arith.cmpi ne, %convert_element_type3A, %cond3A : i32
    scf.if %cond3A_8 {
      %lt3A = arith.constant 15 : i32
      %lt3A_59 = arith.cmpi slt, %arg1, %lt3A : i32
      %convert_element_type3A_60 = arith.extui %lt3A_59 : i1 to i32
      %cond3A_61 = arith.constant 0 : i32
      %cond3A_62 = arith.cmpi ne, %convert_element_type3A_60, %cond3A_61 : i32
      scf.if %cond3A_62 {
        %mul3A_68 = arith.constant 640 : i32
        %mul3A_69 = arith.muli %arg1, %mul3A_68 : i32
        %mul3A_70 = arith.constant 640 : i32
        %mul3A_71 = arith.muli %arg1, %mul3A_70 : i32
        "tpu.region"() ({
          %run_scoped3A_72 = tpu.sem_alloc : memref<!tpu.dma_semaphore, #tpu.memory_space<semaphore_mem>>
          %dma_start3A_73 = arith.constant 0 : i32
          %dma_start3A_74 = tpu.memref_slice %arg12[%mul3A_71, %dma_start3A_73] : memref<10240x128xf32, #tpu.memory_space<vmem_shared>> -> memref<640x128xf32, #tpu.memory_space<vmem_shared>>
          %dma_start3A_75 = arith.constant 0 : i32
          %dma_start3A_76 = tpu.memref_slice %arg2[%mul3A_69, %dma_start3A_75] : memref<10240x128xf32, #tpu.memory_space<hbm>> -> memref<640x128xf32, #tpu.memory_space<hbm>>
          tpu.enqueue_dma source(%dma_start3A_76 : memref<640x128xf32, #tpu.memory_space<hbm>>) target(%dma_start3A_74 : memref<640x128xf32, #tpu.memory_space<vmem_shared>>) target_semaphore(%run_scoped3A_72 : memref<!tpu.dma_semaphore, #tpu.memory_space<semaphore_mem>>)
          %dma_wait3A = arith.constant 0 : i32
          %dma_wait3A_77 = tpu.memref_slice %arg12[%mul3A_71, %dma_wait3A] : memref<10240x128xf32, #tpu.memory_space<vmem_shared>> -> memref<640x128xf32, #tpu.memory_space<vmem_shared>>
          %dma_wait3A_78 = arith.constant 0 : i32
          %dma_wait3A_79 = tpu.memref_slice %arg2[%mul3A_69, %dma_wait3A_78] : memref<10240x128xf32, #tpu.memory_space<hbm>> -> memref<640x128xf32, #tpu.memory_space<hbm>>
          tpu.wait_dma2 semaphore(%run_scoped3A_72 : memref<!tpu.dma_semaphore, #tpu.memory_space<semaphore_mem>>) src(%dma_wait3A_79 : memref<640x128xf32, #tpu.memory_space<hbm>>) dst(%dma_wait3A_77 : memref<640x128xf32, #tpu.memory_space<vmem_shared>>)
          tpu.yield
        }) : () -> ()
      } else {
      }
      %eq3A_63 = arith.constant 15 : i32
      %eq3A_64 = arith.cmpi eq, %arg1, %eq3A_63 : i32
      %convert_element_type3A_65 = arith.extui %eq3A_64 : i1 to i32
      %cond3A_66 = arith.constant 0 : i32
      %cond3A_67 = arith.cmpi ne, %convert_element_type3A_65, %cond3A_66 : i32
      scf.if %cond3A_67 {
        "tpu.region"() ({
          %run_scoped3A_74 = tpu.sem_alloc : memref<!tpu.dma_semaphore, #tpu.memory_space<semaphore_mem>>
          %dma_start3A_75 = arith.constant 9600 : i32
          %dma_start3A_76 = arith.constant 0 : i32
          %dma_start3A_77 = tpu.memref_slice %arg12[%dma_start3A_75, %dma_start3A_76] : memref<10240x128xf32, #tpu.memory_space<vmem_shared>> -> memref<400x128xf32, #tpu.memory_space<vmem_shared>>
          %dma_start3A_78 = arith.constant 9600 : i32
          %dma_start3A_79 = arith.constant 0 : i32
          %dma_start3A_80 = tpu.memref_slice %arg2[%dma_start3A_78, %dma_start3A_79] : memref<10240x128xf32, #tpu.memory_space<hbm>> -> memref<400x128xf32, #tpu.memory_space<hbm>>
          tpu.enqueue_dma source(%dma_start3A_80 : memref<400x128xf32, #tpu.memory_space<hbm>>) target(%dma_start3A_77 : memref<400x128xf32, #tpu.memory_space<vmem_shared>>) target_semaphore(%run_scoped3A_74 : memref<!tpu.dma_semaphore, #tpu.memory_space<semaphore_mem>>)
          %dma_wait3A = arith.constant 9600 : i32
          %dma_wait3A_81 = arith.constant 0 : i32
          %dma_wait3A_82 = tpu.memref_slice %arg12[%dma_wait3A, %dma_wait3A_81] : memref<10240x128xf32, #tpu.memory_space<vmem_shared>> -> memref<400x128xf32, #tpu.memory_space<vmem_shared>>
          %dma_wait3A_83 = arith.constant 9600 : i32
          %dma_wait3A_84 = arith.constant 0 : i32
          %dma_wait3A_85 = tpu.memref_slice %arg2[%dma_wait3A_83, %dma_wait3A_84] : memref<10240x128xf32, #tpu.memory_space<hbm>> -> memref<400x128xf32, #tpu.memory_space<hbm>>
          tpu.wait_dma2 semaphore(%run_scoped3A_74 : memref<!tpu.dma_semaphore, #tpu.memory_space<semaphore_mem>>) src(%dma_wait3A_85 : memref<400x128xf32, #tpu.memory_space<hbm>>) dst(%dma_wait3A_82 : memref<400x128xf32, #tpu.memory_space<vmem_shared>>)
          tpu.yield
        }) : () -> ()
        %scan3A_68 = arith.constant 0 : i32
        %scan3A_69 = arith.constant 0 : i32
        %scan3A_70 = arith.constant 6 : i32
        %scan3A_71 = arith.addi %scan3A_69, %scan3A_70 : i32
        %scan3A_72 = arith.constant 1 : i32
        scf.for %scan3A_74 = %scan3A_69 to %scan3A_71 step %scan3A_72  : i32 {
          %mul3A_75 = arith.constant 40 : i32
          %mul3A_76 = arith.muli %scan3A_74, %mul3A_75 : i32
          %add3A_77 = arith.constant 10000 : i32
          %add3A_78 = arith.addi %add3A_77, %mul3A_76 : i32
          "tpu.region"() ({
            %run_scoped3A_79 = tpu.sem_alloc : memref<!tpu.dma_semaphore, #tpu.memory_space<semaphore_mem>>
            %dma_start3A_80 = arith.constant 0 : i32
            %dma_start3A_81 = tpu.memref_slice %arg12[%add3A_78, %dma_start3A_80] : memref<10240x128xf32, #tpu.memory_space<vmem_shared>> -> memref<40x128xf32, #tpu.memory_space<vmem_shared>>
            %dma_start3A_82 = arith.constant 0 : i32
            %dma_start3A_83 = tpu.memref_slice %arg12[%add3A_78, %dma_start3A_82] : memref<10240x128xf32, #tpu.memory_space<vmem_shared>> -> memref<40x128xf32, #tpu.memory_space<vmem_shared>>
            tpu.enqueue_dma source(%arg7 : memref<40x128xf32, #tpu.memory_space<vmem>>) target(%dma_start3A_83 : memref<40x128xf32, #tpu.memory_space<vmem_shared>>) target_semaphore(%run_scoped3A_79 : memref<!tpu.dma_semaphore, #tpu.memory_space<semaphore_mem>>)
            %dma_wait3A = arith.constant 0 : i32
            %dma_wait3A_84 = tpu.memref_slice %arg12[%add3A_78, %dma_wait3A] : memref<10240x128xf32, #tpu.memory_space<vmem_shared>> -> memref<40x128xf32, #tpu.memory_space<vmem_shared>>
            %dma_wait3A_85 = arith.constant 0 : i32
            %dma_wait3A_86 = tpu.memref_slice %arg12[%add3A_78, %dma_wait3A_85] : memref<10240x128xf32, #tpu.memory_space<vmem_shared>> -> memref<40x128xf32, #tpu.memory_space<vmem_shared>>
            tpu.wait_dma2 semaphore(%run_scoped3A_79 : memref<!tpu.dma_semaphore, #tpu.memory_space<semaphore_mem>>) src(%arg7 : memref<40x128xf32, #tpu.memory_space<vmem>>) dst(%dma_wait3A_86 : memref<40x128xf32, #tpu.memory_space<vmem_shared>>)
            tpu.yield
          }) : () -> ()
        }
        %scan3A_73 = arith.constant 6 : i32
      } else {
      }
    } else {
    }
    %eq3A_9 = arith.constant 1 : i32
    %eq3A_10 = arith.cmpi eq, %arg0, %eq3A_9 : i32
    %convert_element_type3A_11 = arith.extui %eq3A_10 : i1 to i32
    %cond3A_12 = arith.constant 0 : i32
    %cond3A_13 = arith.cmpi ne, %convert_element_type3A_11, %cond3A_12 : i32
    scf.if %cond3A_13 {
      %scan3A_59 = arith.constant 0 : i32
      %scan3A_60 = arith.constant 0 : i32
      %scan3A_61 = arith.constant 16 : i32
      %scan3A_62 = arith.addi %scan3A_60, %scan3A_61 : i32
      %scan3A_63 = arith.constant 1 : i32
      scf.for %scan3A_65 = %scan3A_60 to %scan3A_62 step %scan3A_63  : i32 {
        %mul3A_66 = arith.constant 640 : i32
        %mul3A_67 = arith.muli %arg1, %mul3A_66 : i32
        %mul3A_68 = arith.constant 40 : i32
        %mul3A_69 = arith.muli %scan3A_65, %mul3A_68 : i32
        %add3A_70 = arith.addi %mul3A_67, %mul3A_69 : i32
        "tpu.region"() ({
          %run_scoped3A_71 = tpu.sem_alloc : memref<!tpu.dma_semaphore, #tpu.memory_space<semaphore_mem>>
          %dma_start3A_72 = arith.constant 0 : i32
          %dma_start3A_73 = tpu.memref_slice %arg12[%add3A_70, %dma_start3A_72] : memref<10240x128xf32, #tpu.memory_space<vmem_shared>> -> memref<40x128xf32, #tpu.memory_space<vmem_shared>>
          %dma_start3A_74 = arith.constant 0 : i32
          %dma_start3A_75 = tpu.memref_slice %arg12[%add3A_70, %dma_start3A_74] : memref<10240x128xf32, #tpu.memory_space<vmem_shared>> -> memref<40x128xf32, #tpu.memory_space<vmem_shared>>
          tpu.enqueue_dma source(%arg7 : memref<40x128xf32, #tpu.memory_space<vmem>>) target(%dma_start3A_75 : memref<40x128xf32, #tpu.memory_space<vmem_shared>>) target_semaphore(%run_scoped3A_71 : memref<!tpu.dma_semaphore, #tpu.memory_space<semaphore_mem>>)
          %dma_wait3A = arith.constant 0 : i32
          %dma_wait3A_76 = tpu.memref_slice %arg12[%add3A_70, %dma_wait3A] : memref<10240x128xf32, #tpu.memory_space<vmem_shared>> -> memref<40x128xf32, #tpu.memory_space<vmem_shared>>
          %dma_wait3A_77 = arith.constant 0 : i32
          %dma_wait3A_78 = tpu.memref_slice %arg12[%add3A_70, %dma_wait3A_77] : memref<10240x128xf32, #tpu.memory_space<vmem_shared>> -> memref<40x128xf32, #tpu.memory_space<vmem_shared>>
          tpu.wait_dma2 semaphore(%run_scoped3A_71 : memref<!tpu.dma_semaphore, #tpu.memory_space<semaphore_mem>>) src(%arg7 : memref<40x128xf32, #tpu.memory_space<vmem>>) dst(%dma_wait3A_78 : memref<40x128xf32, #tpu.memory_space<vmem_shared>>)
          tpu.yield
        }) : () -> ()
      }
      %scan3A_64 = arith.constant 16 : i32
    } else {
    }
    %dma_start3A = arith.constant 0 : i32
    %dma_start3A_14 = arith.constant 0 : i32
    %dma_start3A_15 = tpu.memref_slice %arg5[%dma_start3A, %dma_start3A_14] : memref<250x40xi32, #tpu.memory_space<vmem>> -> memref<1x40xi32, #tpu.memory_space<vmem>>
    %dma_start3A_16 = tpu.memref_squeeze %dma_start3A_15 : memref<1x40xi32, #tpu.memory_space<vmem>> -> memref<40xi32, #tpu.memory_space<vmem>>
    %dma_start3A_17 = arith.constant 0 : i32
    %dma_start3A_18 = arith.constant 0 : i32
    %dma_start3A_19 = tpu.memref_slice %arg2[%dma_start3A_17, %dma_start3A_18] : memref<10240x128xf32, #tpu.memory_space<hbm>> -> memref<10240x128xf32, #tpu.memory_space<hbm>>
    tpu.enqueue_indirect_dma source(%dma_start3A_19 : memref<10240x128xf32, #tpu.memory_space<hbm>>) target(%arg7 : memref<40x128xf32, #tpu.memory_space<vmem>>) offsets(%dma_start3A_16 : memref<40xi32, #tpu.memory_space<vmem>>) semaphore(%arg13 : memref<!tpu.dma_semaphore, #tpu.memory_space<semaphore_mem>>)
    %dma_start3A_20 = arith.constant 1 : i32
    %dma_start3A_21 = arith.constant 0 : i32
    %dma_start3A_22 = tpu.memref_slice %arg5[%dma_start3A_20, %dma_start3A_21] : memref<250x40xi32, #tpu.memory_space<vmem>> -> memref<1x40xi32, #tpu.memory_space<vmem>>
    %dma_start3A_23 = tpu.memref_squeeze %dma_start3A_22 : memref<1x40xi32, #tpu.memory_space<vmem>> -> memref<40xi32, #tpu.memory_space<vmem>>
    %dma_start3A_24 = arith.constant 0 : i32
    %dma_start3A_25 = arith.constant 0 : i32
    %dma_start3A_26 = tpu.memref_slice %arg2[%dma_start3A_24, %dma_start3A_25] : memref<10240x128xf32, #tpu.memory_space<hbm>> -> memref<10240x128xf32, #tpu.memory_space<hbm>>
    tpu.enqueue_indirect_dma source(%dma_start3A_26 : memref<10240x128xf32, #tpu.memory_space<hbm>>) target(%arg8 : memref<40x128xf32, #tpu.memory_space<vmem>>) offsets(%dma_start3A_23 : memref<40xi32, #tpu.memory_space<vmem>>) semaphore(%arg13 : memref<!tpu.dma_semaphore, #tpu.memory_space<semaphore_mem>>)
    %dma_start3A_27 = arith.constant 2 : i32
    %dma_start3A_28 = arith.constant 0 : i32
    %dma_start3A_29 = tpu.memref_slice %arg5[%dma_start3A_27, %dma_start3A_28] : memref<250x40xi32, #tpu.memory_space<vmem>> -> memref<1x40xi32, #tpu.memory_space<vmem>>
    %dma_start3A_30 = tpu.memref_squeeze %dma_start3A_29 : memref<1x40xi32, #tpu.memory_space<vmem>> -> memref<40xi32, #tpu.memory_space<vmem>>
    %dma_start3A_31 = arith.constant 0 : i32
    %dma_start3A_32 = arith.constant 0 : i32
    %dma_start3A_33 = tpu.memref_slice %arg2[%dma_start3A_31, %dma_start3A_32] : memref<10240x128xf32, #tpu.memory_space<hbm>> -> memref<10240x128xf32, #tpu.memory_space<hbm>>
    tpu.enqueue_indirect_dma source(%dma_start3A_33 : memref<10240x128xf32, #tpu.memory_space<hbm>>) target(%arg9 : memref<40x128xf32, #tpu.memory_space<vmem>>) offsets(%dma_start3A_30 : memref<40xi32, #tpu.memory_space<vmem>>) semaphore(%arg13 : memref<!tpu.dma_semaphore, #tpu.memory_space<semaphore_mem>>)
    %dma_start3A_34 = arith.constant 3 : i32
    %dma_start3A_35 = arith.constant 0 : i32
    %dma_start3A_36 = tpu.memref_slice %arg5[%dma_start3A_34, %dma_start3A_35] : memref<250x40xi32, #tpu.memory_space<vmem>> -> memref<1x40xi32, #tpu.memory_space<vmem>>
    %dma_start3A_37 = tpu.memref_squeeze %dma_start3A_36 : memref<1x40xi32, #tpu.memory_space<vmem>> -> memref<40xi32, #tpu.memory_space<vmem>>
    %dma_start3A_38 = arith.constant 0 : i32
    %dma_start3A_39 = arith.constant 0 : i32
    %dma_start3A_40 = tpu.memref_slice %arg2[%dma_start3A_38, %dma_start3A_39] : memref<10240x128xf32, #tpu.memory_space<hbm>> -> memref<10240x128xf32, #tpu.memory_space<hbm>>
    tpu.enqueue_indirect_dma source(%dma_start3A_40 : memref<10240x128xf32, #tpu.memory_space<hbm>>) target(%arg10 : memref<40x128xf32, #tpu.memory_space<vmem>>) offsets(%dma_start3A_37 : memref<40xi32, #tpu.memory_space<vmem>>) semaphore(%arg13 : memref<!tpu.dma_semaphore, #tpu.memory_space<semaphore_mem>>)
    %dma_start3A_41 = arith.constant 4 : i32
    %dma_start3A_42 = arith.constant 0 : i32
    %dma_start3A_43 = tpu.memref_slice %arg5[%dma_start3A_41, %dma_start3A_42] : memref<250x40xi32, #tpu.memory_space<vmem>> -> memref<1x40xi32, #tpu.memory_space<vmem>>
    %dma_start3A_44 = tpu.memref_squeeze %dma_start3A_43 : memref<1x40xi32, #tpu.memory_space<vmem>> -> memref<40xi32, #tpu.memory_space<vmem>>
    %dma_start3A_45 = arith.constant 0 : i32
    %dma_start3A_46 = arith.constant 0 : i32
    %dma_start3A_47 = tpu.memref_slice %arg2[%dma_start3A_45, %dma_start3A_46] : memref<10240x128xf32, #tpu.memory_space<hbm>> -> memref<10240x128xf32, #tpu.memory_space<hbm>>
    tpu.enqueue_indirect_dma source(%dma_start3A_47 : memref<10240x128xf32, #tpu.memory_space<hbm>>) target(%arg11 : memref<40x128xf32, #tpu.memory_space<vmem>>) offsets(%dma_start3A_44 : memref<40xi32, #tpu.memory_space<vmem>>) semaphore(%arg13 : memref<!tpu.dma_semaphore, #tpu.memory_space<semaphore_mem>>)
    %barrier3A = arith.constant 0 : index
    tpu.barrier barrier_id(%barrier3A)
    %scan3A_48 = arith.constant 0 : i32
    %scan3A_49 = arith.constant 0 : i32
    %scan3A_50 = arith.constant 50 : i32
    %scan3A_51 = arith.addi %scan3A_49, %scan3A_50 : i32
    %scan3A_52 = arith.constant 1 : i32
    scf.for %scan3A_59 = %scan3A_49 to %scan3A_51 step %scan3A_52  : i32 {
      %mul3A_60 = arith.constant 5 : i32
      %mul3A_61 = arith.muli %mul3A_60, %scan3A_59 : i32
      %add3A_62 = arith.constant 0 : i32
      %add3A_63 = arith.addi %mul3A_61, %add3A_62 : i32
      %dma_wait3A = arith.constant 0 : i32
      %dma_wait3A_64 = tpu.memref_slice %arg5[%add3A_63, %dma_wait3A] : memref<250x40xi32, #tpu.memory_space<vmem>> -> memref<1x40xi32, #tpu.memory_space<vmem>>
      %dma_wait3A_65 = tpu.memref_squeeze %dma_wait3A_64 : memref<1x40xi32, #tpu.memory_space<vmem>> -> memref<40xi32, #tpu.memory_space<vmem>>
      %dma_wait3A_66 = arith.constant 0 : i32
      %dma_wait3A_67 = arith.constant 0 : i32
      %dma_wait3A_68 = tpu.memref_slice %arg2[%dma_wait3A_66, %dma_wait3A_67] : memref<10240x128xf32, #tpu.memory_space<hbm>> -> memref<10240x128xf32, #tpu.memory_space<hbm>>
      tpu.wait_indirect_dma semaphore(%arg13 : memref<!tpu.dma_semaphore, #tpu.memory_space<semaphore_mem>>) src(%dma_wait3A_68 : memref<10240x128xf32, #tpu.memory_space<hbm>>) dst(%arg7 : memref<40x128xf32, #tpu.memory_space<vmem>>)
      "tpu.region"() ({
        %run_scoped3A_143 = tpu.sem_alloc : memref<!tpu.dma_semaphore, #tpu.memory_space<semaphore_mem>>
        %dma_start3A_144 = arith.constant 0 : i32
        %dma_start3A_145 = tpu.memref_slice %arg6[%add3A_63, %dma_start3A_144] : memref<250x40xi32, #tpu.memory_space<vmem>> -> memref<1x40xi32, #tpu.memory_space<vmem>>
        %dma_start3A_146 = tpu.memref_squeeze %dma_start3A_145 : memref<1x40xi32, #tpu.memory_space<vmem>> -> memref<40xi32, #tpu.memory_space<vmem>>
        %dma_start3A_147 = arith.constant 0 : i32
        %dma_start3A_148 = arith.constant 0 : i32
        %dma_start3A_149 = tpu.memref_slice %arg12[%dma_start3A_147, %dma_start3A_148] : memref<10240x128xf32, #tpu.memory_space<vmem_shared>> -> memref<10240x128xf32, #tpu.memory_space<vmem_shared>>
        tpu.enqueue_indirect_dma source(%arg7 : memref<40x128xf32, #tpu.memory_space<vmem>>) target(%dma_start3A_149 : memref<10240x128xf32, #tpu.memory_space<vmem_shared>>) offsets(%dma_start3A_146 : memref<40xi32, #tpu.memory_space<vmem>>) semaphore(%run_scoped3A_143 : memref<!tpu.dma_semaphore, #tpu.memory_space<semaphore_mem>>) {add = true}
        %dma_wait3A_150 = arith.constant 0 : i32
        %dma_wait3A_151 = tpu.memref_slice %arg6[%add3A_63, %dma_wait3A_150] : memref<250x40xi32, #tpu.memory_space<vmem>> -> memref<1x40xi32, #tpu.memory_space<vmem>>
        %dma_wait3A_152 = tpu.memref_squeeze %dma_wait3A_151 : memref<1x40xi32, #tpu.memory_space<vmem>> -> memref<40xi32, #tpu.memory_space<vmem>>
        %dma_wait3A_153 = arith.constant 0 : i32
        %dma_wait3A_154 = arith.constant 0 : i32
        %dma_wait3A_155 = tpu.memref_slice %arg12[%dma_wait3A_153, %dma_wait3A_154] : memref<10240x128xf32, #tpu.memory_space<vmem_shared>> -> memref<10240x128xf32, #tpu.memory_space<vmem_shared>>
        tpu.wait_indirect_dma semaphore(%run_scoped3A_143 : memref<!tpu.dma_semaphore, #tpu.memory_space<semaphore_mem>>) src(%arg7 : memref<40x128xf32, #tpu.memory_space<vmem>>) dst(%dma_wait3A_155 : memref<10240x128xf32, #tpu.memory_space<vmem_shared>>)
        tpu.yield
      }) : () -> ()
      %add3A_69 = arith.constant 5 : i32
      %add3A_70 = arith.addi %add3A_63, %add3A_69 : i32
      %lt3A = arith.constant 250 : i32
      %lt3A_71 = arith.cmpi slt, %add3A_70, %lt3A : i32
      %convert_element_type3A_72 = arith.extui %lt3A_71 : i1 to i32
      %cond3A_73 = arith.constant 0 : i32
      %cond3A_74 = arith.cmpi ne, %convert_element_type3A_72, %cond3A_73 : i32
      scf.if %cond3A_74 {
        %add3A_143 = arith.constant 5 : i32
        %add3A_144 = arith.addi %add3A_63, %add3A_143 : i32
        %dma_start3A_145 = arith.constant 0 : i32
        %dma_start3A_146 = tpu.memref_slice %arg5[%add3A_144, %dma_start3A_145] : memref<250x40xi32, #tpu.memory_space<vmem>> -> memref<1x40xi32, #tpu.memory_space<vmem>>
        %dma_start3A_147 = tpu.memref_squeeze %dma_start3A_146 : memref<1x40xi32, #tpu.memory_space<vmem>> -> memref<40xi32, #tpu.memory_space<vmem>>
        %dma_start3A_148 = arith.constant 0 : i32
        %dma_start3A_149 = arith.constant 0 : i32
        %dma_start3A_150 = tpu.memref_slice %arg2[%dma_start3A_148, %dma_start3A_149] : memref<10240x128xf32, #tpu.memory_space<hbm>> -> memref<10240x128xf32, #tpu.memory_space<hbm>>
        tpu.enqueue_indirect_dma source(%dma_start3A_150 : memref<10240x128xf32, #tpu.memory_space<hbm>>) target(%arg7 : memref<40x128xf32, #tpu.memory_space<vmem>>) offsets(%dma_start3A_147 : memref<40xi32, #tpu.memory_space<vmem>>) semaphore(%arg13 : memref<!tpu.dma_semaphore, #tpu.memory_space<semaphore_mem>>)
      } else {
      }
      %mul3A_75 = arith.constant 5 : i32
      %mul3A_76 = arith.muli %mul3A_75, %scan3A_59 : i32
      %add3A_77 = arith.constant 1 : i32
      %add3A_78 = arith.addi %mul3A_76, %add3A_77 : i32
      %dma_wait3A_79 = arith.constant 0 : i32
      %dma_wait3A_80 = tpu.memref_slice %arg5[%add3A_78, %dma_wait3A_79] : memref<250x40xi32, #tpu.memory_space<vmem>> -> memref<1x40xi32, #tpu.memory_space<vmem>>
      %dma_wait3A_81 = tpu.memref_squeeze %dma_wait3A_80 : memref<1x40xi32, #tpu.memory_space<vmem>> -> memref<40xi32, #tpu.memory_space<vmem>>
      %dma_wait3A_82 = arith.constant 0 : i32
      %dma_wait3A_83 = arith.constant 0 : i32
      %dma_wait3A_84 = tpu.memref_slice %arg2[%dma_wait3A_82, %dma_wait3A_83] : memref<10240x128xf32, #tpu.memory_space<hbm>> -> memref<10240x128xf32, #tpu.memory_space<hbm>>
      tpu.wait_indirect_dma semaphore(%arg13 : memref<!tpu.dma_semaphore, #tpu.memory_space<semaphore_mem>>) src(%dma_wait3A_84 : memref<10240x128xf32, #tpu.memory_space<hbm>>) dst(%arg8 : memref<40x128xf32, #tpu.memory_space<vmem>>)
      "tpu.region"() ({
        %run_scoped3A_143 = tpu.sem_alloc : memref<!tpu.dma_semaphore, #tpu.memory_space<semaphore_mem>>
        %dma_start3A_144 = arith.constant 0 : i32
        %dma_start3A_145 = tpu.memref_slice %arg6[%add3A_78, %dma_start3A_144] : memref<250x40xi32, #tpu.memory_space<vmem>> -> memref<1x40xi32, #tpu.memory_space<vmem>>
        %dma_start3A_146 = tpu.memref_squeeze %dma_start3A_145 : memref<1x40xi32, #tpu.memory_space<vmem>> -> memref<40xi32, #tpu.memory_space<vmem>>
        %dma_start3A_147 = arith.constant 0 : i32
        %dma_start3A_148 = arith.constant 0 : i32
        %dma_start3A_149 = tpu.memref_slice %arg12[%dma_start3A_147, %dma_start3A_148] : memref<10240x128xf32, #tpu.memory_space<vmem_shared>> -> memref<10240x128xf32, #tpu.memory_space<vmem_shared>>
        tpu.enqueue_indirect_dma source(%arg8 : memref<40x128xf32, #tpu.memory_space<vmem>>) target(%dma_start3A_149 : memref<10240x128xf32, #tpu.memory_space<vmem_shared>>) offsets(%dma_start3A_146 : memref<40xi32, #tpu.memory_space<vmem>>) semaphore(%run_scoped3A_143 : memref<!tpu.dma_semaphore, #tpu.memory_space<semaphore_mem>>) {add = true}
        %dma_wait3A_150 = arith.constant 0 : i32
        %dma_wait3A_151 = tpu.memref_slice %arg6[%add3A_78, %dma_wait3A_150] : memref<250x40xi32, #tpu.memory_space<vmem>> -> memref<1x40xi32, #tpu.memory_space<vmem>>
        %dma_wait3A_152 = tpu.memref_squeeze %dma_wait3A_151 : memref<1x40xi32, #tpu.memory_space<vmem>> -> memref<40xi32, #tpu.memory_space<vmem>>
        %dma_wait3A_153 = arith.constant 0 : i32
        %dma_wait3A_154 = arith.constant 0 : i32
        %dma_wait3A_155 = tpu.memref_slice %arg12[%dma_wait3A_153, %dma_wait3A_154] : memref<10240x128xf32, #tpu.memory_space<vmem_shared>> -> memref<10240x128xf32, #tpu.memory_space<vmem_shared>>
        tpu.wait_indirect_dma semaphore(%run_scoped3A_143 : memref<!tpu.dma_semaphore, #tpu.memory_space<semaphore_mem>>) src(%arg8 : memref<40x128xf32, #tpu.memory_space<vmem>>) dst(%dma_wait3A_155 : memref<10240x128xf32, #tpu.memory_space<vmem_shared>>)
        tpu.yield
      }) : () -> ()
      %add3A_85 = arith.constant 5 : i32
      %add3A_86 = arith.addi %add3A_78, %add3A_85 : i32
      %lt3A_87 = arith.constant 250 : i32
      %lt3A_88 = arith.cmpi slt, %add3A_86, %lt3A_87 : i32
      %convert_element_type3A_89 = arith.extui %lt3A_88 : i1 to i32
      %cond3A_90 = arith.constant 0 : i32
      %cond3A_91 = arith.cmpi ne, %convert_element_type3A_89, %cond3A_90 : i32
      scf.if %cond3A_91 {
        %add3A_143 = arith.constant 5 : i32
        %add3A_144 = arith.addi %add3A_78, %add3A_143 : i32
        %dma_start3A_145 = arith.constant 0 : i32
        %dma_start3A_146 = tpu.memref_slice %arg5[%add3A_144, %dma_start3A_145] : memref<250x40xi32, #tpu.memory_space<vmem>> -> memref<1x40xi32, #tpu.memory_space<vmem>>
        %dma_start3A_147 = tpu.memref_squeeze %dma_start3A_146 : memref<1x40xi32, #tpu.memory_space<vmem>> -> memref<40xi32, #tpu.memory_space<vmem>>
        %dma_start3A_148 = arith.constant 0 : i32
        %dma_start3A_149 = arith.constant 0 : i32
        %dma_start3A_150 = tpu.memref_slice %arg2[%dma_start3A_148, %dma_start3A_149] : memref<10240x128xf32, #tpu.memory_space<hbm>> -> memref<10240x128xf32, #tpu.memory_space<hbm>>
        tpu.enqueue_indirect_dma source(%dma_start3A_150 : memref<10240x128xf32, #tpu.memory_space<hbm>>) target(%arg8 : memref<40x128xf32, #tpu.memory_space<vmem>>) offsets(%dma_start3A_147 : memref<40xi32, #tpu.memory_space<vmem>>) semaphore(%arg13 : memref<!tpu.dma_semaphore, #tpu.memory_space<semaphore_mem>>)
      } else {
      }
      %mul3A_92 = arith.constant 5 : i32
      %mul3A_93 = arith.muli %mul3A_92, %scan3A_59 : i32
      %add3A_94 = arith.constant 2 : i32
      %add3A_95 = arith.addi %mul3A_93, %add3A_94 : i32
      %dma_wait3A_96 = arith.constant 0 : i32
      %dma_wait3A_97 = tpu.memref_slice %arg5[%add3A_95, %dma_wait3A_96] : memref<250x40xi32, #tpu.memory_space<vmem>> -> memref<1x40xi32, #tpu.memory_space<vmem>>
      %dma_wait3A_98 = tpu.memref_squeeze %dma_wait3A_97 : memref<1x40xi32, #tpu.memory_space<vmem>> -> memref<40xi32, #tpu.memory_space<vmem>>
      %dma_wait3A_99 = arith.constant 0 : i32
      %dma_wait3A_100 = arith.constant 0 : i32
      %dma_wait3A_101 = tpu.memref_slice %arg2[%dma_wait3A_99, %dma_wait3A_100] : memref<10240x128xf32, #tpu.memory_space<hbm>> -> memref<10240x128xf32, #tpu.memory_space<hbm>>
      tpu.wait_indirect_dma semaphore(%arg13 : memref<!tpu.dma_semaphore, #tpu.memory_space<semaphore_mem>>) src(%dma_wait3A_101 : memref<10240x128xf32, #tpu.memory_space<hbm>>) dst(%arg9 : memref<40x128xf32, #tpu.memory_space<vmem>>)
      "tpu.region"() ({
        %run_scoped3A_143 = tpu.sem_alloc : memref<!tpu.dma_semaphore, #tpu.memory_space<semaphore_mem>>
        %dma_start3A_144 = arith.constant 0 : i32
        %dma_start3A_145 = tpu.memref_slice %arg6[%add3A_95, %dma_start3A_144] : memref<250x40xi32, #tpu.memory_space<vmem>> -> memref<1x40xi32, #tpu.memory_space<vmem>>
        %dma_start3A_146 = tpu.memref_squeeze %dma_start3A_145 : memref<1x40xi32, #tpu.memory_space<vmem>> -> memref<40xi32, #tpu.memory_space<vmem>>
        %dma_start3A_147 = arith.constant 0 : i32
        %dma_start3A_148 = arith.constant 0 : i32
        %dma_start3A_149 = tpu.memref_slice %arg12[%dma_start3A_147, %dma_start3A_148] : memref<10240x128xf32, #tpu.memory_space<vmem_shared>> -> memref<10240x128xf32, #tpu.memory_space<vmem_shared>>
        tpu.enqueue_indirect_dma source(%arg9 : memref<40x128xf32, #tpu.memory_space<vmem>>) target(%dma_start3A_149 : memref<10240x128xf32, #tpu.memory_space<vmem_shared>>) offsets(%dma_start3A_146 : memref<40xi32, #tpu.memory_space<vmem>>) semaphore(%run_scoped3A_143 : memref<!tpu.dma_semaphore, #tpu.memory_space<semaphore_mem>>) {add = true}
        %dma_wait3A_150 = arith.constant 0 : i32
        %dma_wait3A_151 = tpu.memref_slice %arg6[%add3A_95, %dma_wait3A_150] : memref<250x40xi32, #tpu.memory_space<vmem>> -> memref<1x40xi32, #tpu.memory_space<vmem>>
        %dma_wait3A_152 = tpu.memref_squeeze %dma_wait3A_151 : memref<1x40xi32, #tpu.memory_space<vmem>> -> memref<40xi32, #tpu.memory_space<vmem>>
        %dma_wait3A_153 = arith.constant 0 : i32
        %dma_wait3A_154 = arith.constant 0 : i32
        %dma_wait3A_155 = tpu.memref_slice %arg12[%dma_wait3A_153, %dma_wait3A_154] : memref<10240x128xf32, #tpu.memory_space<vmem_shared>> -> memref<10240x128xf32, #tpu.memory_space<vmem_shared>>
        tpu.wait_indirect_dma semaphore(%run_scoped3A_143 : memref<!tpu.dma_semaphore, #tpu.memory_space<semaphore_mem>>) src(%arg9 : memref<40x128xf32, #tpu.memory_space<vmem>>) dst(%dma_wait3A_155 : memref<10240x128xf32, #tpu.memory_space<vmem_shared>>)
        tpu.yield
      }) : () -> ()
      %add3A_102 = arith.constant 5 : i32
      %add3A_103 = arith.addi %add3A_95, %add3A_102 : i32
      %lt3A_104 = arith.constant 250 : i32
      %lt3A_105 = arith.cmpi slt, %add3A_103, %lt3A_104 : i32
      %convert_element_type3A_106 = arith.extui %lt3A_105 : i1 to i32
      %cond3A_107 = arith.constant 0 : i32
      %cond3A_108 = arith.cmpi ne, %convert_element_type3A_106, %cond3A_107 : i32
      scf.if %cond3A_108 {
        %add3A_143 = arith.constant 5 : i32
        %add3A_144 = arith.addi %add3A_95, %add3A_143 : i32
        %dma_start3A_145 = arith.constant 0 : i32
        %dma_start3A_146 = tpu.memref_slice %arg5[%add3A_144, %dma_start3A_145] : memref<250x40xi32, #tpu.memory_space<vmem>> -> memref<1x40xi32, #tpu.memory_space<vmem>>
        %dma_start3A_147 = tpu.memref_squeeze %dma_start3A_146 : memref<1x40xi32, #tpu.memory_space<vmem>> -> memref<40xi32, #tpu.memory_space<vmem>>
        %dma_start3A_148 = arith.constant 0 : i32
        %dma_start3A_149 = arith.constant 0 : i32
        %dma_start3A_150 = tpu.memref_slice %arg2[%dma_start3A_148, %dma_start3A_149] : memref<10240x128xf32, #tpu.memory_space<hbm>> -> memref<10240x128xf32, #tpu.memory_space<hbm>>
        tpu.enqueue_indirect_dma source(%dma_start3A_150 : memref<10240x128xf32, #tpu.memory_space<hbm>>) target(%arg9 : memref<40x128xf32, #tpu.memory_space<vmem>>) offsets(%dma_start3A_147 : memref<40xi32, #tpu.memory_space<vmem>>) semaphore(%arg13 : memref<!tpu.dma_semaphore, #tpu.memory_space<semaphore_mem>>)
      } else {
      }
      %mul3A_109 = arith.constant 5 : i32
      %mul3A_110 = arith.muli %mul3A_109, %scan3A_59 : i32
      %add3A_111 = arith.constant 3 : i32
      %add3A_112 = arith.addi %mul3A_110, %add3A_111 : i32
      %dma_wait3A_113 = arith.constant 0 : i32
      %dma_wait3A_114 = tpu.memref_slice %arg5[%add3A_112, %dma_wait3A_113] : memref<250x40xi32, #tpu.memory_space<vmem>> -> memref<1x40xi32, #tpu.memory_space<vmem>>
      %dma_wait3A_115 = tpu.memref_squeeze %dma_wait3A_114 : memref<1x40xi32, #tpu.memory_space<vmem>> -> memref<40xi32, #tpu.memory_space<vmem>>
      %dma_wait3A_116 = arith.constant 0 : i32
      %dma_wait3A_117 = arith.constant 0 : i32
      %dma_wait3A_118 = tpu.memref_slice %arg2[%dma_wait3A_116, %dma_wait3A_117] : memref<10240x128xf32, #tpu.memory_space<hbm>> -> memref<10240x128xf32, #tpu.memory_space<hbm>>
      tpu.wait_indirect_dma semaphore(%arg13 : memref<!tpu.dma_semaphore, #tpu.memory_space<semaphore_mem>>) src(%dma_wait3A_118 : memref<10240x128xf32, #tpu.memory_space<hbm>>) dst(%arg10 : memref<40x128xf32, #tpu.memory_space<vmem>>)
      "tpu.region"() ({
        %run_scoped3A_143 = tpu.sem_alloc : memref<!tpu.dma_semaphore, #tpu.memory_space<semaphore_mem>>
        %dma_start3A_144 = arith.constant 0 : i32
        %dma_start3A_145 = tpu.memref_slice %arg6[%add3A_112, %dma_start3A_144] : memref<250x40xi32, #tpu.memory_space<vmem>> -> memref<1x40xi32, #tpu.memory_space<vmem>>
        %dma_start3A_146 = tpu.memref_squeeze %dma_start3A_145 : memref<1x40xi32, #tpu.memory_space<vmem>> -> memref<40xi32, #tpu.memory_space<vmem>>
        %dma_start3A_147 = arith.constant 0 : i32
        %dma_start3A_148 = arith.constant 0 : i32
        %dma_start3A_149 = tpu.memref_slice %arg12[%dma_start3A_147, %dma_start3A_148] : memref<10240x128xf32, #tpu.memory_space<vmem_shared>> -> memref<10240x128xf32, #tpu.memory_space<vmem_shared>>
        tpu.enqueue_indirect_dma source(%arg10 : memref<40x128xf32, #tpu.memory_space<vmem>>) target(%dma_start3A_149 : memref<10240x128xf32, #tpu.memory_space<vmem_shared>>) offsets(%dma_start3A_146 : memref<40xi32, #tpu.memory_space<vmem>>) semaphore(%run_scoped3A_143 : memref<!tpu.dma_semaphore, #tpu.memory_space<semaphore_mem>>) {add = true}
        %dma_wait3A_150 = arith.constant 0 : i32
        %dma_wait3A_151 = tpu.memref_slice %arg6[%add3A_112, %dma_wait3A_150] : memref<250x40xi32, #tpu.memory_space<vmem>> -> memref<1x40xi32, #tpu.memory_space<vmem>>
        %dma_wait3A_152 = tpu.memref_squeeze %dma_wait3A_151 : memref<1x40xi32, #tpu.memory_space<vmem>> -> memref<40xi32, #tpu.memory_space<vmem>>
        %dma_wait3A_153 = arith.constant 0 : i32
        %dma_wait3A_154 = arith.constant 0 : i32
        %dma_wait3A_155 = tpu.memref_slice %arg12[%dma_wait3A_153, %dma_wait3A_154] : memref<10240x128xf32, #tpu.memory_space<vmem_shared>> -> memref<10240x128xf32, #tpu.memory_space<vmem_shared>>
        tpu.wait_indirect_dma semaphore(%run_scoped3A_143 : memref<!tpu.dma_semaphore, #tpu.memory_space<semaphore_mem>>) src(%arg10 : memref<40x128xf32, #tpu.memory_space<vmem>>) dst(%dma_wait3A_155 : memref<10240x128xf32, #tpu.memory_space<vmem_shared>>)
        tpu.yield
      }) : () -> ()
      %add3A_119 = arith.constant 5 : i32
      %add3A_120 = arith.addi %add3A_112, %add3A_119 : i32
      %lt3A_121 = arith.constant 250 : i32
      %lt3A_122 = arith.cmpi slt, %add3A_120, %lt3A_121 : i32
      %convert_element_type3A_123 = arith.extui %lt3A_122 : i1 to i32
      %cond3A_124 = arith.constant 0 : i32
      %cond3A_125 = arith.cmpi ne, %convert_element_type3A_123, %cond3A_124 : i32
      scf.if %cond3A_125 {
        %add3A_143 = arith.constant 5 : i32
        %add3A_144 = arith.addi %add3A_112, %add3A_143 : i32
        %dma_start3A_145 = arith.constant 0 : i32
        %dma_start3A_146 = tpu.memref_slice %arg5[%add3A_144, %dma_start3A_145] : memref<250x40xi32, #tpu.memory_space<vmem>> -> memref<1x40xi32, #tpu.memory_space<vmem>>
        %dma_start3A_147 = tpu.memref_squeeze %dma_start3A_146 : memref<1x40xi32, #tpu.memory_space<vmem>> -> memref<40xi32, #tpu.memory_space<vmem>>
        %dma_start3A_148 = arith.constant 0 : i32
        %dma_start3A_149 = arith.constant 0 : i32
        %dma_start3A_150 = tpu.memref_slice %arg2[%dma_start3A_148, %dma_start3A_149] : memref<10240x128xf32, #tpu.memory_space<hbm>> -> memref<10240x128xf32, #tpu.memory_space<hbm>>
        tpu.enqueue_indirect_dma source(%dma_start3A_150 : memref<10240x128xf32, #tpu.memory_space<hbm>>) target(%arg10 : memref<40x128xf32, #tpu.memory_space<vmem>>) offsets(%dma_start3A_147 : memref<40xi32, #tpu.memory_space<vmem>>) semaphore(%arg13 : memref<!tpu.dma_semaphore, #tpu.memory_space<semaphore_mem>>)
      } else {
      }
      %mul3A_126 = arith.constant 5 : i32
      %mul3A_127 = arith.muli %mul3A_126, %scan3A_59 : i32
      %add3A_128 = arith.constant 4 : i32
      %add3A_129 = arith.addi %mul3A_127, %add3A_128 : i32
      %dma_wait3A_130 = arith.constant 0 : i32
      %dma_wait3A_131 = tpu.memref_slice %arg5[%add3A_129, %dma_wait3A_130] : memref<250x40xi32, #tpu.memory_space<vmem>> -> memref<1x40xi32, #tpu.memory_space<vmem>>
      %dma_wait3A_132 = tpu.memref_squeeze %dma_wait3A_131 : memref<1x40xi32, #tpu.memory_space<vmem>> -> memref<40xi32, #tpu.memory_space<vmem>>
      %dma_wait3A_133 = arith.constant 0 : i32
      %dma_wait3A_134 = arith.constant 0 : i32
      %dma_wait3A_135 = tpu.memref_slice %arg2[%dma_wait3A_133, %dma_wait3A_134] : memref<10240x128xf32, #tpu.memory_space<hbm>> -> memref<10240x128xf32, #tpu.memory_space<hbm>>
      tpu.wait_indirect_dma semaphore(%arg13 : memref<!tpu.dma_semaphore, #tpu.memory_space<semaphore_mem>>) src(%dma_wait3A_135 : memref<10240x128xf32, #tpu.memory_space<hbm>>) dst(%arg11 : memref<40x128xf32, #tpu.memory_space<vmem>>)
      "tpu.region"() ({
        %run_scoped3A_143 = tpu.sem_alloc : memref<!tpu.dma_semaphore, #tpu.memory_space<semaphore_mem>>
        %dma_start3A_144 = arith.constant 0 : i32
        %dma_start3A_145 = tpu.memref_slice %arg6[%add3A_129, %dma_start3A_144] : memref<250x40xi32, #tpu.memory_space<vmem>> -> memref<1x40xi32, #tpu.memory_space<vmem>>
        %dma_start3A_146 = tpu.memref_squeeze %dma_start3A_145 : memref<1x40xi32, #tpu.memory_space<vmem>> -> memref<40xi32, #tpu.memory_space<vmem>>
        %dma_start3A_147 = arith.constant 0 : i32
        %dma_start3A_148 = arith.constant 0 : i32
        %dma_start3A_149 = tpu.memref_slice %arg12[%dma_start3A_147, %dma_start3A_148] : memref<10240x128xf32, #tpu.memory_space<vmem_shared>> -> memref<10240x128xf32, #tpu.memory_space<vmem_shared>>
        tpu.enqueue_indirect_dma source(%arg11 : memref<40x128xf32, #tpu.memory_space<vmem>>) target(%dma_start3A_149 : memref<10240x128xf32, #tpu.memory_space<vmem_shared>>) offsets(%dma_start3A_146 : memref<40xi32, #tpu.memory_space<vmem>>) semaphore(%run_scoped3A_143 : memref<!tpu.dma_semaphore, #tpu.memory_space<semaphore_mem>>) {add = true}
        %dma_wait3A_150 = arith.constant 0 : i32
        %dma_wait3A_151 = tpu.memref_slice %arg6[%add3A_129, %dma_wait3A_150] : memref<250x40xi32, #tpu.memory_space<vmem>> -> memref<1x40xi32, #tpu.memory_space<vmem>>
        %dma_wait3A_152 = tpu.memref_squeeze %dma_wait3A_151 : memref<1x40xi32, #tpu.memory_space<vmem>> -> memref<40xi32, #tpu.memory_space<vmem>>
        %dma_wait3A_153 = arith.constant 0 : i32
        %dma_wait3A_154 = arith.constant 0 : i32
        %dma_wait3A_155 = tpu.memref_slice %arg12[%dma_wait3A_153, %dma_wait3A_154] : memref<10240x128xf32, #tpu.memory_space<vmem_shared>> -> memref<10240x128xf32, #tpu.memory_space<vmem_shared>>
        tpu.wait_indirect_dma semaphore(%run_scoped3A_143 : memref<!tpu.dma_semaphore, #tpu.memory_space<semaphore_mem>>) src(%arg11 : memref<40x128xf32, #tpu.memory_space<vmem>>) dst(%dma_wait3A_155 : memref<10240x128xf32, #tpu.memory_space<vmem_shared>>)
        tpu.yield
      }) : () -> ()
      %add3A_136 = arith.constant 5 : i32
      %add3A_137 = arith.addi %add3A_129, %add3A_136 : i32
      %lt3A_138 = arith.constant 250 : i32
      %lt3A_139 = arith.cmpi slt, %add3A_137, %lt3A_138 : i32
      %convert_element_type3A_140 = arith.extui %lt3A_139 : i1 to i32
      %cond3A_141 = arith.constant 0 : i32
      %cond3A_142 = arith.cmpi ne, %convert_element_type3A_140, %cond3A_141 : i32
      scf.if %cond3A_142 {
        %add3A_143 = arith.constant 5 : i32
        %add3A_144 = arith.addi %add3A_129, %add3A_143 : i32
        %dma_start3A_145 = arith.constant 0 : i32
        %dma_start3A_146 = tpu.memref_slice %arg5[%add3A_144, %dma_start3A_145] : memref<250x40xi32, #tpu.memory_space<vmem>> -> memref<1x40xi32, #tpu.memory_space<vmem>>
        %dma_start3A_147 = tpu.memref_squeeze %dma_start3A_146 : memref<1x40xi32, #tpu.memory_space<vmem>> -> memref<40xi32, #tpu.memory_space<vmem>>
        %dma_start3A_148 = arith.constant 0 : i32
        %dma_start3A_149 = arith.constant 0 : i32
        %dma_start3A_150 = tpu.memref_slice %arg2[%dma_start3A_148, %dma_start3A_149] : memref<10240x128xf32, #tpu.memory_space<hbm>> -> memref<10240x128xf32, #tpu.memory_space<hbm>>
        tpu.enqueue_indirect_dma source(%dma_start3A_150 : memref<10240x128xf32, #tpu.memory_space<hbm>>) target(%arg11 : memref<40x128xf32, #tpu.memory_space<vmem>>) offsets(%dma_start3A_147 : memref<40xi32, #tpu.memory_space<vmem>>) semaphore(%arg13 : memref<!tpu.dma_semaphore, #tpu.memory_space<semaphore_mem>>)
      } else {
      }
    }
    %scan3A_53 = arith.constant 50 : i32
    %barrier3A_54 = arith.constant 0 : index
    tpu.barrier barrier_id(%barrier3A_54)
    %mul3A_55 = arith.constant 640 : i32
    %mul3A_56 = arith.muli %arg1, %mul3A_55 : i32
    %mul3A_57 = arith.constant 640 : i32
    %mul3A_58 = arith.muli %arg1, %mul3A_57 : i32
    "tpu.region"() ({
      %run_scoped3A_59 = tpu.sem_alloc : memref<!tpu.dma_semaphore, #tpu.memory_space<semaphore_mem>>
      %dma_start3A_60 = arith.constant 0 : i32
      %dma_start3A_61 = tpu.memref_slice %arg4[%arg0, %mul3A_58, %dma_start3A_60] : memref<2x10240x128xf32, #tpu.memory_space<hbm>> -> memref<1x640x128xf32, #tpu.memory_space<hbm>>
      %dma_start3A_62 = tpu.memref_squeeze %dma_start3A_61 : memref<1x640x128xf32, #tpu.memory_space<hbm>> -> memref<640x128xf32, #tpu.memory_space<hbm>>
      %dma_start3A_63 = arith.constant 0 : i32
      %dma_start3A_64 = tpu.memref_slice %arg12[%mul3A_56, %dma_start3A_63] : memref<10240x128xf32, #tpu.memory_space<vmem_shared>> -> memref<640x128xf32, #tpu.memory_space<vmem_shared>>
      tpu.enqueue_dma source(%dma_start3A_64 : memref<640x128xf32, #tpu.memory_space<vmem_shared>>) target(%dma_start3A_62 : memref<640x128xf32, #tpu.memory_space<hbm>>) target_semaphore(%run_scoped3A_59 : memref<!tpu.dma_semaphore, #tpu.memory_space<semaphore_mem>>)
      %dma_wait3A = arith.constant 0 : i32
      %dma_wait3A_65 = tpu.memref_slice %arg4[%arg0, %mul3A_58, %dma_wait3A] : memref<2x10240x128xf32, #tpu.memory_space<hbm>> -> memref<1x640x128xf32, #tpu.memory_space<hbm>>
      %dma_wait3A_66 = tpu.memref_squeeze %dma_wait3A_65 : memref<1x640x128xf32, #tpu.memory_space<hbm>> -> memref<640x128xf32, #tpu.memory_space<hbm>>
      %dma_wait3A_67 = arith.constant 0 : i32
      %dma_wait3A_68 = tpu.memref_slice %arg12[%mul3A_56, %dma_wait3A_67] : memref<10240x128xf32, #tpu.memory_space<vmem_shared>> -> memref<640x128xf32, #tpu.memory_space<vmem_shared>>
      tpu.wait_dma2 semaphore(%run_scoped3A_59 : memref<!tpu.dma_semaphore, #tpu.memory_space<semaphore_mem>>) src(%dma_wait3A_68 : memref<640x128xf32, #tpu.memory_space<vmem_shared>>) dst(%dma_wait3A_66 : memref<640x128xf32, #tpu.memory_space<hbm>>)
      tpu.yield
    }) : () -> ()
    return
  }
}

module attributes {stable_mosaic.version = 14 : i64} {
  func.func @_mm1_body(%arg0: i32, %arg1: memref<1024x128xf32, #tpu.memory_space<vmem>>, %arg2: memref<128x128xf32, #tpu.memory_space<vmem>>, %arg3: memref<2x1024x1xf32, #tpu.memory_space<vmem>>, %arg4: memref<1024x128xf32, #tpu.memory_space<vmem>>) attributes {dimension_semantics = [#tpu.dimension_semantics<arbitrary>], iteration_bounds = array<i64: 10>, scalar_prefetch = 0 : i64, scratch_operands = 0 : i64, tpu.core_type = #tpu.core_type<tc>, window_params = [{transform_indices = @transform_0, window_bounds = array<i64: 1024, 128>}, {pipeline_mode = #tpu.pipeline_mode<synchronous>, transform_indices = @transform_1, window_bounds = array<i64: 128, 128>}, {transform_indices = @transform_2, window_bounds = array<i64: 2, 1024, 1>}, {transform_indices = @transform_3, window_bounds = array<i64: 1024, 128>}]} {
    %get3A = arith.constant 0 : index
    %get3A_0 = arith.constant 0 : index
    %get3A_1 = arith.constant 0 : index
    %get3A_2 = vector.load %arg3[%get3A, %get3A_0, %get3A_1] : memref<2x1024x1xf32, #tpu.memory_space<vmem>>, vector<1x1024x1xf32>
    %get3A_3 = vector.shape_cast %get3A_2 : vector<1x1024x1xf32> to vector<1024x1xf32>
    %get3A_4 = arith.constant 1 : index
    %get3A_5 = arith.constant 0 : index
    %get3A_6 = arith.constant 0 : index
    %get3A_7 = vector.load %arg3[%get3A_4, %get3A_5, %get3A_6] : memref<2x1024x1xf32, #tpu.memory_space<vmem>>, vector<1x1024x1xf32>
    %get3A_8 = vector.shape_cast %get3A_7 : vector<1x1024x1xf32> to vector<1024x1xf32>
    %add3A = arith.addf %get3A_3, %get3A_8 : vector<1024x1xf32>
    %add3A_9 = arith.constant 1.000000e+00 : f32
    %add3A_10 = vector.broadcast %add3A_9 : f32 to vector<1024x1xf32>
    %add3A_11 = arith.addf %add3A, %add3A_10 : vector<1024x1xf32>
    %rsqrt3A = math.rsqrt %add3A_11 : vector<1024x1xf32>
    %get3A_12 = arith.constant 0 : index
    %get3A_13 = arith.constant 0 : index
    %get3A_14 = vector.load %arg1[%get3A_12, %get3A_13] : memref<1024x128xf32, #tpu.memory_space<vmem>>, vector<1024x128xf32>
    %get3A_15 = arith.constant 0 : index
    %get3A_16 = arith.constant 0 : index
    %get3A_17 = vector.load %arg2[%get3A_15, %get3A_16] : memref<128x128xf32, #tpu.memory_space<vmem>>, vector<128x128xf32>
    %dot_general3A = arith.constant dense<0.000000e+00> : vector<1024x128xf32>
    %dot_general3A_18 = tpu.matmul %get3A_14, %get3A_17, %dot_general3A {dimension_numbers = #tpu.dot_dimension_numbers<[1], [0], [0], [1], [0, 0, 1, 1], [], []>, transpose_lhs_hint = false} : vector<1024x128xf32>, vector<128x128xf32>, vector<1024x128xf32> -> vector<1024x128xf32>
    %mul3A = vector.broadcast %rsqrt3A : vector<1024x1xf32> to vector<1024x128xf32>
    %mul3A_19 = arith.mulf %dot_general3A_18, %mul3A : vector<1024x128xf32>
    %swap3A = arith.constant 0 : index
    %swap3A_20 = arith.constant 0 : index
    %swap3A_21 = vector.load %arg4[%swap3A, %swap3A_20] : memref<1024x128xf32, #tpu.memory_space<vmem>>, vector<1024x128xf32>
    tpu.vector_store %arg4[%swap3A, %swap3A_20], %mul3A_19 {strides = array<i32>} : memref<1024x128xf32, #tpu.memory_space<vmem>>, vector<1024x128xf32>,
    return
  }
  func.func @transform_0(%arg0: i32) -> (i32, i32) {
    %c0_i32 = arith.constant 0 : i32
    %c0_i32_0 = arith.constant 0 : i32
    return %arg0, %c0_i32 : i32, i32
  }
  func.func @transform_1(%arg0: i32) -> (i32, i32) {
    %c0_i32 = arith.constant 0 : i32
    %c0_i32_0 = arith.constant 0 : i32
    %c0_i32_1 = arith.constant 0 : i32
    return %c0_i32, %c0_i32_0 : i32, i32
  }
  func.func @transform_2(%arg0: i32) -> (i32, i32, i32) {
    %c0_i32 = arith.constant 0 : i32
    %c0_i32_0 = arith.constant 0 : i32
    %c0_i32_1 = arith.constant 0 : i32
    return %c0_i32, %arg0, %c0_i32_0 : i32, i32, i32
  }
  func.func @transform_3(%arg0: i32) -> (i32, i32) {
    %c0_i32 = arith.constant 0 : i32
    %c0_i32_0 = arith.constant 0 : i32
    return %arg0, %c0_i32 : i32, i32
  }
}

module attributes {stable_mosaic.version = 14 : i64} {
  func.func @_mm2_body(%arg0: i32, %arg1: memref<2x1024x128xf32, #tpu.memory_space<vmem>>, %arg2: memref<2x1024x1xf32, #tpu.memory_space<vmem>>, %arg3: memref<1x128xf32, #tpu.memory_space<vmem>>, %arg4: memref<128x64xf32, #tpu.memory_space<vmem>>, %arg5: memref<1024x64xf32, #tpu.memory_space<vmem>>) attributes {dimension_semantics = [#tpu.dimension_semantics<arbitrary>], iteration_bounds = array<i64: 10>, scalar_prefetch = 0 : i64, scratch_operands = 0 : i64, tpu.core_type = #tpu.core_type<tc>, window_params = [{transform_indices = @transform_0, window_bounds = array<i64: 2, 1024, 128>}, {transform_indices = @transform_1, window_bounds = array<i64: 2, 1024, 1>}, {pipeline_mode = #tpu.pipeline_mode<synchronous>, transform_indices = @transform_2, window_bounds = array<i64: 1, 128>}, {pipeline_mode = #tpu.pipeline_mode<synchronous>, transform_indices = @transform_3, window_bounds = array<i64: 128, 64>}, {transform_indices = @transform_4, window_bounds = array<i64: 1024, 64>}]} {
    %get3A = arith.constant 0 : index
    %get3A_0 = arith.constant 0 : index
    %get3A_1 = arith.constant 0 : index
    %get3A_2 = vector.load %arg2[%get3A, %get3A_0, %get3A_1] : memref<2x1024x1xf32, #tpu.memory_space<vmem>>, vector<1x1024x1xf32>
    %get3A_3 = vector.shape_cast %get3A_2 : vector<1x1024x1xf32> to vector<1024x1xf32>
    %get3A_4 = arith.constant 1 : index
    %get3A_5 = arith.constant 0 : index
    %get3A_6 = arith.constant 0 : index
    %get3A_7 = vector.load %arg2[%get3A_4, %get3A_5, %get3A_6] : memref<2x1024x1xf32, #tpu.memory_space<vmem>>, vector<1x1024x1xf32>
    %get3A_8 = vector.shape_cast %get3A_7 : vector<1x1024x1xf32> to vector<1024x1xf32>
    %add3A = arith.addf %get3A_3, %get3A_8 : vector<1024x1xf32>
    %add3A_9 = arith.constant 1.000000e+00 : f32
    %add3A_10 = vector.broadcast %add3A_9 : f32 to vector<1024x1xf32>
    %add3A_11 = arith.addf %add3A, %add3A_10 : vector<1024x1xf32>
    %rsqrt3A = math.rsqrt %add3A_11 : vector<1024x1xf32>
    %get3A_12 = arith.constant 0 : index
    %get3A_13 = arith.constant 0 : index
    %get3A_14 = arith.constant 0 : index
    %get3A_15 = vector.load %arg1[%get3A_12, %get3A_13, %get3A_14] : memref<2x1024x128xf32, #tpu.memory_space<vmem>>, vector<1x1024x128xf32>
    %get3A_16 = vector.shape_cast %get3A_15 : vector<1x1024x128xf32> to vector<1024x128xf32>
    %get3A_17 = arith.constant 1 : index
    %get3A_18 = arith.constant 0 : index
    %get3A_19 = arith.constant 0 : index
    %get3A_20 = vector.load %arg1[%get3A_17, %get3A_18, %get3A_19] : memref<2x1024x128xf32, #tpu.memory_space<vmem>>, vector<1x1024x128xf32>
    %get3A_21 = vector.shape_cast %get3A_20 : vector<1x1024x128xf32> to vector<1024x128xf32>
    %add3A_22 = arith.addf %get3A_16, %get3A_21 : vector<1024x128xf32>
    %mul3A = vector.broadcast %rsqrt3A : vector<1024x1xf32> to vector<1024x128xf32>
    %mul3A_23 = arith.mulf %add3A_22, %mul3A : vector<1024x128xf32>
    %get3A_24 = arith.constant 0 : index
    %get3A_25 = arith.constant 0 : index
    %get3A_26 = vector.load %arg3[%get3A_24, %get3A_25] : memref<1x128xf32, #tpu.memory_space<vmem>>, vector<1x128xf32>
    %add3A_27 = vector.broadcast %get3A_26 : vector<1x128xf32> to vector<1024x128xf32>
    %add3A_28 = arith.addf %mul3A_23, %add3A_27 : vector<1024x128xf32>
    %max3A = arith.constant 0.000000e+00 : f32
    %max3A_29 = vector.broadcast %max3A : f32 to vector<1024x128xf32>
    %max3A_30 = arith.maximumf %add3A_28, %max3A_29 : vector<1024x128xf32>
    %get3A_31 = arith.constant 0 : index
    %get3A_32 = arith.constant 0 : index
    %get3A_33 = vector.load %arg4[%get3A_31, %get3A_32] : memref<128x64xf32, #tpu.memory_space<vmem>>, vector<128x64xf32>
    %dot_general3A = arith.constant dense<0.000000e+00> : vector<1024x64xf32>
    %dot_general3A_34 = tpu.matmul %max3A_30, %get3A_33, %dot_general3A {dimension_numbers = #tpu.dot_dimension_numbers<[1], [0], [0], [1], [0, 0, 1, 1], [], []>, transpose_lhs_hint = false} : vector<1024x128xf32>, vector<128x64xf32>, vector<1024x64xf32> -> vector<1024x64xf32>
    %mul3A_35 = vector.broadcast %rsqrt3A : vector<1024x1xf32> to vector<1024x64xf32>
    %mul3A_36 = arith.mulf %dot_general3A_34, %mul3A_35 : vector<1024x64xf32>
    %swap3A = arith.constant 0 : index
    %swap3A_37 = arith.constant 0 : index
    %swap3A_38 = vector.load %arg5[%swap3A, %swap3A_37] : memref<1024x64xf32, #tpu.memory_space<vmem>>, vector<1024x64xf32>
    tpu.vector_store %arg5[%swap3A, %swap3A_37], %mul3A_36 {strides = array<i32>} : memref<1024x64xf32, #tpu.memory_space<vmem>>, vector<1024x64xf32>,
    return
  }
  func.func @transform_0(%arg0: i32) -> (i32, i32, i32) {
    %c0_i32 = arith.constant 0 : i32
    %c0_i32_0 = arith.constant 0 : i32
    %c0_i32_1 = arith.constant 0 : i32
    return %c0_i32, %arg0, %c0_i32_0 : i32, i32, i32
  }
  func.func @transform_1(%arg0: i32) -> (i32, i32, i32) {
    %c0_i32 = arith.constant 0 : i32
    %c0_i32_0 = arith.constant 0 : i32
    %c0_i32_1 = arith.constant 0 : i32
    return %c0_i32, %arg0, %c0_i32_0 : i32, i32, i32
  }
  func.func @transform_2(%arg0: i32) -> (i32, i32) {
    %c0_i32 = arith.constant 0 : i32
    %c0_i32_0 = arith.constant 0 : i32
    %c0_i32_1 = arith.constant 0 : i32
    return %c0_i32, %c0_i32_0 : i32, i32
  }
  func.func @transform_3(%arg0: i32) -> (i32, i32) {
    %c0_i32 = arith.constant 0 : i32
    %c0_i32_0 = arith.constant 0 : i32
    %c0_i32_1 = arith.constant 0 : i32
    return %c0_i32, %c0_i32_0 : i32, i32
  }
  func.func @transform_4(%arg0: i32) -> (i32, i32) {
    %c0_i32 = arith.constant 0 : i32
    %c0_i32_0 = arith.constant 0 : i32
    return %arg0, %c0_i32 : i32, i32
  }
}

module attributes {stable_mosaic.version = 14 : i64} {
  func.func @_fin_body(%arg0: i32, %arg1: memref<2x1024x64xf32, #tpu.memory_space<vmem>>, %arg2: memref<2x1024x1xf32, #tpu.memory_space<vmem>>, %arg3: memref<1x64xf32, #tpu.memory_space<vmem>>, %arg4: memref<1024x64xf32, #tpu.memory_space<vmem>>) attributes {dimension_semantics = [#tpu.dimension_semantics<arbitrary>], iteration_bounds = array<i64: 10>, scalar_prefetch = 0 : i64, scratch_operands = 0 : i64, tpu.core_type = #tpu.core_type<tc>, window_params = [{transform_indices = @transform_0, window_bounds = array<i64: 2, 1024, 64>}, {transform_indices = @transform_1, window_bounds = array<i64: 2, 1024, 1>}, {pipeline_mode = #tpu.pipeline_mode<synchronous>, transform_indices = @transform_2, window_bounds = array<i64: 1, 64>}, {transform_indices = @transform_3, window_bounds = array<i64: 1024, 64>}]} {
    %get3A = arith.constant 0 : index
    %get3A_0 = arith.constant 0 : index
    %get3A_1 = arith.constant 0 : index
    %get3A_2 = vector.load %arg2[%get3A, %get3A_0, %get3A_1] : memref<2x1024x1xf32, #tpu.memory_space<vmem>>, vector<1x1024x1xf32>
    %get3A_3 = vector.shape_cast %get3A_2 : vector<1x1024x1xf32> to vector<1024x1xf32>
    %get3A_4 = arith.constant 1 : index
    %get3A_5 = arith.constant 0 : index
    %get3A_6 = arith.constant 0 : index
    %get3A_7 = vector.load %arg2[%get3A_4, %get3A_5, %get3A_6] : memref<2x1024x1xf32, #tpu.memory_space<vmem>>, vector<1x1024x1xf32>
    %get3A_8 = vector.shape_cast %get3A_7 : vector<1x1024x1xf32> to vector<1024x1xf32>
    %add3A = arith.addf %get3A_3, %get3A_8 : vector<1024x1xf32>
    %add3A_9 = arith.constant 1.000000e+00 : f32
    %add3A_10 = vector.broadcast %add3A_9 : f32 to vector<1024x1xf32>
    %add3A_11 = arith.addf %add3A, %add3A_10 : vector<1024x1xf32>
    %rsqrt3A = math.rsqrt %add3A_11 : vector<1024x1xf32>
    %get3A_12 = arith.constant 0 : index
    %get3A_13 = arith.constant 0 : index
    %get3A_14 = arith.constant 0 : index
    %get3A_15 = vector.load %arg1[%get3A_12, %get3A_13, %get3A_14] : memref<2x1024x64xf32, #tpu.memory_space<vmem>>, vector<1x1024x64xf32>
    %get3A_16 = vector.shape_cast %get3A_15 : vector<1x1024x64xf32> to vector<1024x64xf32>
    %get3A_17 = arith.constant 1 : index
    %get3A_18 = arith.constant 0 : index
    %get3A_19 = arith.constant 0 : index
    %get3A_20 = vector.load %arg1[%get3A_17, %get3A_18, %get3A_19] : memref<2x1024x64xf32, #tpu.memory_space<vmem>>, vector<1x1024x64xf32>
    %get3A_21 = vector.shape_cast %get3A_20 : vector<1x1024x64xf32> to vector<1024x64xf32>
    %add3A_22 = arith.addf %get3A_16, %get3A_21 : vector<1024x64xf32>
    %mul3A = vector.broadcast %rsqrt3A : vector<1024x1xf32> to vector<1024x64xf32>
    %mul3A_23 = arith.mulf %add3A_22, %mul3A : vector<1024x64xf32>
    %get3A_24 = arith.constant 0 : index
    %get3A_25 = arith.constant 0 : index
    %get3A_26 = vector.load %arg3[%get3A_24, %get3A_25] : memref<1x64xf32, #tpu.memory_space<vmem>>, vector<1x64xf32>
    %add3A_27 = vector.broadcast %get3A_26 : vector<1x64xf32> to vector<1024x64xf32>
    %add3A_28 = arith.addf %mul3A_23, %add3A_27 : vector<1024x64xf32>
    %swap3A = arith.constant 0 : index
    %swap3A_29 = arith.constant 0 : index
    %swap3A_30 = vector.load %arg4[%swap3A, %swap3A_29] : memref<1024x64xf32, #tpu.memory_space<vmem>>, vector<1024x64xf32>
    tpu.vector_store %arg4[%swap3A, %swap3A_29], %add3A_28 {strides = array<i32>} : memref<1024x64xf32, #tpu.memory_space<vmem>>, vector<1024x64xf32>,
    return
  }
  func.func @transform_0(%arg0: i32) -> (i32, i32, i32) {
    %c0_i32 = arith.constant 0 : i32
    %c0_i32_0 = arith.constant 0 : i32
    %c0_i32_1 = arith.constant 0 : i32
    return %c0_i32, %arg0, %c0_i32_0 : i32, i32, i32
  }
  func.func @transform_1(%arg0: i32) -> (i32, i32, i32) {
    %c0_i32 = arith.constant 0 : i32
    %c0_i32_0 = arith.constant 0 : i32
    %c0_i32_1 = arith.constant 0 : i32
    return %c0_i32, %arg0, %c0_i32_0 : i32, i32, i32
  }
  func.func @transform_2(%arg0: i32) -> (i32, i32) {
    %c0_i32 = arith.constant 0 : i32
    %c0_i32_0 = arith.constant 0 : i32
    %c0_i32_1 = arith.constant 0 : i32
    return %c0_i32, %c0_i32_0 : i32, i32
  }
  func.func @transform_3(%arg0: i32) -> (i32, i32) {
    %c0_i32 = arith.constant 0 : i32
    %c0_i32_0 = arith.constant 0 : i32
    return %arg0, %c0_i32 : i32, i32
  }
}

</mosaic_0001>

<sc_bundles>
// kernel: kernel.11.cloned.1.call-start
scs
__scs_entry_jumppad:
0x0: {  	(pc) =	sbr.rel $0x88, $3  }
0x1: {  	(tag) =	ssettag $0x0;
	lr =	simm.s32 $0x1  }
0x2: {  	[smem:$0x3F9B] =	sst lr;
	_ =	strace $0xD0000000  }
0x3: {  	_ = 	snop  }
0x4: {  	_ = 	snop  }
0x5: {  	_ = 	snop  }
0x6: {  	_ = 	snop  }
0x7: {  	_ = 	snop  }
__scs_overlays_trampoline_lowered:
0x8: {  	[smem:$0x3FAA] =	sst s0  }
0x9: {  	[smem:$0x3FAB] =	sst s1  }
0xa: {  	[smem:$0x3FAC] =	sst s2  }
0xb: {  	[smem:$0x3FAD] =	sst s3  }
0xc: {  	[smem:$0x3FAE] =	sst s4  }
0xd: {  	[smem:$0x3FAF] =	sst s5  }
0xe: {  	[smem:$0x3FB0] =	sst s6  }
0xf: {  	[smem:$0x3FB1] =	sst s7  }
0x10: {  	[smem:$0x3FB2] =	sst s8  }
0x11: {  	[smem:$0x3FB3] =	sst s9;
	s0 =	simm.s32 @!p0 $0x0  }
0x12: {  	s1 =	sld [smem:$0x3F99];
	s0 =	simm.s32 @p0 $0x1  }
0x13: {  	[smem:$0x3FB4] =	sst s0;
	s0 =	simm.s32 @!p1 $0x0  }
0x14: {  	s2 =	sld [smem:$0x3F98];
	s0 =	simm.s32 @p1 $0x1  }
0x15: {  	[smem:$0x3FB5] =	sst s0;
	s0 =	simm.s32 @!p2 $0x0  }
0x16: {  	s3 =	sld [smem:$0x3FDB];
	s0 =	simm.s32 @p2 $0x1  }
0x17: {  	s4 =	simm.s32 $0x1BF5;
	[smem:$0x3FB7] =	sst s0  }
0x18: {  	s0 =	sld [smem:$0x3F9A];
	_ =	swait.ge [sflag:s4], $0x0  }
0x19: {  	s7 =	sld [smem:$0x3F9B]  }
0x1a: {  	s8 =	sadd.s32 $0xFFFFE003, lr  }
0x1b: {  	s9 =	sadd.s32 $0xFFFFFEF7, lr;
	s5 =	simm.s32 $0xFFFFFFFF;
	p2 =	slt.u32 s8, $0xFFFFF086  }
0x1c: {  	p1 =	slt.u32 s9, $0xF7A;
	s5 =	simm.s32 @!p2 $0x0  }
0x1d: {  	s5 =	simm.s32 @p1 $0x1;
	p0 =	seq.s32 s7, s2  }
0x1e: {  	s7 =	smul.u32 @!p0 $0xF7A, s2;
	p2 =	seq.s32 @!p0 s5, $0x0  }
0x1f: {  	s9 =	smul.u32 $0xF7A, s1;
	s8 =	simm.s32 @!p0 $0x1BF5;
	p2 =	por !p2, p0  }
0x20: {  	[sflag:s8] =	ssyncset.s32 @!p0 $0xFFFFF086;
	s6 =	sadd.s32 @!p0 s3, s7;
	s7 =	simm.s32 @!p0 $0x108  }
0x21: {  	s3 =	sadd.s32 s3, s9;
	s6 =	sadd.s32 @!p0 $0x88, s6;
	s7 =	simm.s32 @p2 $0x1082  }
0x22: {  	[simem:s7], [sflag:s8] =	dma.local @!p0 [hbm:s6], $0xF7A  }
0x23: {  	s9 =	sor.u32 $0xD0000000, s2;
	s6 =	simm.s32 $0x108;
	_ =	swait.ge @!p0 [sflag:s8], $0x0  }
0x24: {  	s3 =	sadd.s32 $0x88, s3;
	s6 =	simm.s32 @!p1 $0x1082;
	[sflag:s4] =	ssyncset.s32 $0xFFFFF086  }
0x25: {  	[simem:s6], [sflag:s4] =	dma.local [hbm:s3], $0xF7A  }
0x26: {  	[smem:$0x3F9B] =	sst s1;
	(tag) =	ssettag s2;
	_ =	strace s9  }
0x27: {  	s1 =	sld [smem:$0x3FAB]  }
0x28: {  	s2 =	sld [smem:$0x3FAC]  }
0x29: {  	s4 =	sld [smem:$0x3FAE]  }
0x2a: {  	p0 =	seq.s32 s5, $0x0;
	s5 =	sld [smem:$0x3FAF]  }
0x2b: {  	s6 =	sld [smem:$0x3FB0]  }
0x2c: {  	s7 =	sld [smem:$0x3FB1]  }
0x2d: {  	s3 =	simm.s32 $0x108;
	s8 =	sld [smem:$0x3FB2]  }
0x2e: {  	s3 =	simm.s32 @!p0 $0x1082;
	s9 =	sld [smem:$0x3FB3]  }
0x2f: {  	lr =	sadd.s32 s0, s3;
	s0 =	sld [smem:$0x3FAA]  }
0x30: {  	s3 =	sld [smem:$0x3FAD]  }
0x31: {  	[smem:$0x3FB6] =	sst s10  }
0x32: {  	s10 =	sld [smem:$0x3FB4];
	_ =	sdelay $0x3  }
0x33: {  	p0 =	seq.s32 s10, $0x1;
	s10 =	sld [smem:$0x3FB6];
	_ =	sdelay $0x3  }
0x34: {  	[smem:$0x3FB6] =	sst s10  }
0x35: {  	s10 =	sld [smem:$0x3FB5];
	_ =	sdelay $0x3  }
0x36: {  	p1 =	seq.s32 s10, $0x1;
	s10 =	sld [smem:$0x3FB6];
	_ =	sdelay $0x3  }
0x37: {  	[smem:$0x3FB6] =	sst s10  }
0x38: {  	s10 =	sld [smem:$0x3FB7]  }
0x39: {  	_ = 	snop;
	(pc) =	sbr.ind lr, $3  }
0x3a: {  	_ = 	snop  }
0x3b: {  	_ = 	snop  }
0x3c: {  	p2 =	seq.s32 s10, $0x1;
	s10 =	sld [smem:$0x3FB6]  }
0x3d: {  	_ =	shalt  }
0x3e: {  	_ =	shalt  }
0x3f: {  	_ =	shalt  }
0x40: {  	_ =	shalt  }
0x41: {  	_ =	shalt  }
0x42: {  	_ =	shalt  }
0x43: {  	_ =	shalt  }
0x44: {  	_ =	shalt  }
0x45: {  	_ =	shalt  }
0x46: {  	_ =	shalt  }
0x47: {  	_ =	shalt  }
0x48: {  	_ =	shalt  }
0x49: {  	_ =	shalt  }
0x4a: {  	_ =	shalt  }
0x4b: {  	_ =	shalt  }
0x4c: {  	_ =	shalt  }
0x4d: {  	_ =	shalt  }
0x4e: {  	_ =	shalt  }
0x4f: {  	_ =	shalt  }
0x50: {  	_ =	shalt  }
0x51: {  	_ =	shalt  }
0x52: {  	_ =	shalt  }
0x53: {  	_ =	shalt  }
0x54: {  	_ =	shalt  }
0x55: {  	_ =	shalt  }
0x56: {  	_ =	shalt  }
0x57: {  	_ =	shalt  }
0x58: {  	_ =	shalt  }
0x59: {  	_ =	shalt  }
0x5a: {  	_ =	shalt  }
0x5b: {  	_ =	shalt  }
0x5c: {  	_ =	shalt  }
0x5d: {  	_ =	shalt  }
0x5e: {  	_ =	shalt  }
0x5f: {  	_ =	shalt  }
0x60: {  	_ =	shalt  }
0x61: {  	_ =	shalt  }
0x62: {  	_ =	shalt  }
0x63: {  	_ =	shalt  }
0x64: {  	_ =	shalt  }
0x65: {  	_ =	shalt  }
0x66: {  	_ =	shalt  }
0x67: {  	_ =	shalt  }
0x68: {  	_ =	shalt  }
0x69: {  	_ =	shalt  }
0x6a: {  	_ =	shalt  }
0x6b: {  	_ =	shalt  }
0x6c: {  	_ =	shalt  }
0x6d: {  	_ =	shalt  }
0x6e: {  	_ =	shalt  }
0x6f: {  	_ =	shalt  }
0x70: {  	_ =	shalt  }
0x71: {  	_ =	shalt  }
0x72: {  	_ =	shalt  }
0x73: {  	_ =	shalt  }
0x74: {  	_ =	shalt  }
0x75: {  	_ =	shalt  }
0x76: {  	_ =	shalt  }
0x77: {  	_ =	shalt  }
0x78: {  	_ =	shalt  }
0x79: {  	_ =	shalt  }
0x7a: {  	_ =	shalt  }
0x7b: {  	_ =	shalt  }
0x7c: {  	_ =	shalt  }
0x7d: {  	_ =	shalt  }
0x7e: {  	_ =	shalt  }
0x7f: {  	_ =	shalt  }
0x80: {  	_ =	shalt  }
0x81: {  	_ =	shalt  }
0x82: {  	_ =	shalt  }
0x83: {  	_ =	shalt  }
0x84: {  	_ =	shalt  }
0x85: {  	_ =	shalt  }
0x86: {  	_ =	shalt  }
0x87: {  	_ =	shalt  }
.Lfunc_end0:
.L_simem_size_0:
called_computation.1_lowered:
.L_overlay_start_0:
0x88: {  	s2 =	sld [smem:$0x3FD9]  }
0x89: {  	s3 =	sld [smem:$0x3FFE];
	_ =	sdelay $0x1  }
0x8a: {  	s1 =	srdreg.scid  }
0x8b: {  	s0 =	sand.u32 $0x1, s1  }
0x8c: {  	s17 =	sshll.u32 s0, $0xA;
	s2 =	sadd.s32 s3, s2  }
0x8d: {  	s2 =	sadd.s32 s2, s17  }
0x8e: {  	[smem:$0x3FC2] =	sst s2  }
0x8f: {  	_ = 	snop  }
0x90: {  	s2 =	sld [smem:$0x3FD0];
	(tm) =	ssettm $0x1  }
0x91: {  	s18 =	sld [smem:$0x3FFB];
	_ =	sdelay $0x3  }
0x92: {  	_ =	strace s18  }
0x93: {  	s3 =	sld [smem:$0x3FFC];
	_ =	sdelay $0x3  }
0x94: {  	_ =	strace s3  }
0x95: {  	s3 =	sld [smem:$0x3FFD];
	_ =	sdelay $0x3  }
0x96: {  	_ =	strace s3  }
0x97: {  	_ =	strace $0x8FFFFFFF  }
0x98: {  	s19 =	sld [smem:$0x3FDB];
	_ =	sdelay $0x1  }
0x99: {  	s4 =	simm.s32 $_scs_section_size  }
0x9a: {  	s5 =	simm.s32 $_size__tile_overlayer_lowered;
	s6 =	simm.s32 $_tile_overlayer_lowered  }
0x9b: {  	s22 =	simm.s32 $0x1BFF;
	s21 =	sshll.u32 s6, $0x1;
	s3 =	sadd.s32 s4, s19  }
0x9c: {  	s7 =	simm.s32 $0x0;
	s20 =	sshll.u32 s5, $0x1;
	s5 =	sadd.s32 s21, s3  }
0x9d: {  	[timem:s7], [sflag:s22] =	dma.local [hbm:s5], s20  }
0x9e: {  	_ =	swait.ge [sflag:s22], s20  }
0x9f: {  	s4 =	ssub.s32 $0x0, s20;
	[sflag:s22] =	ssyncset.done $0x0  }
0xa0: {  	[sflag:s22] =	ssyncadd.s32 s4;
	_ =	sdelay $0x1  }
0xa1: {  	s23 =	simm.s32 $0x1B8B  }
0xa2: {  	_ =	swait.ge [sflag:s23], $0x1  }
0xa3: {  	[sflag:s23] =	ssyncset.done $0x0  }
0xa4: {  	s25 =	simm.s32 $0x1B8E;
	s24 =	sld [smem:$0x3FFE];
	[sflag:s23] =	ssyncadd.s32 $0xFFFFFFFF  }
0xa5: {  	s26 =	simm.s32 $execute0_lowered;
	[smem:$0x3FD2] =	sst s25  }
0xa6: {  	s5 =	sshll.u32 s26, $0x1;
	_ =	strace $0x80000049;
	[dreg:$0x1] =	wrdreg $0xFFFFFFFF  }
0xa7: {  	s28 =	simm.s32 $_size_execute0_lowered;
	s3 =	sadd.s32 s3, s5;
	[dreg:$0x0] =	wrdreg $0x0  }
0xa8: {  	s5 =	sshll.u32 s28, $0x1;
	[dreg:$0x2] =	wrdreg s3  }
0xa9: {  	[dreg:$0x3] =	wrdreg s5  }
0xaa: {  	[dreg:$0x4] =	wrdreg $0xC0  }
0xab: {  	_ =	task [dreg:s7], $0x5FFFF  }
0xac: {  	[dreg:$0x1] =	wrdreg $0xFFFFFFFF  }
0xad: {  	[dreg:$0x0] =	wrdreg $0x60  }
0xae: {  	[dreg:$0x2] =	wrdreg s24  }
0xaf: {  	[dreg:$0x3] =	wrdreg s2  }
0xb0: {  	[dreg:$0x4] =	wrdreg $0xB2200  }
0xb1: {  	[dreg:$0x5] =	wrdreg $0x9  }
0xb2: {  	_ =	task.clear_ibuf [dreg:s7], $0x6FFFF;
	_ =	strace $0x90000049  }
0xb3: {  	s29 =	simm.s32 $0x9;
	_ =	strace $0x8000004B  }
0xb4: {  	_ =	swait.ge [sflag:s29], $0x1  }
0xb5: {  	[sflag:s29] =	ssyncadd.s32 $0xFFFFFFFF  }
0xb6: {  	_ =	strace $0x9000004B  }
0xb7: {  	_ =	sfence  }
0xb8: {  	s30 =	sld [smem:$0x0];
	_ =	sdelay $0x2  }
0xb9: {  	s31 =	sshll.u32 s1, $0xD;
	s1 =	sshrl.u32 s1, $0x2  }
0xba: {  	s3 =	sand.u32 $0x4000, s31;
	s1 =	sadd.s32 s1, s30  }
0xbb: {  	s0 =	sor.u32 s3, s0;
	s1 =	sshll.u32 s1, $0x11  }
0xbc: {  	s0 =	sor.u32 s1, s0  }
0xbd: {  	s0 =	sadd.s32 $0x8F2B, s0  }
0xbe: {  	[sflag:s0] =	ssyncadd.remote.s32 $0x1  }
0xbf: {  	_ =	sfence.sel $0xFFFF  }
0xc0: {  	[dreg:$0x0] =	wrdreg $0xFFFFFFFF;
	(pc) =	sbr.abs _section_cstart, $3  }
0xc1: {  	[dreg:$0x1] =	wrdreg $0xFFFFFFFF  }
0xc2: {  	_ =	task.clear_ibuf [dreg:s7], $0x2FFFF;
	_ =	strace $0x9FFFFFFF  }
0xc3: {  	(tm) =	ssettm $0x7FFFFFFF  }
tec
execute0_lowered:
.L_overlay_start_1:
0x0: {  	(tag) =	ssettag $0x1  }
0x1: {  	s0 =	rddreg [dreg:$0x0]  }
0x2: {  	s5 =	rddreg [dreg:$0x1]  }
0x3: {  	s2 =	rddreg [dreg:$0x2];
	s1 =	stileid.u32  }
0x4: {  	s3 =	srdreg.scid;
	s28 =	simm.s32 $0x4DA8;
	s8 =	smul.u32 $0x14000, s1  }
0x5: {  	s29 =	simm.s32 $0x4DD0;
	s7 =	sand.u32 $0x1, s3;
	s24 =	smul.u32 $0x50000, s1  }
0x6: {  	s4 =	sshll.u32 s1, $0x1;
	s25 =	sadd.s32 $0x138800, s2;
	s26 =	sadd.s32 $0x139C00, s2  }
0x7: {  	s3 =	simm.s32 $0x0;
	s12 =	sadd.s32 $0x13C400, s2;
	s13 =	sadd.s32 $0x13D800, s2  }
0x8: {  	s31 =	sadd.s32 $0x13B000, s2;
	s14 =	sadd.s32 $0x13EC00, s2;
	[smem:$0x7FF] =	sst s3  }
0x9: {  	p1 =	seq.s32 s1, $0xF;
	_ =	strace $0x8000004A;
	[dreg:$0x6] =	wrdreg s25  }
0xa: {  	s6 =	smul.u32 $0x140000, s7;
	s4 =	sor.u32 s7, s4;
	[dreg:$0x7] =	wrdreg s26  }
0xb: {  	s10 =	ssub.s32 $0x2, s7;
	p0 =	seq.s32 s7, $0x1;
	[dreg:$0x8] =	wrdreg s31  }
0xc: {  	s9 =	smul.u32 $0x2710, s4;
	s4 =	sadd.s32 $0x52400, s0;
	[dreg:$0x9] =	wrdreg s12  }
0xd: {  	s22 =	sshrl.u32 s8, $0x3;
	[dreg:$0xa] =	wrdreg s13;
	s6 =	sadd.s32 s8, s6  }
0xe: {  	s7 =	sadd.s32 s8, s2;
	[dreg:$0xb] =	wrdreg s14;
	s6 =	sshrl.u32 s6, $0x3  }
0xf: {  	s23 =	sadd.s32 s4, s22;
	s11 =	sadd.s32 s6, s0;
	s0 =	sadd.s32 $0x77C00, s0  }
0x10: {  	s8 =	sadd.s32 $0x12C000, s2;
	[dreg:$0x5] =	wrdreg s0;
	s0 =	sshrl.u32 s24, $0x2  }
0x11: {  	[dreg:$0x4] =	wrdreg s23;
	s17 =	sadd.s32 s0, s2;
	s0 =	sshrl.u32 @p1 s8, $0x3  }
0x12: {  	s30 =	simm.s32 $0x0;
	s15 =	sadd.s32 $0x1400, s17;
	[dreg:$0x12] =	wrdreg s0  }
0x13: {  	s20 =	sshrl.u32 s10, $0x1;
	s16 =	sadd.s32 $0x2800, s17;
	[dreg:$0xc] =	wrdreg s15  }
0x14: {  	s13 =	simm.s32 $0x2;
	s18 =	sadd.s32 $0x3C00, s17;
	[dreg:$0xd] =	wrdreg s16  }
0x15: {  	s21 =	ssub.s32 s10, s20;
	s19 =	sadd.s32 $0x5000, s17;
	[dreg:$0xe] =	wrdreg s18  }
0x16: {  	s10 =	sadd.s32 $0x7A400, s11;
	s20 =	sadd.s32 $0x6400, s17;
	[dreg:$0xf] =	wrdreg s19  }
0x17: {  	s11 =	smax.u32 s21, $0x1;
	s21 =	sadd.s32 $0x7800, s17;
	[dreg:$0x10] =	wrdreg s20  }
0x18: {  	s14 =	simm.s32 $0x9E20;
	s22 =	sadd.s32 $0x8C00, s17;
	[dreg:$0x11] =	wrdreg s21  }
0x19: {  	s9 =	sshrl.u32 s9, $0x3;
	s23 =	sadd.s32 $0xA000, s17;
	[dreg:$0x13] =	wrdreg s22  }
0x1a: {  	s5 =	sadd.s32 s5, s9;
	s24 =	sadd.s32 $0xB400, s17;
	[dreg:$0x14] =	wrdreg s23  }
0x1b: {  	s6 =	sadd.s32 $0x9C40, s5;
	s25 =	sadd.s32 $0xC800, s17;
	[dreg:$0x15] =	wrdreg s24  }
0x1c: {  	s26 =	sadd.s32 $0xDC00, s17;
	s31 =	sadd.s32 $0xF000, s17;
	[dreg:$0x16] =	wrdreg s25  }
0x1d: {  	s8 =	sadd.s32 $0x10400, s17;
	s9 =	sadd.s32 $0x11800, s17;
	[dreg:$0x17] =	wrdreg s26  }
0x1e: {  	s12 =	sadd.s32 $0x12C00, s17;
	[dreg:$0x18] =	wrdreg s31;
	s15 =	simm.s32 $0x4E20  }
0x1f: {  	s16 =	simm.s32 $0x28;
	s18 =	simm.s32 $0x6220;
	s20 =	simm.s32 $0x7620  }
0x20: {  	s22 =	simm.s32 $0x8A20;
	s23 =	simm.s32 $0xA0;
	s24 =	simm.s32 $0x1  }
0x21: {  	v0 =	vimm.f32 $0.0e+00;
	s25 =	simm.s32 $0x4D58;
	s26 =	simm.s32 $0x4D80;
	s19 =	simm.s32 $0x4DF8  }
.LBB2_1:
0x22: {  	[tilespmem:s3], [sflag:$0x2] =	stream.linear.gather [hbm4b:s5+s3], $0x2710, $0x38;
	[tilespmem:$0x1F220] =	vst v63  }
0x23: {  	_ =	swait.ge [sflag:s13], $0x2710  }
0x24: {  	[sflag:s13] =	ssyncset.done $0x0  }
0x25: {  	s0 =	simm.s32 $0x2710;
	[sflag:s13] =	ssyncadd.s32 $0xFFFFD8F0  }
0x26: {  	[tilespmem:s0], [sflag:$0x2] =	stream.linear.gather [hbm4b:s6+s3], $0x2710, $0x38;
	[tilespmem:$0x1F220] =	vst v63  }
0x27: {  	_ =	swait.ge [sflag:s13], $0x2710  }
0x28: {  	[sflag:s13] =	ssyncset.done $0x0  }
0x29: {  	s21 =	simm.s32 $0x0;
	s31 =	simm.s32 $0x200;
	[sflag:s13] =	ssyncadd.s32 $0xFFFFD8F0  }
.LBB2_2:
0x2a: {  	p2 =	sne.s32 s31, $0x4E00;
	[tilespmem:s21+$0x4E90] =	vst v0  }
0x2b: {  	[tilespmem:s21+$0x4E20] =	vst v0  }
0x2c: {  	[tilespmem:s21+$0x4E30] =	vst v0  }
.Ltmp0:
0x2d: {  	[tilespmem:s21+$0x4E40] =	vst v0;
	(pc) =	sbr.rel @p2 .LBB2_2-.Ltmp0, $4  }
0x2e: {  	[tilespmem:s21+$0x4E50] =	vst v0  }
0x2f: {  	[tilespmem:s21+$0x4E60] =	vst v0  }
0x30: {  	[tilespmem:s21+$0x4E70] =	vst v0  }
0x31: {  	[tilespmem:s21+$0x4E80] =	vst v0;
	s21 =	sshra.s32 s31, $0x2;
	s31 =	sadd.s32 $0x200, s31  }
0x32: {  	[tilespmem:s21+$0x4E90] =	vst v0  }
0x33: {  	[tilespmem:s21+$0x4E20] =	vst v0  }
0x34: {  	[tilespmem:s21+$0x4E30] =	vst v0  }
.Ltmp1:
0x35: {  	[tilespmem:s21+$0x4E40] =	vst v0;
	(pc) =	sbr.rel @!p0 .LBB2_5-.Ltmp1, $4  }
0x36: {  	[tilespmem:s21+$0x4E50] =	vst v0  }
0x37: {  	[tilespmem:s21+$0x4E60] =	vst v0  }
0x38: {  	[tilespmem:s21+$0x4E70] =	vst v0  }
0x39: {  	[tilespmem:s21+$0x4E80] =	vst v0  }
0x3a: {  	[spmem:s17] =	stream.linear.scatter [tilespmem:s15], [sflag:$0x2], $0x1400, $0x38;
	[tilespmem:$0x1F220] =	vst v63  }
0x3b: {  	_ =	swait.ge [sflag:s13], $0x1400  }
0x3c: {  	[sflag:s13] =	ssyncset.done $0x0  }
0x3d: {  	s0 =	rddreg [dreg:$0xc];
	[sflag:s13] =	ssyncadd.s32 $0xFFFFEC00  }
0x3e: {  	[spmem:s0] =	stream.linear.scatter [tilespmem:s15], [sflag:$0x2], $0x1400, $0x38;
	[tilespmem:$0x1F220] =	vst v63  }
0x3f: {  	_ =	swait.ge [sflag:s13], $0x1400  }
0x40: {  	[sflag:s13] =	ssyncset.done $0x0  }
0x41: {  	s31 =	rddreg [dreg:$0xd];
	[sflag:s13] =	ssyncadd.s32 $0xFFFFEC00  }
0x42: {  	[spmem:s31] =	stream.linear.scatter [tilespmem:s15], [sflag:$0x2], $0x1400, $0x38;
	[tilespmem:$0x1F220] =	vst v63  }
0x43: {  	_ =	swait.ge [sflag:s13], $0x1400  }
0x44: {  	[sflag:s13] =	ssyncset.done $0x0  }
0x45: {  	s21 =	rddreg [dreg:$0xe];
	[sflag:s13] =	ssyncadd.s32 $0xFFFFEC00  }
0x46: {  	[spmem:s21] =	stream.linear.scatter [tilespmem:s15], [sflag:$0x2], $0x1400, $0x38;
	[tilespmem:$0x1F220] =	vst v63  }
0x47: {  	_ =	swait.ge [sflag:s13], $0x1400  }
0x48: {  	[sflag:s13] =	ssyncset.done $0x0  }
0x49: {  	s31 =	rddreg [dreg:$0xf];
	[sflag:s13] =	ssyncadd.s32 $0xFFFFEC00  }
0x4a: {  	[spmem:s31] =	stream.linear.scatter [tilespmem:s15], [sflag:$0x2], $0x1400, $0x38;
	[tilespmem:$0x1F220] =	vst v63  }
0x4b: {  	_ =	swait.ge [sflag:s13], $0x1400  }
0x4c: {  	[sflag:s13] =	ssyncset.done $0x0  }
0x4d: {  	s21 =	rddreg [dreg:$0x10];
	[sflag:s13] =	ssyncadd.s32 $0xFFFFEC00  }
0x4e: {  	[spmem:s21] =	stream.linear.scatter [tilespmem:s15], [sflag:$0x2], $0x1400, $0x38;
	[tilespmem:$0x1F220] =	vst v63  }
0x4f: {  	_ =	swait.ge [sflag:s13], $0x1400  }
0x50: {  	[sflag:s13] =	ssyncset.done $0x0  }
0x51: {  	s31 =	rddreg [dreg:$0x11];
	[sflag:s13] =	ssyncadd.s32 $0xFFFFEC00  }
0x52: {  	[spmem:s31] =	stream.linear.scatter [tilespmem:s15], [sflag:$0x2], $0x1400, $0x38;
	[tilespmem:$0x1F220] =	vst v63  }
0x53: {  	_ =	swait.ge [sflag:s13], $0x1400  }
0x54: {  	[sflag:s13] =	ssyncset.done $0x0  }
0x55: {  	s21 =	rddreg [dreg:$0x13];
	[sflag:s13] =	ssyncadd.s32 $0xFFFFEC00  }
0x56: {  	[spmem:s21] =	stream.linear.scatter [tilespmem:s15], [sflag:$0x2], $0x1400, $0x38;
	[tilespmem:$0x1F220] =	vst v63  }
0x57: {  	_ =	swait.ge [sflag:s13], $0x1400  }
0x58: {  	[sflag:s13] =	ssyncset.done $0x0  }
0x59: {  	s31 =	rddreg [dreg:$0x14];
	[sflag:s13] =	ssyncadd.s32 $0xFFFFEC00  }
0x5a: {  	[spmem:s31] =	stream.linear.scatter [tilespmem:s15], [sflag:$0x2], $0x1400, $0x38;
	[tilespmem:$0x1F220] =	vst v63  }
0x5b: {  	_ =	swait.ge [sflag:s13], $0x1400  }
0x5c: {  	[sflag:s13] =	ssyncset.done $0x0  }
0x5d: {  	s21 =	rddreg [dreg:$0x15];
	[sflag:s13] =	ssyncadd.s32 $0xFFFFEC00  }
0x5e: {  	[spmem:s21] =	stream.linear.scatter [tilespmem:s15], [sflag:$0x2], $0x1400, $0x38;
	[tilespmem:$0x1F220] =	vst v63  }
0x5f: {  	_ =	swait.ge [sflag:s13], $0x1400  }
0x60: {  	[sflag:s13] =	ssyncset.done $0x0  }
0x61: {  	s31 =	rddreg [dreg:$0x16];
	[sflag:s13] =	ssyncadd.s32 $0xFFFFEC00  }
0x62: {  	[spmem:s31] =	stream.linear.scatter [tilespmem:s15], [sflag:$0x2], $0x1400, $0x38;
	[tilespmem:$0x1F220] =	vst v63  }
0x63: {  	_ =	swait.ge [sflag:s13], $0x1400  }
0x64: {  	[sflag:s13] =	ssyncset.done $0x0  }
0x65: {  	s21 =	rddreg [dreg:$0x17];
	[sflag:s13] =	ssyncadd.s32 $0xFFFFEC00  }
0x66: {  	[spmem:s21] =	stream.linear.scatter [tilespmem:s15], [sflag:$0x2], $0x1400, $0x38;
	[tilespmem:$0x1F220] =	vst v63  }
0x67: {  	_ =	swait.ge [sflag:s13], $0x1400  }
0x68: {  	[sflag:s13] =	ssyncset.done $0x0  }
0x69: {  	s31 =	rddreg [dreg:$0x18];
	[sflag:s13] =	ssyncadd.s32 $0xFFFFEC00  }
0x6a: {  	[spmem:s31] =	stream.linear.scatter [tilespmem:s15], [sflag:$0x2], $0x1400, $0x38;
	[tilespmem:$0x1F220] =	vst v63  }
0x6b: {  	_ =	swait.ge [sflag:s13], $0x1400  }
0x6c: {  	[sflag:s13] =	ssyncset.done $0x0  }
0x6d: {  	[sflag:s13] =	ssyncadd.s32 $0xFFFFEC00  }
0x6e: {  	[spmem:s8] =	stream.linear.scatter [tilespmem:s15], [sflag:$0x2], $0x1400, $0x38;
	[tilespmem:$0x1F220] =	vst v63  }
0x6f: {  	_ =	swait.ge [sflag:s13], $0x1400  }
0x70: {  	[sflag:s13] =	ssyncset.done $0x0  }
0x71: {  	[sflag:s13] =	ssyncadd.s32 $0xFFFFEC00  }
0x72: {  	[spmem:s9] =	stream.linear.scatter [tilespmem:s15], [sflag:$0x2], $0x1400, $0x38;
	[tilespmem:$0x1F220] =	vst v63  }
0x73: {  	_ =	swait.ge [sflag:s13], $0x1400  }
0x74: {  	[sflag:s13] =	ssyncset.done $0x0  }
.Ltmp2:
0x75: {  	[sflag:s13] =	ssyncadd.s32 $0xFFFFEC00;
	(pc) =	sbr.rel .LBB2_6-.Ltmp2, $4  }
0x76: {  	[spmem:s12] =	stream.linear.scatter [tilespmem:s15], [sflag:$0x2], $0x1400, $0x38;
	[tilespmem:$0x1F220] =	vst v63  }
0x77: {  	_ =	swait.ge [sflag:s13], $0x1400  }
0x78: {  	[sflag:s13] =	ssyncset.done $0x0  }
0x79: {  	[sflag:s13] =	ssyncadd.s32 $0xFFFFEC00  }
.LBB2_5:
0x7a: {  	s0 =	rddreg [dreg:$0x5]  }
0x7b: {  	s21 =	simm.s32 @p1 $0x1FC2;
	s31 =	rddreg [dreg:$0x12]  }
0x7c: {  	[spmem:s31], [sflag:s21] =	dma.local @p1 [hbm:s0], $0x1900  }
0x7d: {  	s21 =	simm.s32 @p1 $0x2  }
0x7e: {  	_ =	swait.ge @p1 [sflag:s21], $0x1900  }
0x7f: {  	[sflag:s21] =	ssyncset.done @p1 $0x0  }
0x80: {  	s31 =	simm.s32 @p1 $0x4E20;
	s0 =	rddreg [dreg:$0x6];
	[sflag:s21] =	ssyncadd.s32 @p1 $0xFFFFE700  }
0x81: {  	[spmem:s0] =	stream.linear.scatter @p1 [tilespmem:s31], [sflag:$0x2], $0x1400, $0x38;
	[tilespmem:$0x1F220] =	vst v63  }
0x82: {  	_ =	swait.ge @p1 [sflag:s21], $0x1400  }
0x83: {  	[sflag:s21] =	ssyncset.done @p1 $0x0  }
0x84: {  	s0 =	rddreg [dreg:$0x7];
	[sflag:s21] =	ssyncadd.s32 @p1 $0xFFFFEC00  }
0x85: {  	[spmem:s0] =	stream.linear.scatter @p1 [tilespmem:s31], [sflag:$0x2], $0x1400, $0x38;
	[tilespmem:$0x1F220] =	vst v63  }
0x86: {  	_ =	swait.ge @p1 [sflag:s21], $0x1400  }
0x87: {  	[sflag:s21] =	ssyncset.done @p1 $0x0  }
0x88: {  	s0 =	rddreg [dreg:$0x8];
	[sflag:s21] =	ssyncadd.s32 @p1 $0xFFFFEC00  }
0x89: {  	[spmem:s0] =	stream.linear.scatter @p1 [tilespmem:s31], [sflag:$0x2], $0x1400, $0x38;
	[tilespmem:$0x1F220] =	vst v63  }
0x8a: {  	_ =	swait.ge @p1 [sflag:s21], $0x1400  }
0x8b: {  	[sflag:s21] =	ssyncset.done @p1 $0x0  }
0x8c: {  	s0 =	rddreg [dreg:$0x9];
	[sflag:s21] =	ssyncadd.s32 @p1 $0xFFFFEC00  }
0x8d: {  	[spmem:s0] =	stream.linear.scatter @p1 [tilespmem:s31], [sflag:$0x2], $0x1400, $0x38;
	[tilespmem:$0x1F220] =	vst v63  }
0x8e: {  	_ =	swait.ge @p1 [sflag:s21], $0x1400  }
0x8f: {  	[sflag:s21] =	ssyncset.done @p1 $0x0  }
0x90: {  	s0 =	rddreg [dreg:$0xa];
	[sflag:s21] =	ssyncadd.s32 @p1 $0xFFFFEC00  }
0x91: {  	[spmem:s0] =	stream.linear.scatter @p1 [tilespmem:s31], [sflag:$0x2], $0x1400, $0x38;
	[tilespmem:$0x1F220] =	vst v63  }
0x92: {  	_ =	swait.ge @p1 [sflag:s21], $0x1400  }
0x93: {  	[sflag:s21] =	ssyncset.done @p1 $0x0  }
0x94: {  	s0 =	rddreg [dreg:$0xb];
	[sflag:s21] =	ssyncadd.s32 @p1 $0xFFFFEC00  }
0x95: {  	[spmem:s0] =	stream.linear.scatter @p1 [tilespmem:s31], [sflag:$0x2], $0x1400, $0x38;
	[tilespmem:$0x1F220] =	vst v63  }
0x96: {  	_ =	swait.ge @p1 [sflag:s21], $0x1400  }
0x97: {  	s31 =	sshll.u32 @!p1 s1, $0x6;
	[sflag:s21] =	ssyncset.done @p1 $0x0;
	s0 =	rddreg [dreg:$0x4]  }
0x98: {  	[sflag:s21] =	ssyncadd.s32 @p1 $0xFFFFEC00;
	s21 =	sor.u32 @!p1 $0x1C02, s31;
	s31 =	sshrl.u32 @!p1 s7, $0x3  }
0x99: {  	[spmem:s31], [sflag:s21] =	dma.local @!p1 [hbm:s0], $0x2800  }
0x9a: {  	s21 =	simm.s32 @!p1 $0x2  }
0x9b: {  	_ =	swait.ge @!p1 [sflag:s21], $0x2800  }
0x9c: {  	[sflag:s21] =	ssyncset.done @!p1 $0x0  }
0x9d: {  	[sflag:s21] =	ssyncadd.s32 @!p1 $0xFFFFD800  }
.LBB2_6:
0x9e: {  	s21 =	simm.s32 $0x0  }
0x9f: {  	[tilespmem:s15], [sflag:$0x1] =	stream.indirect.gather [hbm4b:s4+s16], $0x80, s21, s16, $0xb8;
	[tilespmem:$0x1F220] =	vst v63  }
0xa0: {  	_ = 	snop  }
0xa1: {  	[tilespmem:s18], [sflag:$0x1] =	stream.indirect.gather [hbm4b:s4+s16], $0x80, s16, s16, $0xb8;
	[tilespmem:$0x1F220] =	vst v63  }
0xa2: {  	s0 =	simm.s32 $0x50  }
0xa3: {  	[tilespmem:s20], [sflag:$0x1] =	stream.indirect.gather [hbm4b:s4+s16], $0x80, s0, s16, $0xb8;
	[tilespmem:$0x1F220] =	vst v63  }
0xa4: {  	s21 =	simm.s32 $0x78  }
0xa5: {  	[tilespmem:s22], [sflag:$0x1] =	stream.indirect.gather [hbm4b:s4+s16], $0x80, s21, s16, $0xb8;
	[tilespmem:$0x1F220] =	vst v63  }
0xa6: {  	_ = 	snop  }
0xa7: {  	[tilespmem:s14], [sflag:$0x1] =	stream.indirect.gather [hbm4b:s4+s16], $0x80, s23, s16, $0xb8;
	[tilespmem:$0x1F220] =	vst v63  }
0xa8: {  	[bflag:$0x0] =	sbarrier.arrive $0xFFFF  }
0xa9: {  	_ =	swait.ge [sflag:s24], $0x1400  }
0xaa: {  	[sflag:s24] =	ssyncset.done $0x0  }
0xab: {  	s0 =	simm.s32 $0x2710;
	[sflag:s24] =	ssyncadd.s32 $0xFFFFEC00  }
0xac: {  	[spmem:s2] =	stream.indirect.scatter.add.f32 [tilespmem:s15], [sflag:$0x2], $0x80, s0, s16, $0xb8;
	[tilespmem:$0x1F220] =	vst v63  }
0xad: {  	_ =	swait.ge [sflag:s13], $0x1400  }
0xae: {  	[sflag:s13] =	ssyncset.done $0x0  }
0xaf: {  	s0 =	simm.s32 $0xC8;
	[sflag:s13] =	ssyncadd.s32 $0xFFFFEC00  }
0xb0: {  	[tilespmem:s15], [sflag:$0x1] =	stream.indirect.gather [hbm4b:s4+s16], $0x80, s0, s16, $0xb8;
	[tilespmem:$0x1F220] =	vst v63  }
0xb1: {  	_ =	swait.ge [sflag:s24], $0x1400  }
0xb2: {  	[sflag:s24] =	ssyncset.done $0x0  }
0xb3: {  	s0 =	simm.s32 $0x2738;
	[sflag:s24] =	ssyncadd.s32 $0xFFFFEC00  }
0xb4: {  	[spmem:s2] =	stream.indirect.scatter.add.f32 [tilespmem:s18], [sflag:$0x2], $0x80, s0, s16, $0xb8;
	[tilespmem:$0x1F220] =	vst v63  }
0xb5: {  	_ =	swait.ge [sflag:s13], $0x1400  }
0xb6: {  	[sflag:s13] =	ssyncset.done $0x0  }
0xb7: {  	s0 =	simm.s32 $0xF0;
	[sflag:s13] =	ssyncadd.s32 $0xFFFFEC00  }
0xb8: {  	[tilespmem:s18], [sflag:$0x1] =	stream.indirect.gather [hbm4b:s4+s16], $0x80, s0, s16, $0xb8;
	[tilespmem:$0x1F220] =	vst v63  }
0xb9: {  	_ =	swait.ge [sflag:s24], $0x1400  }
0xba: {  	[sflag:s24] =	ssyncset.done $0x0  }
0xbb: {  	s0 =	simm.s32 $0x2760;
	[sflag:s24] =	ssyncadd.s32 $0xFFFFEC00  }
0xbc: {  	[spmem:s2] =	stream.indirect.scatter.add.f32 [tilespmem:s20], [sflag:$0x2], $0x80, s0, s16, $0xb8;
	[tilespmem:$0x1F220] =	vst v63  }
0xbd: {  	_ =	swait.ge [sflag:s13], $0x1400  }
0xbe: {  	[sflag:s13] =	ssyncset.done $0x0  }
0xbf: {  	s0 =	simm.s32 $0x118;
	[sflag:s13] =	ssyncadd.s32 $0xFFFFEC00  }
0xc0: {  	[tilespmem:s20], [sflag:$0x1] =	stream.indirect.gather [hbm4b:s4+s16], $0x80, s0, s16, $0xb8;
	[tilespmem:$0x1F220] =	vst v63  }
0xc1: {  	_ =	swait.ge [sflag:s24], $0x1400  }
0xc2: {  	[sflag:s24] =	ssyncset.done $0x0  }
0xc3: {  	s0 =	simm.s32 $0x2788;
	[sflag:s24] =	ssyncadd.s32 $0xFFFFEC00  }
0xc4: {  	[spmem:s2] =	stream.indirect.scatter.add.f32 [tilespmem:s22], [sflag:$0x2], $0x80, s0, s16, $0xb8;
	[tilespmem:$0x1F220] =	vst v63  }
0xc5: {  	_ =	swait.ge [sflag:s13], $0x1400  }
0xc6: {  	[sflag:s13] =	ssyncset.done $0x0  }
0xc7: {  	s0 =	simm.s32 $0x140;
	[sflag:s13] =	ssyncadd.s32 $0xFFFFEC00  }
0xc8: {  	[tilespmem:s22], [sflag:$0x1] =	stream.indirect.gather [hbm4b:s4+s16], $0x80, s0, s16, $0xb8;
	[tilespmem:$0x1F220] =	vst v63  }
0xc9: {  	_ =	swait.ge [sflag:s24], $0x1400  }
0xca: {  	[sflag:s24] =	ssyncset.done $0x0  }
0xcb: {  	s0 =	simm.s32 $0x27B0;
	[sflag:s24] =	ssyncadd.s32 $0xFFFFEC00  }
0xcc: {  	[spmem:s2] =	stream.indirect.scatter.add.f32 [tilespmem:s14], [sflag:$0x2], $0x80, s0, s16, $0xb8;
	[tilespmem:$0x1F220] =	vst v63  }
0xcd: {  	_ =	swait.ge [sflag:s13], $0x1400  }
0xce: {  	[sflag:s13] =	ssyncset.done $0x0  }
0xcf: {  	s31 =	simm.s32 $0x320;
	s21 =	simm.s32 $0x168;
	[sflag:s13] =	ssyncadd.s32 $0xFFFFEC00  }
.LBB2_7:
0xd0: {  	[tilespmem:s14], [sflag:$0x1] =	stream.indirect.gather [hbm4b:s4+s16], $0x80, s21, s16, $0xb8;
	[tilespmem:$0x1F220] =	vst v63  }
0xd1: {  	s21 =	smov.u32 s31  }
0xd2: {  	p2 =	sne.s32 s31, $0x9600;
	s31 =	sadd.s32 $0x320, s31;
	_ =	swait.ge [sflag:s24], $0x1400  }
0xd3: {  	s21 =	sshra.s32 s21, $0x2;
	[sflag:s24] =	ssyncset.done $0x0  }
0xd4: {  	s0 =	sadd.s32 $0x2710, s21;
	[sflag:s24] =	ssyncadd.s32 $0xFFFFEC00  }
0xd5: {  	[spmem:s2] =	stream.indirect.scatter.add.f32 [tilespmem:s15], [sflag:$0x2], $0x80, s0, s16, $0xb8;
	[tilespmem:$0x1F220] =	vst v63  }
0xd6: {  	_ =	swait.ge [sflag:s13], $0x1400  }
0xd7: {  	[sflag:s13] =	ssyncset.done $0x0  }
0xd8: {  	s0 =	sadd.s32 $0xC8, s21;
	[sflag:s13] =	ssyncadd.s32 $0xFFFFEC00  }
0xd9: {  	[tilespmem:s15], [sflag:$0x1] =	stream.indirect.gather [hbm4b:s4+s16], $0x80, s0, s16, $0xb8;
	[tilespmem:$0x1F220] =	vst v63  }
0xda: {  	_ =	swait.ge [sflag:s24], $0x1400  }
0xdb: {  	[sflag:s24] =	ssyncset.done $0x0  }
0xdc: {  	s0 =	sadd.s32 $0x2738, s21;
	[sflag:s24] =	ssyncadd.s32 $0xFFFFEC00  }
0xdd: {  	[spmem:s2] =	stream.indirect.scatter.add.f32 [tilespmem:s18], [sflag:$0x2], $0x80, s0, s16, $0xb8;
	[tilespmem:$0x1F220] =	vst v63  }
0xde: {  	_ =	swait.ge [sflag:s13], $0x1400  }
0xdf: {  	[sflag:s13] =	ssyncset.done $0x0  }
0xe0: {  	s0 =	sadd.s32 $0xF0, s21;
	[sflag:s13] =	ssyncadd.s32 $0xFFFFEC00  }
0xe1: {  	[tilespmem:s18], [sflag:$0x1] =	stream.indirect.gather [hbm4b:s4+s16], $0x80, s0, s16, $0xb8;
	[tilespmem:$0x1F220] =	vst v63  }
0xe2: {  	_ =	swait.ge [sflag:s24], $0x1400  }
0xe3: {  	[sflag:s24] =	ssyncset.done $0x0  }
0xe4: {  	s0 =	sadd.s32 $0x2760, s21;
	[sflag:s24] =	ssyncadd.s32 $0xFFFFEC00  }
0xe5: {  	[spmem:s2] =	stream.indirect.scatter.add.f32 [tilespmem:s20], [sflag:$0x2], $0x80, s0, s16, $0xb8;
	[tilespmem:$0x1F220] =	vst v63  }
0xe6: {  	_ =	swait.ge [sflag:s13], $0x1400  }
0xe7: {  	[sflag:s13] =	ssyncset.done $0x0  }
0xe8: {  	s0 =	sadd.s32 $0x118, s21;
	[sflag:s13] =	ssyncadd.s32 $0xFFFFEC00  }
0xe9: {  	[tilespmem:s20], [sflag:$0x1] =	stream.indirect.gather [hbm4b:s4+s16], $0x80, s0, s16, $0xb8;
	[tilespmem:$0x1F220] =	vst v63  }
0xea: {  	_ =	swait.ge [sflag:s24], $0x1400  }
0xeb: {  	[sflag:s24] =	ssyncset.done $0x0  }
0xec: {  	s0 =	sadd.s32 $0x2788, s21;
	[sflag:s24] =	ssyncadd.s32 $0xFFFFEC00  }
0xed: {  	[spmem:s2] =	stream.indirect.scatter.add.f32 [tilespmem:s22], [sflag:$0x2], $0x80, s0, s16, $0xb8;
	[tilespmem:$0x1F220] =	vst v63  }
0xee: {  	_ =	swait.ge [sflag:s13], $0x1400  }
0xef: {  	[sflag:s13] =	ssyncset.done $0x0  }
0xf0: {  	s0 =	sadd.s32 $0x140, s21;
	[sflag:s13] =	ssyncadd.s32 $0xFFFFEC00  }
0xf1: {  	[tilespmem:s22], [sflag:$0x1] =	stream.indirect.gather [hbm4b:s4+s16], $0x80, s0, s16, $0xb8;
	[tilespmem:$0x1F220] =	vst v63  }
0xf2: {  	_ =	swait.ge [sflag:s24], $0x1400  }
0xf3: {  	[sflag:s24] =	ssyncset.done $0x0  }
.Ltmp3:
0xf4: {  	s0 =	sadd.s32 $0x27B0, s21;
	[sflag:s24] =	ssyncadd.s32 $0xFFFFEC00;
	(pc) =	sbr.rel @p2 .LBB2_7-.Ltmp3, $4  }
0xf5: {  	[spmem:s2] =	stream.indirect.scatter.add.f32 [tilespmem:s14], [sflag:$0x2], $0x80, s0, s16, $0xb8;
	[tilespmem:$0x1F220] =	vst v63  }
0xf6: {  	_ =	swait.ge [sflag:s13], $0x1400  }
0xf7: {  	[sflag:s13] =	ssyncset.done $0x0  }
0xf8: {  	s21 =	sadd.s32 $0x168, s21;
	[sflag:s13] =	ssyncadd.s32 $0xFFFFEC00  }
0xf9: {  	[tilespmem:s14], [sflag:$0x1] =	stream.indirect.gather [hbm4b:s4+s16], $0x80, s21, s16, $0xb8;
	[tilespmem:$0x1F220] =	vst v63  }
0xfa: {  	_ =	swait.ge [sflag:s24], $0x1400  }
0xfb: {  	[sflag:s24] =	ssyncset.done $0x0  }
0xfc: {  	[sflag:s24] =	ssyncadd.s32 $0xFFFFEC00  }
0xfd: {  	[spmem:s2] =	stream.indirect.scatter.add.f32 [tilespmem:s15], [sflag:$0x2], $0x80, s25, s16, $0xb8;
	[tilespmem:$0x1F220] =	vst v63  }
0xfe: {  	_ =	swait.ge [sflag:s13], $0x1400  }
0xff: {  	[sflag:s13] =	ssyncset.done $0x0  }
0x100: {  	[sflag:s13] =	ssyncadd.s32 $0xFFFFEC00  }
0x101: {  	_ =	swait.ge [sflag:s24], $0x1400  }
0x102: {  	[sflag:s24] =	ssyncset.done $0x0  }
0x103: {  	[sflag:s24] =	ssyncadd.s32 $0xFFFFEC00  }
0x104: {  	[spmem:s2] =	stream.indirect.scatter.add.f32 [tilespmem:s18], [sflag:$0x2], $0x80, s26, s16, $0xb8;
	[tilespmem:$0x1F220] =	vst v63  }
0x105: {  	_ =	swait.ge [sflag:s13], $0x1400  }
0x106: {  	[sflag:s13] =	ssyncset.done $0x0  }
0x107: {  	[sflag:s13] =	ssyncadd.s32 $0xFFFFEC00  }
0x108: {  	_ =	swait.ge [sflag:s24], $0x1400  }
0x109: {  	[sflag:s24] =	ssyncset.done $0x0  }
0x10a: {  	[sflag:s24] =	ssyncadd.s32 $0xFFFFEC00  }
0x10b: {  	[spmem:s2] =	stream.indirect.scatter.add.f32 [tilespmem:s20], [sflag:$0x2], $0x80, s28, s16, $0xb8;
	[tilespmem:$0x1F220] =	vst v63  }
0x10c: {  	_ =	swait.ge [sflag:s13], $0x1400  }
0x10d: {  	[sflag:s13] =	ssyncset.done $0x0  }
0x10e: {  	[sflag:s13] =	ssyncadd.s32 $0xFFFFEC00  }
0x10f: {  	_ =	swait.ge [sflag:s24], $0x1400  }
0x110: {  	[sflag:s24] =	ssyncset.done $0x0  }
0x111: {  	[sflag:s24] =	ssyncadd.s32 $0xFFFFEC00  }
0x112: {  	[spmem:s2] =	stream.indirect.scatter.add.f32 [tilespmem:s22], [sflag:$0x2], $0x80, s29, s16, $0xb8;
	[tilespmem:$0x1F220] =	vst v63  }
0x113: {  	_ =	swait.ge [sflag:s13], $0x1400  }
0x114: {  	[sflag:s13] =	ssyncset.done $0x0  }
0x115: {  	[sflag:s13] =	ssyncadd.s32 $0xFFFFEC00  }
0x116: {  	_ =	swait.ge [sflag:s24], $0x1400  }
0x117: {  	[sflag:s24] =	ssyncset.done $0x0  }
0x118: {  	[sflag:s24] =	ssyncadd.s32 $0xFFFFEC00  }
0x119: {  	[spmem:s2] =	stream.indirect.scatter.add.f32 [tilespmem:s14], [sflag:$0x2], $0x80, s19, s16, $0xb8;
	[tilespmem:$0x1F220] =	vst v63  }
0x11a: {  	_ =	swait.ge [sflag:s13], $0x1400  }
0x11b: {  	s0 =	sshll.u32 s1, $0x6;
	s30 =	sadd.s32 $0x1, s30;
	[sflag:s13] =	ssyncset.done $0x0  }
0x11c: {  	s31 =	sshrl.u32 s7, $0x3;
	p2 =	sne.s32 s30, s11;
	[sflag:s13] =	ssyncadd.s32 $0xFFFFEC00  }
.Ltmp4:
0x11d: {  	s0 =	sor.u32 $0x1C02, s0;
	[bflag:$0x0] =	sbarrier.arrive $0xFFFF;
	(pc) =	sbr.rel @p2 .LBB2_1-.Ltmp4, $4  }
0x11e: {  	[hbm:s10], [sflag:s0] =	dma.local [spmem:s31], $0x2800  }
0x11f: {  	_ =	swait.ge [sflag:s13], $0x2800  }
0x120: {  	[sflag:s13] =	ssyncset.done $0x0  }
0x121: {  	[sflag:s13] =	ssyncadd.s32 $0xFFFFD800  }
0x122: {  	_ =	sfence.sel $0x180000  }
0x123: {  	[bflag:$0x0] =	sbarrier.arrive $0xFFFF  }
0x124: {  	_ =	strace $0x9000004A  }
0x125: {  	[bflag:$0x2] =	sbarrier.arrive $0xFFFF  }
0x126: {  	p0 =	sne.s32 s1, $0x0;
	s0 =	rddreg [dreg:$0x3]  }
0x127: {  	s0 =	sadd.s32 @!p0 $0x100000, s0  }
0x128: {  	[sflag:s0] =	ssyncadd.tile.s32 @!p0 $0x1;
	_ =	shalt  }
.Lfunc_end2:
_tile_overlayer_lowered:
.L_overlay_start_2:
0x129: {  	(tag) =	ssettag $0x2  }
0x12a: {  	s0 =	rddreg [dreg:$0x0];
	s2 =	stileid.u32  }
0x12b: {  	s1 =	rddreg [dreg:$0x1];
	p0 =	sne.s32 s2, $0x0  }
0x12c: {  	s3 =	rddreg [dreg:$0x2];
	[bflag:$0x3] =	sbarrier.arrive $0xFFFF;
	s2 =	simm.s32 @!p0 $0x1C02  }
0x12d: {  	[timem:s3], [sflag:s2] =	dma.local @!p0 [hbm:s0], s1  }
0x12e: {  	s0 =	simm.s32 @!p0 $0x2  }
0x12f: {  	_ =	swait.ge @!p0 [sflag:s0], s1  }
0x130: {  	s1 =	ssub.s32 @!p0 $0x0, s1;
	[sflag:s0] =	ssyncset.done @!p0 $0x0  }
0x131: {  	[sflag:s0] =	ssyncadd.s32 @!p0 s1  }
0x132: {  	[bflag:$0x3] =	sbarrier.arrive $0xFFFF  }
0x133: {  	_ =	shalt  }

// kernel: kernel.14.cloned.1.call-start
scs
__scs_entry_jumppad:
0x0: {  	(pc) =	sbr.rel $0x88, $3  }
0x1: {  	(tag) =	ssettag $0x0;
	lr =	simm.s32 $0x1  }
0x2: {  	[smem:$0x3F9B] =	sst lr;
	_ =	strace $0xD0000000  }
0x3: {  	_ = 	snop  }
0x4: {  	_ = 	snop  }
0x5: {  	_ = 	snop  }
0x6: {  	_ = 	snop  }
0x7: {  	_ = 	snop  }
__scs_overlays_trampoline_lowered:
0x8: {  	[smem:$0x3FAA] =	sst s0  }
0x9: {  	[smem:$0x3FAB] =	sst s1  }
0xa: {  	[smem:$0x3FAC] =	sst s2  }
0xb: {  	[smem:$0x3FAD] =	sst s3  }
0xc: {  	[smem:$0x3FAE] =	sst s4  }
0xd: {  	[smem:$0x3FAF] =	sst s5  }
0xe: {  	[smem:$0x3FB0] =	sst s6  }
0xf: {  	[smem:$0x3FB1] =	sst s7  }
0x10: {  	[smem:$0x3FB2] =	sst s8  }
0x11: {  	[smem:$0x3FB3] =	sst s9;
	s0 =	simm.s32 @!p0 $0x0  }
0x12: {  	s1 =	sld [smem:$0x3F99];
	s0 =	simm.s32 @p0 $0x1  }
0x13: {  	[smem:$0x3FB4] =	sst s0;
	s0 =	simm.s32 @!p1 $0x0  }
0x14: {  	s2 =	sld [smem:$0x3F98];
	s0 =	simm.s32 @p1 $0x1  }
0x15: {  	[smem:$0x3FB5] =	sst s0;
	s0 =	simm.s32 @!p2 $0x0  }
0x16: {  	s3 =	sld [smem:$0x3FDB];
	s0 =	simm.s32 @p2 $0x1  }
0x17: {  	s4 =	simm.s32 $0x1BF5;
	[smem:$0x3FB7] =	sst s0  }
0x18: {  	s0 =	sld [smem:$0x3F9A];
	_ =	swait.ge [sflag:s4], $0x0  }
0x19: {  	s7 =	sld [smem:$0x3F9B]  }
0x1a: {  	s8 =	sadd.s32 $0xFFFFE003, lr  }
0x1b: {  	s9 =	sadd.s32 $0xFFFFFEF7, lr;
	s5 =	simm.s32 $0xFFFFFFFF;
	p2 =	slt.u32 s8, $0xFFFFF086  }
0x1c: {  	p1 =	slt.u32 s9, $0xF7A;
	s5 =	simm.s32 @!p2 $0x0  }
0x1d: {  	s5 =	simm.s32 @p1 $0x1;
	p0 =	seq.s32 s7, s2  }
0x1e: {  	s7 =	smul.u32 @!p0 $0xF7A, s2;
	p2 =	seq.s32 @!p0 s5, $0x0  }
0x1f: {  	s9 =	smul.u32 $0xF7A, s1;
	s8 =	simm.s32 @!p0 $0x1BF5;
	p2 =	por !p2, p0  }
0x20: {  	[sflag:s8] =	ssyncset.s32 @!p0 $0xFFFFF086;
	s6 =	sadd.s32 @!p0 s3, s7;
	s7 =	simm.s32 @!p0 $0x108  }
0x21: {  	s3 =	sadd.s32 s3, s9;
	s6 =	sadd.s32 @!p0 $0x88, s6;
	s7 =	simm.s32 @p2 $0x1082  }
0x22: {  	[simem:s7], [sflag:s8] =	dma.local @!p0 [hbm:s6], $0xF7A  }
0x23: {  	s9 =	sor.u32 $0xD0000000, s2;
	s6 =	simm.s32 $0x108;
	_ =	swait.ge @!p0 [sflag:s8], $0x0  }
0x24: {  	s3 =	sadd.s32 $0x88, s3;
	s6 =	simm.s32 @!p1 $0x1082;
	[sflag:s4] =	ssyncset.s32 $0xFFFFF086  }
0x25: {  	[simem:s6], [sflag:s4] =	dma.local [hbm:s3], $0xF7A  }
0x26: {  	[smem:$0x3F9B] =	sst s1;
	(tag) =	ssettag s2;
	_ =	strace s9  }
0x27: {  	s1 =	sld [smem:$0x3FAB]  }
0x28: {  	s2 =	sld [smem:$0x3FAC]  }
0x29: {  	s4 =	sld [smem:$0x3FAE]  }
0x2a: {  	p0 =	seq.s32 s5, $0x0;
	s5 =	sld [smem:$0x3FAF]  }
0x2b: {  	s6 =	sld [smem:$0x3FB0]  }
0x2c: {  	s7 =	sld [smem:$0x3FB1]  }
0x2d: {  	s3 =	simm.s32 $0x108;
	s8 =	sld [smem:$0x3FB2]  }
0x2e: {  	s3 =	simm.s32 @!p0 $0x1082;
	s9 =	sld [smem:$0x3FB3]  }
0x2f: {  	lr =	sadd.s32 s0, s3;
	s0 =	sld [smem:$0x3FAA]  }
0x30: {  	s3 =	sld [smem:$0x3FAD]  }
0x31: {  	[smem:$0x3FB6] =	sst s10  }
0x32: {  	s10 =	sld [smem:$0x3FB4];
	_ =	sdelay $0x3  }
0x33: {  	p0 =	seq.s32 s10, $0x1;
	s10 =	sld [smem:$0x3FB6];
	_ =	sdelay $0x3  }
0x34: {  	[smem:$0x3FB6] =	sst s10  }
0x35: {  	s10 =	sld [smem:$0x3FB5];
	_ =	sdelay $0x3  }
0x36: {  	p1 =	seq.s32 s10, $0x1;
	s10 =	sld [smem:$0x3FB6];
	_ =	sdelay $0x3  }
0x37: {  	[smem:$0x3FB6] =	sst s10  }
0x38: {  	s10 =	sld [smem:$0x3FB7]  }
0x39: {  	_ = 	snop;
	(pc) =	sbr.ind lr, $3  }
0x3a: {  	_ = 	snop  }
0x3b: {  	_ = 	snop  }
0x3c: {  	p2 =	seq.s32 s10, $0x1;
	s10 =	sld [smem:$0x3FB6]  }
0x3d: {  	_ =	shalt  }
0x3e: {  	_ =	shalt  }
0x3f: {  	_ =	shalt  }
0x40: {  	_ =	shalt  }
0x41: {  	_ =	shalt  }
0x42: {  	_ =	shalt  }
0x43: {  	_ =	shalt  }
0x44: {  	_ =	shalt  }
0x45: {  	_ =	shalt  }
0x46: {  	_ =	shalt  }
0x47: {  	_ =	shalt  }
0x48: {  	_ =	shalt  }
0x49: {  	_ =	shalt  }
0x4a: {  	_ =	shalt  }
0x4b: {  	_ =	shalt  }
0x4c: {  	_ =	shalt  }
0x4d: {  	_ =	shalt  }
0x4e: {  	_ =	shalt  }
0x4f: {  	_ =	shalt  }
0x50: {  	_ =	shalt  }
0x51: {  	_ =	shalt  }
0x52: {  	_ =	shalt  }
0x53: {  	_ =	shalt  }
0x54: {  	_ =	shalt  }
0x55: {  	_ =	shalt  }
0x56: {  	_ =	shalt  }
0x57: {  	_ =	shalt  }
0x58: {  	_ =	shalt  }
0x59: {  	_ =	shalt  }
0x5a: {  	_ =	shalt  }
0x5b: {  	_ =	shalt  }
0x5c: {  	_ =	shalt  }
0x5d: {  	_ =	shalt  }
0x5e: {  	_ =	shalt  }
0x5f: {  	_ =	shalt  }
0x60: {  	_ =	shalt  }
0x61: {  	_ =	shalt  }
0x62: {  	_ =	shalt  }
0x63: {  	_ =	shalt  }
0x64: {  	_ =	shalt  }
0x65: {  	_ =	shalt  }
0x66: {  	_ =	shalt  }
0x67: {  	_ =	shalt  }
0x68: {  	_ =	shalt  }
0x69: {  	_ =	shalt  }
0x6a: {  	_ =	shalt  }
0x6b: {  	_ =	shalt  }
0x6c: {  	_ =	shalt  }
0x6d: {  	_ =	shalt  }
0x6e: {  	_ =	shalt  }
0x6f: {  	_ =	shalt  }
0x70: {  	_ =	shalt  }
0x71: {  	_ =	shalt  }
0x72: {  	_ =	shalt  }
0x73: {  	_ =	shalt  }
0x74: {  	_ =	shalt  }
0x75: {  	_ =	shalt  }
0x76: {  	_ =	shalt  }
0x77: {  	_ =	shalt  }
0x78: {  	_ =	shalt  }
0x79: {  	_ =	shalt  }
0x7a: {  	_ =	shalt  }
0x7b: {  	_ =	shalt  }
0x7c: {  	_ =	shalt  }
0x7d: {  	_ =	shalt  }
0x7e: {  	_ =	shalt  }
0x7f: {  	_ =	shalt  }
0x80: {  	_ =	shalt  }
0x81: {  	_ =	shalt  }
0x82: {  	_ =	shalt  }
0x83: {  	_ =	shalt  }
0x84: {  	_ =	shalt  }
0x85: {  	_ =	shalt  }
0x86: {  	_ =	shalt  }
0x87: {  	_ =	shalt  }
.Lfunc_end0:
.L_simem_size_0:
called_computation.2_lowered:
.L_overlay_start_0:
0x88: {  	s2 =	sld [smem:$0x3FD9]  }
0x89: {  	s3 =	sld [smem:$0x3FFE];
	_ =	sdelay $0x1  }
0x8a: {  	s1 =	srdreg.scid  }
0x8b: {  	s0 =	sand.u32 $0x1, s1  }
0x8c: {  	s17 =	sshll.u32 s0, $0xA;
	s2 =	sadd.s32 s3, s2  }
0x8d: {  	s2 =	sadd.s32 s2, s17  }
0x8e: {  	[smem:$0x3FC2] =	sst s2  }
0x8f: {  	_ = 	snop  }
0x90: {  	s2 =	sld [smem:$0x3FD0];
	(tm) =	ssettm $0x1  }
0x91: {  	s18 =	sld [smem:$0x3FFB];
	_ =	sdelay $0x3  }
0x92: {  	_ =	strace s18  }
0x93: {  	s3 =	sld [smem:$0x3FFC];
	_ =	sdelay $0x3  }
0x94: {  	_ =	strace s3  }
0x95: {  	s3 =	sld [smem:$0x3FFD];
	_ =	sdelay $0x3  }
0x96: {  	_ =	strace s3  }
0x97: {  	_ =	strace $0x8FFFFFFF  }
0x98: {  	s19 =	sld [smem:$0x3FDB];
	_ =	sdelay $0x1  }
0x99: {  	s4 =	simm.s32 $_scs_section_size  }
0x9a: {  	s5 =	simm.s32 $_size__tile_overlayer_lowered;
	s6 =	simm.s32 $_tile_overlayer_lowered  }
0x9b: {  	s22 =	simm.s32 $0x1BFF;
	s21 =	sshll.u32 s6, $0x1;
	s3 =	sadd.s32 s4, s19  }
0x9c: {  	s7 =	simm.s32 $0x0;
	s20 =	sshll.u32 s5, $0x1;
	s5 =	sadd.s32 s21, s3  }
0x9d: {  	[timem:s7], [sflag:s22] =	dma.local [hbm:s5], s20  }
0x9e: {  	_ =	swait.ge [sflag:s22], s20  }
0x9f: {  	s4 =	ssub.s32 $0x0, s20;
	[sflag:s22] =	ssyncset.done $0x0  }
0xa0: {  	[sflag:s22] =	ssyncadd.s32 s4;
	_ =	sdelay $0x1  }
0xa1: {  	s23 =	simm.s32 $0x1B8B  }
0xa2: {  	_ =	swait.ge [sflag:s23], $0x1  }
0xa3: {  	[sflag:s23] =	ssyncset.done $0x0  }
0xa4: {  	s25 =	simm.s32 $0x1B8E;
	s24 =	sld [smem:$0x3FFE];
	[sflag:s23] =	ssyncadd.s32 $0xFFFFFFFF  }
0xa5: {  	s26 =	simm.s32 $execute0_lowered;
	[smem:$0x3FD2] =	sst s25  }
0xa6: {  	s5 =	sshll.u32 s26, $0x1;
	_ =	strace $0x8000004C;
	[dreg:$0x1] =	wrdreg $0xFFFFFFFF  }
0xa7: {  	s28 =	simm.s32 $_size_execute0_lowered;
	s3 =	sadd.s32 s3, s5;
	[dreg:$0x0] =	wrdreg $0x0  }
0xa8: {  	s5 =	sshll.u32 s28, $0x1;
	[dreg:$0x2] =	wrdreg s3  }
0xa9: {  	[dreg:$0x3] =	wrdreg s5  }
0xaa: {  	[dreg:$0x4] =	wrdreg $0xC0  }
0xab: {  	_ =	task [dreg:s7], $0x5FFFF  }
0xac: {  	[dreg:$0x1] =	wrdreg $0xFFFFFFFF  }
0xad: {  	[dreg:$0x0] =	wrdreg $0x60  }
0xae: {  	[dreg:$0x2] =	wrdreg s24  }
0xaf: {  	[dreg:$0x3] =	wrdreg s2  }
0xb0: {  	[dreg:$0x4] =	wrdreg $0xB2200  }
0xb1: {  	[dreg:$0x5] =	wrdreg $0x9  }
0xb2: {  	_ =	task.clear_ibuf [dreg:s7], $0x6FFFF;
	_ =	strace $0x9000004C  }
0xb3: {  	s29 =	simm.s32 $0x9;
	_ =	strace $0x8000004E  }
0xb4: {  	_ =	swait.ge [sflag:s29], $0x1  }
0xb5: {  	[sflag:s29] =	ssyncadd.s32 $0xFFFFFFFF  }
0xb6: {  	_ =	strace $0x9000004E  }
0xb7: {  	_ =	sfence  }
0xb8: {  	s30 =	sld [smem:$0x0];
	_ =	sdelay $0x2  }
0xb9: {  	s31 =	sshll.u32 s1, $0xD;
	s1 =	sshrl.u32 s1, $0x2  }
0xba: {  	s3 =	sand.u32 $0x4000, s31;
	s1 =	sadd.s32 s1, s30  }
0xbb: {  	s0 =	sor.u32 s3, s0;
	s1 =	sshll.u32 s1, $0x11  }
0xbc: {  	s0 =	sor.u32 s1, s0  }
0xbd: {  	s0 =	sadd.s32 $0x8F2B, s0  }
0xbe: {  	[sflag:s0] =	ssyncadd.remote.s32 $0x1  }
0xbf: {  	_ =	sfence.sel $0xFFFF  }
0xc0: {  	[dreg:$0x0] =	wrdreg $0xFFFFFFFF;
	(pc) =	sbr.abs _section_cstart, $3  }
0xc1: {  	[dreg:$0x1] =	wrdreg $0xFFFFFFFF  }
0xc2: {  	_ =	task.clear_ibuf [dreg:s7], $0x2FFFF;
	_ =	strace $0x9FFFFFFF  }
0xc3: {  	(tm) =	ssettm $0x7FFFFFFF  }
tec
execute0_lowered:
.L_overlay_start_1:
0x0: {  	(tag) =	ssettag $0x1  }
0x1: {  	s0 =	rddreg [dreg:$0x0]  }
0x2: {  	s5 =	rddreg [dreg:$0x1]  }
0x3: {  	s3 =	srdreg.scid;
	s1 =	stileid.u32  }
0x4: {  	s2 =	rddreg [dreg:$0x2];
	s7 =	sand.u32 $0x1, s3;
	s8 =	smul.u32 $0xA000, s1  }
0x5: {  	s4 =	sshll.u32 s1, $0x1;
	s3 =	simm.s32 $0x0;
	s12 =	smul.u32 $0x28000, s1  }
0x6: {  	s24 =	sadd.s32 $0x9C400, s2;
	s25 =	sadd.s32 $0x9CE00, s2;
	s29 =	sadd.s32 $0x9D800, s2  }
0x7: {  	s31 =	sadd.s32 $0x9E200, s2;
	s6 =	smul.u32 $0xA0000, s7;
	[smem:$0x7FF] =	sst s3  }
0x8: {  	s4 =	sor.u32 s7, s4;
	_ =	strace $0x8000004D;
	[dreg:$0x6] =	wrdreg s24  }
0x9: {  	s10 =	ssub.s32 $0x2, s7;
	p0 =	seq.s32 s7, $0x1;
	[dreg:$0x7] =	wrdreg s25  }
0xa: {  	s9 =	smul.u32 $0x2710, s4;
	s4 =	sadd.s32 $0x52400, s0;
	[dreg:$0x8] =	wrdreg s29  }
0xb: {  	s7 =	sadd.s32 s8, s2;
	s26 =	sshrl.u32 s12, $0x2;
	[dreg:$0x9] =	wrdreg s31  }
0xc: {  	s12 =	sadd.s32 $0x9F600, s2;
	s6 =	sadd.s32 s8, s6;
	s8 =	sshrl.u32 s8, $0x3  }
0xd: {  	s16 =	sadd.s32 s26, s2;
	[dreg:$0xb] =	wrdreg s12;
	s8 =	sadd.s32 s4, s8  }
0xe: {  	s13 =	sadd.s32 $0xA00, s16;
	[dreg:$0x4] =	wrdreg s8  }
0xf: {  	s28 =	simm.s32 $0x8A20;
	s14 =	sadd.s32 $0x1400, s16;
	[dreg:$0xc] =	wrdreg s13  }
0x10: {  	s30 =	simm.s32 $0x9E20;
	s15 =	sadd.s32 $0x1E00, s16;
	[dreg:$0xd] =	wrdreg s14  }
0x11: {  	p1 =	seq.s32 s1, $0xF;
	s17 =	sadd.s32 $0x2800, s16;
	[dreg:$0xe] =	wrdreg s15  }
0x12: {  	s11 =	sshrl.u32 s10, $0x1;
	s18 =	sadd.s32 $0x3200, s16;
	[dreg:$0xf] =	wrdreg s17  }
0x13: {  	s11 =	ssub.s32 s10, s11;
	s19 =	sadd.s32 $0x3C00, s16;
	[dreg:$0x10] =	wrdreg s18  }
0x14: {  	s9 =	sshrl.u32 s9, $0x3;
	s20 =	sadd.s32 $0x4600, s16;
	[dreg:$0x11] =	wrdreg s19  }
0x15: {  	s6 =	sshrl.u32 s6, $0x3;
	s21 =	sadd.s32 $0x5000, s16;
	[dreg:$0x13] =	wrdreg s20  }
0x16: {  	s11 =	smax.u32 s11, $0x1;
	s22 =	sadd.s32 $0x5A00, s16;
	[dreg:$0x14] =	wrdreg s21  }
0x17: {  	s24 =	sadd.s32 $0x6E00, s16;
	s25 =	sadd.s32 $0x7800, s16;
	[dreg:$0x15] =	wrdreg s22  }
0x18: {  	s26 =	sadd.s32 $0x8200, s16;
	s29 =	sadd.s32 $0x8C00, s16;
	[dreg:$0x17] =	wrdreg s24  }
0x19: {  	s31 =	sadd.s32 $0x9600, s16;
	s5 =	sadd.s32 s5, s9;
	[dreg:$0x18] =	wrdreg s25  }
0x1a: {  	s23 =	sadd.s32 s6, s0;
	s8 =	sadd.s32 $0x96000, s2;
	[dreg:$0x19] =	wrdreg s26  }
0x1b: {  	s0 =	sadd.s32 $0x65000, s0;
	s9 =	sadd.s32 $0x9EC00, s2;
	[dreg:$0x1a] =	wrdreg s29  }
0x1c: {  	[dreg:$0x1b] =	wrdreg s31;
	s13 =	simm.s32 $0x2;
	s15 =	simm.s32 $0x4E20  }
.Ltmp0:
0x1d: {  	s17 =	simm.s32 $0x28;
	s20 =	simm.s32 $0x6220;
	(pc) =	sbr.rel .LBB2_1-.Ltmp0, $4  }
0x1e: {  	s24 =	simm.s32 $0x7620;
	s21 =	simm.s32 $0xA820;
	[dreg:$0x5] =	wrdreg s0  }
0x1f: {  	s22 =	simm.s32 $0x0;
	[dreg:$0xa] =	wrdreg s9;
	s0 =	sshrl.u32 @p1 s8, $0x3  }
0x20: {  	s10 =	sadd.s32 $0x66400, s23;
	s23 =	sadd.s32 $0x6400, s16;
	[dreg:$0x12] =	wrdreg s0  }
0x21: {  	v0 =	vimm.f32 $0.0e+00;
	s6 =	sadd.s32 $0x9C40, s5;
	[dreg:$0x16] =	wrdreg s23;
	s0 =	simm.s32 $0x1  }
.LBB2_9:
0x22: {  	_ =	swait.ge [sflag:s0], $0xA00  }
0x23: {  	[sflag:s0] =	ssyncset.done $0x0  }
0x24: {  	[sflag:s0] =	ssyncadd.s32 $0xFFFFF600  }
0x25: {  	[spmem:s2] =	stream.indirect.scatter.add.f32 [tilespmem:s21], [sflag:$0x2], $0x40, s9, s17, $0xb8;
	[tilespmem:$0x15220] =	vst v63  }
0x26: {  	s1 =	stileid.u32;
	_ =	swait.ge [sflag:s13], $0xA00  }
0x27: {  	s8 =	sshrl.u32 s7, $0x3;
	s22 =	sadd.s32 $0x1, s22;
	[sflag:s13] =	ssyncset.done $0x0  }
0x28: {  	s1 =	sshll.u32 s1, $0x6;
	p2 =	sne.s32 s22, s11;
	[sflag:s13] =	ssyncadd.s32 $0xFFFFF600  }
.Ltmp1:
0x29: {  	s1 =	sor.u32 $0x1C02, s1;
	[bflag:$0x0] =	sbarrier.arrive $0xFFFF;
	(pc) =	sbr.rel @!p2 .LBB2_10-.Ltmp1, $4  }
0x2a: {  	[hbm:s10], [sflag:s1] =	dma.local [spmem:s8], $0x1400  }
0x2b: {  	_ =	swait.ge [sflag:s13], $0x1400  }
0x2c: {  	[sflag:s13] =	ssyncset.done $0x0  }
0x2d: {  	[sflag:s13] =	ssyncadd.s32 $0xFFFFEC00  }
.LBB2_1:
0x2e: {  	[tilespmem:s3], [sflag:$0x2] =	stream.linear.gather [hbm4b:s5+s3], $0x2710, $0x38;
	[tilespmem:$0x15220] =	vst v63  }
0x2f: {  	_ =	swait.ge [sflag:s13], $0x2710  }
0x30: {  	[sflag:s13] =	ssyncset.done $0x0  }
0x31: {  	s1 =	simm.s32 $0x2710;
	[sflag:s13] =	ssyncadd.s32 $0xFFFFD8F0  }
0x32: {  	[tilespmem:s1], [sflag:$0x2] =	stream.linear.gather [hbm4b:s6+s3], $0x2710, $0x38;
	[tilespmem:$0x15220] =	vst v63  }
0x33: {  	_ =	swait.ge [sflag:s13], $0x2710  }
0x34: {  	[sflag:s13] =	ssyncset.done $0x0  }
0x35: {  	s9 =	simm.s32 $0x100;
	s8 =	simm.s32 $0x0;
	[sflag:s13] =	ssyncadd.s32 $0xFFFFD8F0  }
.LBB2_2:
0x36: {  	p2 =	sne.s32 s9, $0x2700;
	[tilespmem:s8+$0x4E50] =	vst v0;
	s12 =	smov.u32 s9;
	s9 =	sadd.s32 $0x100, s9  }
.Ltmp2:
0x37: {  	[tilespmem:s8+$0x4E40] =	vst v0;
	(pc) =	sbr.rel @p2 .LBB2_2-.Ltmp2, $3  }
0x38: {  	[tilespmem:s8+$0x4E20] =	vst v0  }
0x39: {  	[tilespmem:s8+$0x4E30] =	vst v0;
	_ =	sdelay $0x1  }
0x3a: {  	s8 =	sshra.s32 s12, $0x2  }
.Ltmp3:
0x3b: {  	(pc) =	sbr.rel @!p0 .LBB2_5-.Ltmp3, $4  }
0x3c: {  	[tilespmem:s8+$0x4E50] =	vst v0  }
0x3d: {  	[tilespmem:s8+$0x4E40] =	vst v0  }
0x3e: {  	[tilespmem:s8+$0x4E20] =	vst v0  }
0x3f: {  	[tilespmem:s8+$0x4E30] =	vst v0  }
0x40: {  	[spmem:s16] =	stream.linear.scatter [tilespmem:s15], [sflag:$0x2], $0xA00, $0x38;
	[tilespmem:$0x15220] =	vst v63  }
0x41: {  	_ =	swait.ge [sflag:s13], $0xA00  }
0x42: {  	[sflag:s13] =	ssyncset.done $0x0  }
0x43: {  	s1 =	rddreg [dreg:$0xc];
	[sflag:s13] =	ssyncadd.s32 $0xFFFFF600  }
0x44: {  	[spmem:s1] =	stream.linear.scatter [tilespmem:s15], [sflag:$0x2], $0xA00, $0x38;
	[tilespmem:$0x15220] =	vst v63  }
0x45: {  	_ =	swait.ge [sflag:s13], $0xA00  }
0x46: {  	[sflag:s13] =	ssyncset.done $0x0  }
0x47: {  	s26 =	rddreg [dreg:$0xd];
	[sflag:s13] =	ssyncadd.s32 $0xFFFFF600  }
0x48: {  	[spmem:s26] =	stream.linear.scatter [tilespmem:s15], [sflag:$0x2], $0xA00, $0x38;
	[tilespmem:$0x15220] =	vst v63  }
0x49: {  	_ =	swait.ge [sflag:s13], $0xA00  }
0x4a: {  	[sflag:s13] =	ssyncset.done $0x0  }
0x4b: {  	s29 =	rddreg [dreg:$0xe];
	[sflag:s13] =	ssyncadd.s32 $0xFFFFF600  }
0x4c: {  	[spmem:s29] =	stream.linear.scatter [tilespmem:s15], [sflag:$0x2], $0xA00, $0x38;
	[tilespmem:$0x15220] =	vst v63  }
0x4d: {  	_ =	swait.ge [sflag:s13], $0xA00  }
0x4e: {  	[sflag:s13] =	ssyncset.done $0x0  }
0x4f: {  	s31 =	rddreg [dreg:$0xf];
	[sflag:s13] =	ssyncadd.s32 $0xFFFFF600  }
0x50: {  	[spmem:s31] =	stream.linear.scatter [tilespmem:s15], [sflag:$0x2], $0xA00, $0x38;
	[tilespmem:$0x15220] =	vst v63  }
0x51: {  	_ =	swait.ge [sflag:s13], $0xA00  }
0x52: {  	[sflag:s13] =	ssyncset.done $0x0  }
0x53: {  	s8 =	rddreg [dreg:$0x10];
	[sflag:s13] =	ssyncadd.s32 $0xFFFFF600  }
0x54: {  	[spmem:s8] =	stream.linear.scatter [tilespmem:s15], [sflag:$0x2], $0xA00, $0x38;
	[tilespmem:$0x15220] =	vst v63  }
0x55: {  	_ =	swait.ge [sflag:s13], $0xA00  }
0x56: {  	[sflag:s13] =	ssyncset.done $0x0  }
0x57: {  	s9 =	rddreg [dreg:$0x11];
	[sflag:s13] =	ssyncadd.s32 $0xFFFFF600  }
0x58: {  	[spmem:s9] =	stream.linear.scatter [tilespmem:s15], [sflag:$0x2], $0xA00, $0x38;
	[tilespmem:$0x15220] =	vst v63  }
0x59: {  	_ =	swait.ge [sflag:s13], $0xA00  }
0x5a: {  	[sflag:s13] =	ssyncset.done $0x0  }
0x5b: {  	s12 =	rddreg [dreg:$0x13];
	[sflag:s13] =	ssyncadd.s32 $0xFFFFF600  }
0x5c: {  	[spmem:s12] =	stream.linear.scatter [tilespmem:s15], [sflag:$0x2], $0xA00, $0x38;
	[tilespmem:$0x15220] =	vst v63  }
0x5d: {  	_ =	swait.ge [sflag:s13], $0xA00  }
0x5e: {  	[sflag:s13] =	ssyncset.done $0x0  }
0x5f: {  	s14 =	rddreg [dreg:$0x14];
	[sflag:s13] =	ssyncadd.s32 $0xFFFFF600  }
0x60: {  	[spmem:s14] =	stream.linear.scatter [tilespmem:s15], [sflag:$0x2], $0xA00, $0x38;
	[tilespmem:$0x15220] =	vst v63  }
0x61: {  	_ =	swait.ge [sflag:s13], $0xA00  }
0x62: {  	[sflag:s13] =	ssyncset.done $0x0  }
0x63: {  	s18 =	rddreg [dreg:$0x15];
	[sflag:s13] =	ssyncadd.s32 $0xFFFFF600  }
0x64: {  	[spmem:s18] =	stream.linear.scatter [tilespmem:s15], [sflag:$0x2], $0xA00, $0x38;
	[tilespmem:$0x15220] =	vst v63  }
0x65: {  	_ =	swait.ge [sflag:s13], $0xA00  }
0x66: {  	[sflag:s13] =	ssyncset.done $0x0  }
0x67: {  	s19 =	rddreg [dreg:$0x16];
	[sflag:s13] =	ssyncadd.s32 $0xFFFFF600  }
0x68: {  	[spmem:s19] =	stream.linear.scatter [tilespmem:s15], [sflag:$0x2], $0xA00, $0x38;
	[tilespmem:$0x15220] =	vst v63  }
0x69: {  	_ =	swait.ge [sflag:s13], $0xA00  }
0x6a: {  	[sflag:s13] =	ssyncset.done $0x0  }
0x6b: {  	s23 =	rddreg [dreg:$0x17];
	[sflag:s13] =	ssyncadd.s32 $0xFFFFF600  }
0x6c: {  	[spmem:s23] =	stream.linear.scatter [tilespmem:s15], [sflag:$0x2], $0xA00, $0x38;
	[tilespmem:$0x15220] =	vst v63  }
0x6d: {  	_ =	swait.ge [sflag:s13], $0xA00  }
0x6e: {  	[sflag:s13] =	ssyncset.done $0x0  }
0x6f: {  	s25 =	rddreg [dreg:$0x18];
	[sflag:s13] =	ssyncadd.s32 $0xFFFFF600  }
0x70: {  	[spmem:s25] =	stream.linear.scatter [tilespmem:s15], [sflag:$0x2], $0xA00, $0x38;
	[tilespmem:$0x15220] =	vst v63  }
0x71: {  	_ =	swait.ge [sflag:s13], $0xA00  }
0x72: {  	[sflag:s13] =	ssyncset.done $0x0  }
0x73: {  	s26 =	rddreg [dreg:$0x19];
	[sflag:s13] =	ssyncadd.s32 $0xFFFFF600  }
0x74: {  	[spmem:s26] =	stream.linear.scatter [tilespmem:s15], [sflag:$0x2], $0xA00, $0x38;
	[tilespmem:$0x15220] =	vst v63  }
0x75: {  	_ =	swait.ge [sflag:s13], $0xA00  }
0x76: {  	[sflag:s13] =	ssyncset.done $0x0  }
0x77: {  	s29 =	rddreg [dreg:$0x1a];
	[sflag:s13] =	ssyncadd.s32 $0xFFFFF600  }
0x78: {  	[spmem:s29] =	stream.linear.scatter [tilespmem:s15], [sflag:$0x2], $0xA00, $0x38;
	[tilespmem:$0x15220] =	vst v63  }
0x79: {  	_ =	swait.ge [sflag:s13], $0xA00  }
0x7a: {  	[sflag:s13] =	ssyncset.done $0x0  }
.Ltmp4:
0x7b: {  	s31 =	rddreg [dreg:$0x1b];
	[sflag:s13] =	ssyncadd.s32 $0xFFFFF600;
	(pc) =	sbr.rel .LBB2_6-.Ltmp4, $4  }
0x7c: {  	[spmem:s31] =	stream.linear.scatter [tilespmem:s15], [sflag:$0x2], $0xA00, $0x38;
	[tilespmem:$0x15220] =	vst v63  }
0x7d: {  	_ =	swait.ge [sflag:s13], $0xA00  }
0x7e: {  	[sflag:s13] =	ssyncset.done $0x0  }
0x7f: {  	[sflag:s13] =	ssyncadd.s32 $0xFFFFF600  }
.LBB2_5:
0x80: {  	s1 =	rddreg [dreg:$0x5]  }
0x81: {  	s8 =	simm.s32 @p1 $0x1FC2;
	s9 =	rddreg [dreg:$0x12]  }
0x82: {  	[spmem:s9], [sflag:s8] =	dma.local @p1 [hbm:s1], $0xC80  }
0x83: {  	s8 =	simm.s32 @p1 $0x2  }
0x84: {  	_ =	swait.ge @p1 [sflag:s8], $0xC80  }
0x85: {  	[sflag:s8] =	ssyncset.done @p1 $0x0  }
0x86: {  	s9 =	simm.s32 @p1 $0x4E20;
	s1 =	rddreg [dreg:$0x6];
	[sflag:s8] =	ssyncadd.s32 @p1 $0xFFFFF380  }
0x87: {  	[spmem:s1] =	stream.linear.scatter @p1 [tilespmem:s9], [sflag:$0x2], $0xA00, $0x38;
	[tilespmem:$0x15220] =	vst v63  }
0x88: {  	_ =	swait.ge @p1 [sflag:s8], $0xA00  }
0x89: {  	[sflag:s8] =	ssyncset.done @p1 $0x0  }
0x8a: {  	s1 =	rddreg [dreg:$0x7];
	[sflag:s8] =	ssyncadd.s32 @p1 $0xFFFFF600  }
0x8b: {  	[spmem:s1] =	stream.linear.scatter @p1 [tilespmem:s9], [sflag:$0x2], $0xA00, $0x38;
	[tilespmem:$0x15220] =	vst v63  }
0x8c: {  	_ =	swait.ge @p1 [sflag:s8], $0xA00  }
0x8d: {  	[sflag:s8] =	ssyncset.done @p1 $0x0  }
0x8e: {  	s1 =	rddreg [dreg:$0x8];
	[sflag:s8] =	ssyncadd.s32 @p1 $0xFFFFF600  }
0x8f: {  	[spmem:s1] =	stream.linear.scatter @p1 [tilespmem:s9], [sflag:$0x2], $0xA00, $0x38;
	[tilespmem:$0x15220] =	vst v63  }
0x90: {  	_ =	swait.ge @p1 [sflag:s8], $0xA00  }
0x91: {  	[sflag:s8] =	ssyncset.done @p1 $0x0  }
0x92: {  	s1 =	rddreg [dreg:$0x9];
	[sflag:s8] =	ssyncadd.s32 @p1 $0xFFFFF600  }
0x93: {  	[spmem:s1] =	stream.linear.scatter @p1 [tilespmem:s9], [sflag:$0x2], $0xA00, $0x38;
	[tilespmem:$0x15220] =	vst v63  }
0x94: {  	_ =	swait.ge @p1 [sflag:s8], $0xA00  }
0x95: {  	[sflag:s8] =	ssyncset.done @p1 $0x0  }
0x96: {  	s1 =	rddreg [dreg:$0xa];
	[sflag:s8] =	ssyncadd.s32 @p1 $0xFFFFF600  }
0x97: {  	[spmem:s1] =	stream.linear.scatter @p1 [tilespmem:s9], [sflag:$0x2], $0xA00, $0x38;
	[tilespmem:$0x15220] =	vst v63  }
0x98: {  	_ =	swait.ge @p1 [sflag:s8], $0xA00  }
0x99: {  	[sflag:s8] =	ssyncset.done @p1 $0x0  }
0x9a: {  	s1 =	rddreg [dreg:$0xb];
	[sflag:s8] =	ssyncadd.s32 @p1 $0xFFFFF600  }
0x9b: {  	[spmem:s1] =	stream.linear.scatter @p1 [tilespmem:s9], [sflag:$0x2], $0xA00, $0x38;
	[tilespmem:$0x15220] =	vst v63  }
0x9c: {  	s1 =	stileid.u32;
	_ =	swait.ge @p1 [sflag:s8], $0xA00  }
0x9d: {  	s9 =	sshll.u32 @!p1 s1, $0x6;
	[sflag:s8] =	ssyncset.done @p1 $0x0;
	s1 =	rddreg [dreg:$0x4]  }
0x9e: {  	[sflag:s8] =	ssyncadd.s32 @p1 $0xFFFFF600;
	s8 =	sor.u32 @!p1 $0x1C02, s9;
	s9 =	sshrl.u32 @!p1 s7, $0x3  }
0x9f: {  	[spmem:s9], [sflag:s8] =	dma.local @!p1 [hbm:s1], $0x1400  }
0xa0: {  	s8 =	simm.s32 @!p1 $0x2  }
0xa1: {  	_ =	swait.ge @!p1 [sflag:s8], $0x1400  }
0xa2: {  	[sflag:s8] =	ssyncset.done @!p1 $0x0  }
0xa3: {  	[sflag:s8] =	ssyncadd.s32 @!p1 $0xFFFFEC00  }
.LBB2_6:
0xa4: {  	s8 =	simm.s32 $0x0  }
0xa5: {  	[tilespmem:s15], [sflag:$0x1] =	stream.indirect.gather [hbm4b:s4+s17], $0x40, s8, s17, $0xb8;
	[tilespmem:$0x15220] =	vst v63  }
0xa6: {  	s1 =	simm.s32 $0x5820  }
0xa7: {  	[tilespmem:s1], [sflag:$0x1] =	stream.indirect.gather [hbm4b:s4+s17], $0x40, s17, s17, $0xb8;
	[tilespmem:$0x15220] =	vst v63  }
0xa8: {  	s9 =	simm.s32 $0x50  }
0xa9: {  	[tilespmem:s20], [sflag:$0x1] =	stream.indirect.gather [hbm4b:s4+s17], $0x40, s9, s17, $0xb8;
	[tilespmem:$0x15220] =	vst v63  }
0xaa: {  	s12 =	simm.s32 $0x78;
	s9 =	simm.s32 $0x6C20  }
0xab: {  	[tilespmem:s9], [sflag:$0x1] =	stream.indirect.gather [hbm4b:s4+s17], $0x40, s12, s17, $0xb8;
	[tilespmem:$0x15220] =	vst v63  }
0xac: {  	s14 =	simm.s32 $0xA0  }
0xad: {  	[tilespmem:s24], [sflag:$0x1] =	stream.indirect.gather [hbm4b:s4+s17], $0x40, s14, s17, $0xb8;
	[tilespmem:$0x15220] =	vst v63  }
0xae: {  	s18 =	simm.s32 $0xC8;
	s19 =	simm.s32 $0x8020  }
0xaf: {  	[tilespmem:s19], [sflag:$0x1] =	stream.indirect.gather [hbm4b:s4+s17], $0x40, s18, s17, $0xb8;
	[tilespmem:$0x15220] =	vst v63  }
0xb0: {  	s23 =	simm.s32 $0xF0  }
0xb1: {  	[tilespmem:s28], [sflag:$0x1] =	stream.indirect.gather [hbm4b:s4+s17], $0x40, s23, s17, $0xb8;
	[tilespmem:$0x15220] =	vst v63  }
0xb2: {  	s25 =	simm.s32 $0x118;
	s26 =	simm.s32 $0x9420  }
0xb3: {  	[tilespmem:s26], [sflag:$0x1] =	stream.indirect.gather [hbm4b:s4+s17], $0x40, s25, s17, $0xb8;
	[tilespmem:$0x15220] =	vst v63  }
0xb4: {  	s29 =	simm.s32 $0x140  }
0xb5: {  	[tilespmem:s30], [sflag:$0x1] =	stream.indirect.gather [hbm4b:s4+s17], $0x40, s29, s17, $0xb8;
	[tilespmem:$0x15220] =	vst v63  }
0xb6: {  	s31 =	simm.s32 $0x168  }
0xb7: {  	[tilespmem:s21], [sflag:$0x1] =	stream.indirect.gather [hbm4b:s4+s17], $0x40, s31, s17, $0xb8;
	[tilespmem:$0x15220] =	vst v63  }
0xb8: {  	[bflag:$0x0] =	sbarrier.arrive $0xFFFF  }
.LBB2_7:
0xb9: {  	_ =	swait.ge [sflag:s0], $0xA00  }
0xba: {  	s23 =	sshra.s32 s8, $0x2;
	[sflag:s0] =	ssyncset.done $0x0  }
0xbb: {  	s9 =	sadd.s32 $0x2710, s23;
	[sflag:s0] =	ssyncadd.s32 $0xFFFFF600  }
0xbc: {  	[spmem:s2] =	stream.indirect.scatter.add.f32 [tilespmem:s15], [sflag:$0x2], $0x40, s9, s17, $0xb8;
	[tilespmem:$0x15220] =	vst v63  }
0xbd: {  	_ =	swait.ge [sflag:s13], $0xA00  }
0xbe: {  	p2 =	seq.s32 s8, $0x9600;
	[sflag:s13] =	ssyncset.done $0x0  }
0xbf: {  	s14 =	simm.s32 @p2 $0x1;
	[sflag:s13] =	ssyncadd.s32 $0xFFFFF600  }
0xc0: {  	s25 =	sshra.s32 @p2 s8, $0x2;
	_ =	swait.ge @p2 [sflag:s14], $0xA00  }
0xc1: {  	s26 =	simm.s32 @p2 $0x28;
	s12 =	simm.s32 @p2 $0x5820;
	[sflag:s14] =	ssyncset.done @p2 $0x0  }
0xc2: {  	s18 =	simm.s32 @p2 $0x2;
	s9 =	sadd.s32 @p2 $0x2738, s25;
	[sflag:s14] =	ssyncadd.s32 @p2 $0xFFFFF600  }
0xc3: {  	[spmem:s2] =	stream.indirect.scatter.add.f32 @p2 [tilespmem:s12], [sflag:$0x2], $0x40, s9, s26, $0xb8;
	[tilespmem:$0x15220] =	vst v63  }
0xc4: {  	_ =	swait.ge @p2 [sflag:s18], $0xA00  }
0xc5: {  	s29 =	simm.s32 @!p2 $0x4E20;
	s9 =	sshra.s32 @!p2 s8, $0x2;
	[sflag:s18] =	ssyncset.done @p2 $0x0  }
0xc6: {  	s12 =	simm.s32 @!p2 $0x28;
	s19 =	sadd.s32 @!p2 $0x190, s9;
	[sflag:s18] =	ssyncadd.s32 @p2 $0xFFFFF600  }
0xc7: {  	[tilespmem:s29], [sflag:$0x1] =	stream.indirect.gather @!p2 [hbm4b:s4+s12], $0x40, s19, s12, $0xb8;
	[tilespmem:$0x15220] =	vst v63  }
0xc8: {  	s29 =	simm.s32 @!p2 $0x1  }
0xc9: {  	_ =	swait.ge @!p2 [sflag:s29], $0xA00  }
0xca: {  	[sflag:s29] =	ssyncset.done @!p2 $0x0  }
0xcb: {  	s31 =	simm.s32 @!p2 $0x5820;
	s19 =	sadd.s32 @!p2 $0x2738, s9;
	[sflag:s29] =	ssyncadd.s32 @!p2 $0xFFFFF600  }
0xcc: {  	[spmem:s2] =	stream.indirect.scatter.add.f32 @!p2 [tilespmem:s31], [sflag:$0x2], $0x40, s19, s12, $0xb8;
	[tilespmem:$0x15220] =	vst v63  }
0xcd: {  	s19 =	simm.s32 @!p2 $0x2  }
0xce: {  	_ =	swait.ge @!p2 [sflag:s19], $0xA00  }
0xcf: {  	[sflag:s19] =	ssyncset.done @!p2 $0x0  }
0xd0: {  	s1 =	sadd.s32 @!p2 $0x1B8, s9;
	[sflag:s19] =	ssyncadd.s32 @!p2 $0xFFFFF600  }
0xd1: {  	[tilespmem:s31], [sflag:$0x1] =	stream.indirect.gather @!p2 [hbm4b:s4+s12], $0x40, s1, s12, $0xb8;
	[tilespmem:$0x15220] =	vst v63  }
0xd2: {  	_ =	swait.ge [sflag:s0], $0xA00  }
0xd3: {  	[sflag:s0] =	ssyncset.done $0x0  }
0xd4: {  	s31 =	sadd.s32 $0x2760, s23;
	[sflag:s0] =	ssyncadd.s32 $0xFFFFF600  }
0xd5: {  	[spmem:s2] =	stream.indirect.scatter.add.f32 [tilespmem:s20], [sflag:$0x2], $0x40, s31, s17, $0xb8;
	[tilespmem:$0x15220] =	vst v63  }
0xd6: {  	_ =	swait.ge [sflag:s13], $0xA00  }
0xd7: {  	[sflag:s13] =	ssyncset.done $0x0  }
0xd8: {  	[sflag:s13] =	ssyncadd.s32 $0xFFFFF600  }
0xd9: {  	_ =	swait.ge @p2 [sflag:s14], $0xA00  }
0xda: {  	[sflag:s14] =	ssyncset.done @p2 $0x0  }
0xdb: {  	s1 =	sadd.s32 @p2 $0x2788, s25;
	s31 =	simm.s32 @p2 $0x6C20;
	[sflag:s14] =	ssyncadd.s32 @p2 $0xFFFFF600  }
0xdc: {  	[spmem:s2] =	stream.indirect.scatter.add.f32 @p2 [tilespmem:s31], [sflag:$0x2], $0x40, s1, s26, $0xb8;
	[tilespmem:$0x15220] =	vst v63  }
0xdd: {  	_ =	swait.ge @p2 [sflag:s18], $0xA00  }
0xde: {  	[sflag:s18] =	ssyncset.done @p2 $0x0  }
0xdf: {  	s1 =	sadd.s32 @!p2 $0x1E0, s9;
	s31 =	simm.s32 @!p2 $0x6220;
	[sflag:s18] =	ssyncadd.s32 @p2 $0xFFFFF600  }
0xe0: {  	[tilespmem:s31], [sflag:$0x1] =	stream.indirect.gather @!p2 [hbm4b:s4+s12], $0x40, s1, s12, $0xb8;
	[tilespmem:$0x15220] =	vst v63  }
0xe1: {  	_ =	swait.ge @!p2 [sflag:s29], $0xA00  }
0xe2: {  	[sflag:s29] =	ssyncset.done @!p2 $0x0  }
0xe3: {  	s1 =	sadd.s32 @!p2 $0x2788, s9;
	s31 =	simm.s32 @!p2 $0x6C20;
	[sflag:s29] =	ssyncadd.s32 @!p2 $0xFFFFF600  }
0xe4: {  	[spmem:s2] =	stream.indirect.scatter.add.f32 @!p2 [tilespmem:s31], [sflag:$0x2], $0x40, s1, s12, $0xb8;
	[tilespmem:$0x15220] =	vst v63  }
0xe5: {  	_ =	swait.ge @!p2 [sflag:s19], $0xA00  }
0xe6: {  	[sflag:s19] =	ssyncset.done @!p2 $0x0  }
0xe7: {  	s1 =	sadd.s32 @!p2 $0x208, s9;
	[sflag:s19] =	ssyncadd.s32 @!p2 $0xFFFFF600  }
0xe8: {  	[tilespmem:s31], [sflag:$0x1] =	stream.indirect.gather @!p2 [hbm4b:s4+s12], $0x40, s1, s12, $0xb8;
	[tilespmem:$0x15220] =	vst v63  }
0xe9: {  	_ =	swait.ge [sflag:s0], $0xA00  }
0xea: {  	[sflag:s0] =	ssyncset.done $0x0  }
0xeb: {  	s31 =	sadd.s32 $0x27B0, s23;
	[sflag:s0] =	ssyncadd.s32 $0xFFFFF600  }
0xec: {  	[spmem:s2] =	stream.indirect.scatter.add.f32 [tilespmem:s24], [sflag:$0x2], $0x40, s31, s17, $0xb8;
	[tilespmem:$0x15220] =	vst v63  }
0xed: {  	_ =	swait.ge [sflag:s13], $0xA00  }
0xee: {  	[sflag:s13] =	ssyncset.done $0x0  }
0xef: {  	[sflag:s13] =	ssyncadd.s32 $0xFFFFF600  }
0xf0: {  	_ =	swait.ge @p2 [sflag:s14], $0xA00  }
0xf1: {  	[sflag:s14] =	ssyncset.done @p2 $0x0  }
0xf2: {  	s1 =	sadd.s32 @p2 $0x27D8, s25;
	s31 =	simm.s32 @p2 $0x8020;
	[sflag:s14] =	ssyncadd.s32 @p2 $0xFFFFF600  }
0xf3: {  	[spmem:s2] =	stream.indirect.scatter.add.f32 @p2 [tilespmem:s31], [sflag:$0x2], $0x40, s1, s26, $0xb8;
	[tilespmem:$0x15220] =	vst v63  }
0xf4: {  	_ =	swait.ge @p2 [sflag:s18], $0xA00  }
0xf5: {  	[sflag:s18] =	ssyncset.done @p2 $0x0  }
0xf6: {  	s1 =	sadd.s32 @!p2 $0x230, s9;
	s31 =	simm.s32 @!p2 $0x7620;
	[sflag:s18] =	ssyncadd.s32 @p2 $0xFFFFF600  }
0xf7: {  	[tilespmem:s31], [sflag:$0x1] =	stream.indirect.gather @!p2 [hbm4b:s4+s12], $0x40, s1, s12, $0xb8;
	[tilespmem:$0x15220] =	vst v63  }
0xf8: {  	_ =	swait.ge @!p2 [sflag:s29], $0xA00  }
0xf9: {  	[sflag:s29] =	ssyncset.done @!p2 $0x0  }
0xfa: {  	s1 =	sadd.s32 @!p2 $0x27D8, s9;
	s31 =	simm.s32 @!p2 $0x8020;
	[sflag:s29] =	ssyncadd.s32 @!p2 $0xFFFFF600  }
0xfb: {  	[spmem:s2] =	stream.indirect.scatter.add.f32 @!p2 [tilespmem:s31], [sflag:$0x2], $0x40, s1, s12, $0xb8;
	[tilespmem:$0x15220] =	vst v63  }
0xfc: {  	_ =	swait.ge @!p2 [sflag:s19], $0xA00  }
0xfd: {  	[sflag:s19] =	ssyncset.done @!p2 $0x0  }
0xfe: {  	s1 =	sadd.s32 @!p2 $0x258, s9;
	[sflag:s19] =	ssyncadd.s32 @!p2 $0xFFFFF600  }
0xff: {  	[tilespmem:s31], [sflag:$0x1] =	stream.indirect.gather @!p2 [hbm4b:s4+s12], $0x40, s1, s12, $0xb8;
	[tilespmem:$0x15220] =	vst v63  }
0x100: {  	_ =	swait.ge [sflag:s0], $0xA00  }
0x101: {  	[sflag:s0] =	ssyncset.done $0x0  }
0x102: {  	s31 =	sadd.s32 $0x2800, s23;
	[sflag:s0] =	ssyncadd.s32 $0xFFFFF600  }
0x103: {  	[spmem:s2] =	stream.indirect.scatter.add.f32 [tilespmem:s28], [sflag:$0x2], $0x40, s31, s17, $0xb8;
	[tilespmem:$0x15220] =	vst v63  }
0x104: {  	_ =	swait.ge [sflag:s13], $0xA00  }
0x105: {  	[sflag:s13] =	ssyncset.done $0x0  }
0x106: {  	[sflag:s13] =	ssyncadd.s32 $0xFFFFF600  }
0x107: {  	_ =	swait.ge @p2 [sflag:s14], $0xA00  }
0x108: {  	[sflag:s14] =	ssyncset.done @p2 $0x0  }
0x109: {  	s1 =	sadd.s32 @p2 $0x2828, s25;
	[sflag:s14] =	ssyncadd.s32 @p2 $0xFFFFF600;
	s14 =	simm.s32 @p2 $0x9420  }
0x10a: {  	[spmem:s2] =	stream.indirect.scatter.add.f32 @p2 [tilespmem:s14], [sflag:$0x2], $0x40, s1, s26, $0xb8;
	[tilespmem:$0x15220] =	vst v63  }
0x10b: {  	_ =	swait.ge @p2 [sflag:s18], $0xA00  }
0x10c: {  	[sflag:s18] =	ssyncset.done @p2 $0x0  }
0x10d: {  	s1 =	sadd.s32 @!p2 $0x280, s9;
	s14 =	simm.s32 @!p2 $0x8A20;
	[sflag:s18] =	ssyncadd.s32 @p2 $0xFFFFF600  }
0x10e: {  	[tilespmem:s14], [sflag:$0x1] =	stream.indirect.gather @!p2 [hbm4b:s4+s12], $0x40, s1, s12, $0xb8;
	[tilespmem:$0x15220] =	vst v63  }
0x10f: {  	_ =	swait.ge @!p2 [sflag:s29], $0xA00  }
0x110: {  	[sflag:s29] =	ssyncset.done @!p2 $0x0  }
0x111: {  	s1 =	sadd.s32 @!p2 $0x2828, s9;
	s14 =	simm.s32 @!p2 $0x9420;
	[sflag:s29] =	ssyncadd.s32 @!p2 $0xFFFFF600  }
0x112: {  	[spmem:s2] =	stream.indirect.scatter.add.f32 @!p2 [tilespmem:s14], [sflag:$0x2], $0x40, s1, s12, $0xb8;
	[tilespmem:$0x15220] =	vst v63  }
0x113: {  	_ =	swait.ge @!p2 [sflag:s19], $0xA00  }
0x114: {  	[sflag:s19] =	ssyncset.done @!p2 $0x0  }
0x115: {  	s1 =	sadd.s32 @!p2 $0x2A8, s9;
	[sflag:s19] =	ssyncadd.s32 @!p2 $0xFFFFF600  }
0x116: {  	[tilespmem:s14], [sflag:$0x1] =	stream.indirect.gather @!p2 [hbm4b:s4+s12], $0x40, s1, s12, $0xb8;
	[tilespmem:$0x15220] =	vst v63  }
0x117: {  	_ =	swait.ge [sflag:s0], $0xA00  }
0x118: {  	[sflag:s0] =	ssyncset.done $0x0  }
.Ltmp5:
0x119: {  	s31 =	sadd.s32 $0x2850, s23;
	[sflag:s0] =	ssyncadd.s32 $0xFFFFF600;
	(pc) =	sbr.rel @p2 .LBB2_9-.Ltmp5, $4  }
0x11a: {  	[spmem:s2] =	stream.indirect.scatter.add.f32 [tilespmem:s30], [sflag:$0x2], $0x40, s31, s17, $0xb8;
	[tilespmem:$0x15220] =	vst v63  }
0x11b: {  	_ =	swait.ge [sflag:s13], $0xA00  }
0x11c: {  	[sflag:s13] =	ssyncset.done $0x0  }
0x11d: {  	s9 =	sadd.s32 $0x2878, s23;
	[sflag:s13] =	ssyncadd.s32 $0xFFFFF600  }
0x11e: {  	s1 =	sadd.s32 $0x2D0, s23  }
0x11f: {  	[tilespmem:s30], [sflag:$0x1] =	stream.indirect.gather [hbm4b:s4+s17], $0x40, s1, s17, $0xb8;
	[tilespmem:$0x15220] =	vst v63  }
0x120: {  	_ =	swait.ge [sflag:s0], $0xA00  }
0x121: {  	[sflag:s0] =	ssyncset.done $0x0  }
0x122: {  	[sflag:s0] =	ssyncadd.s32 $0xFFFFF600  }
0x123: {  	[spmem:s2] =	stream.indirect.scatter.add.f32 [tilespmem:s21], [sflag:$0x2], $0x40, s9, s17, $0xb8;
	[tilespmem:$0x15220] =	vst v63  }
.Ltmp6:
0x124: {  	_ = 	snop;
	(pc) =	sbr.rel .LBB2_7-.Ltmp6, $4  }
0x125: {  	_ =	swait.ge [sflag:s13], $0xA00  }
0x126: {  	[sflag:s13] =	ssyncset.done $0x0  }
0x127: {  	s31 =	sadd.s32 $0x2F8, s23;
	s8 =	sadd.s32 $0x640, s8;
	[sflag:s13] =	ssyncadd.s32 $0xFFFFF600  }
0x128: {  	[tilespmem:s21], [sflag:$0x1] =	stream.indirect.gather [hbm4b:s4+s17], $0x40, s31, s17, $0xb8;
	[tilespmem:$0x15220] =	vst v63  }
.LBB2_10:
0x129: {  	_ =	sfence.sel $0x180000  }
0x12a: {  	[bflag:$0x0] =	sbarrier.arrive $0xFFFF  }
0x12b: {  	_ =	strace $0x9000004D  }
0x12c: {  	s0 =	stileid.u32;
	[bflag:$0x2] =	sbarrier.arrive $0xFFFF  }
0x12d: {  	p0 =	sne.s32 s0, $0x0;
	s0 =	rddreg [dreg:$0x3]  }
0x12e: {  	s0 =	sadd.s32 @!p0 $0x100000, s0  }
0x12f: {  	[sflag:s0] =	ssyncadd.tile.s32 @!p0 $0x1;
	_ =	shalt  }
.Lfunc_end2:
_tile_overlayer_lowered:
.L_overlay_start_2:
0x130: {  	(tag) =	ssettag $0x2  }
0x131: {  	s0 =	rddreg [dreg:$0x0];
	s2 =	stileid.u32  }
0x132: {  	s1 =	rddreg [dreg:$0x1];
	p0 =	sne.s32 s2, $0x0  }
0x133: {  	s3 =	rddreg [dreg:$0x2];
	[bflag:$0x3] =	sbarrier.arrive $0xFFFF;
	s2 =	simm.s32 @!p0 $0x1C02  }
0x134: {  	[timem:s3], [sflag:s2] =	dma.local @!p0 [hbm:s0], s1  }
0x135: {  	s0 =	simm.s32 @!p0 $0x2  }
0x136: {  	_ =	swait.ge @!p0 [sflag:s0], s1  }
0x137: {  	s1 =	ssub.s32 @!p0 $0x0, s1;
	[sflag:s0] =	ssyncset.done @!p0 $0x0  }
0x138: {  	[sflag:s0] =	ssyncadd.s32 @!p0 s1  }
0x139: {  	[bflag:$0x3] =	sbarrier.arrive $0xFFFF  }
0x13a: {  	_ =	shalt  }

// kernel: kernel.8.cloned.1.call-start
scs
__scs_entry_jumppad:
0x0: {  	(pc) =	sbr.rel $0x88, $3  }
0x1: {  	(tag) =	ssettag $0x0;
	lr =	simm.s32 $0x1  }
0x2: {  	[smem:$0x3F9B] =	sst lr;
	_ =	strace $0xD0000000  }
0x3: {  	_ = 	snop  }
0x4: {  	_ = 	snop  }
0x5: {  	_ = 	snop  }
0x6: {  	_ = 	snop  }
0x7: {  	_ = 	snop  }
__scs_overlays_trampoline_lowered:
0x8: {  	[smem:$0x3FAA] =	sst s0  }
0x9: {  	[smem:$0x3FAB] =	sst s1  }
0xa: {  	[smem:$0x3FAC] =	sst s2  }
0xb: {  	[smem:$0x3FAD] =	sst s3  }
0xc: {  	[smem:$0x3FAE] =	sst s4  }
0xd: {  	[smem:$0x3FAF] =	sst s5  }
0xe: {  	[smem:$0x3FB0] =	sst s6  }
0xf: {  	[smem:$0x3FB1] =	sst s7  }
0x10: {  	[smem:$0x3FB2] =	sst s8  }
0x11: {  	[smem:$0x3FB3] =	sst s9;
	s0 =	simm.s32 @!p0 $0x0  }
0x12: {  	s1 =	sld [smem:$0x3F99];
	s0 =	simm.s32 @p0 $0x1  }
0x13: {  	[smem:$0x3FB4] =	sst s0;
	s0 =	simm.s32 @!p1 $0x0  }
0x14: {  	s2 =	sld [smem:$0x3F98];
	s0 =	simm.s32 @p1 $0x1  }
0x15: {  	[smem:$0x3FB5] =	sst s0;
	s0 =	simm.s32 @!p2 $0x0  }
0x16: {  	s3 =	sld [smem:$0x3FDB];
	s0 =	simm.s32 @p2 $0x1  }
0x17: {  	s4 =	simm.s32 $0x1BF5;
	[smem:$0x3FB7] =	sst s0  }
0x18: {  	s0 =	sld [smem:$0x3F9A];
	_ =	swait.ge [sflag:s4], $0x0  }
0x19: {  	s7 =	sld [smem:$0x3F9B]  }
0x1a: {  	s8 =	sadd.s32 $0xFFFFE003, lr  }
0x1b: {  	s9 =	sadd.s32 $0xFFFFFEF7, lr;
	s5 =	simm.s32 $0xFFFFFFFF;
	p2 =	slt.u32 s8, $0xFFFFF086  }
0x1c: {  	p1 =	slt.u32 s9, $0xF7A;
	s5 =	simm.s32 @!p2 $0x0  }
0x1d: {  	s5 =	simm.s32 @p1 $0x1;
	p0 =	seq.s32 s7, s2  }
0x1e: {  	s7 =	smul.u32 @!p0 $0xF7A, s2;
	p2 =	seq.s32 @!p0 s5, $0x0  }
0x1f: {  	s9 =	smul.u32 $0xF7A, s1;
	s8 =	simm.s32 @!p0 $0x1BF5;
	p2 =	por !p2, p0  }
0x20: {  	[sflag:s8] =	ssyncset.s32 @!p0 $0xFFFFF086;
	s6 =	sadd.s32 @!p0 s3, s7;
	s7 =	simm.s32 @!p0 $0x108  }
0x21: {  	s3 =	sadd.s32 s3, s9;
	s6 =	sadd.s32 @!p0 $0x88, s6;
	s7 =	simm.s32 @p2 $0x1082  }
0x22: {  	[simem:s7], [sflag:s8] =	dma.local @!p0 [hbm:s6], $0xF7A  }
0x23: {  	s9 =	sor.u32 $0xD0000000, s2;
	s6 =	simm.s32 $0x108;
	_ =	swait.ge @!p0 [sflag:s8], $0x0  }
0x24: {  	s3 =	sadd.s32 $0x88, s3;
	s6 =	simm.s32 @!p1 $0x1082;
	[sflag:s4] =	ssyncset.s32 $0xFFFFF086  }
0x25: {  	[simem:s6], [sflag:s4] =	dma.local [hbm:s3], $0xF7A  }
0x26: {  	[smem:$0x3F9B] =	sst s1;
	(tag) =	ssettag s2;
	_ =	strace s9  }
0x27: {  	s1 =	sld [smem:$0x3FAB]  }
0x28: {  	s2 =	sld [smem:$0x3FAC]  }
0x29: {  	s4 =	sld [smem:$0x3FAE]  }
0x2a: {  	p0 =	seq.s32 s5, $0x0;
	s5 =	sld [smem:$0x3FAF]  }
0x2b: {  	s6 =	sld [smem:$0x3FB0]  }
0x2c: {  	s7 =	sld [smem:$0x3FB1]  }
0x2d: {  	s3 =	simm.s32 $0x108;
	s8 =	sld [smem:$0x3FB2]  }
0x2e: {  	s3 =	simm.s32 @!p0 $0x1082;
	s9 =	sld [smem:$0x3FB3]  }
0x2f: {  	lr =	sadd.s32 s0, s3;
	s0 =	sld [smem:$0x3FAA]  }
0x30: {  	s3 =	sld [smem:$0x3FAD]  }
0x31: {  	[smem:$0x3FB6] =	sst s10  }
0x32: {  	s10 =	sld [smem:$0x3FB4];
	_ =	sdelay $0x3  }
0x33: {  	p0 =	seq.s32 s10, $0x1;
	s10 =	sld [smem:$0x3FB6];
	_ =	sdelay $0x3  }
0x34: {  	[smem:$0x3FB6] =	sst s10  }
0x35: {  	s10 =	sld [smem:$0x3FB5];
	_ =	sdelay $0x3  }
0x36: {  	p1 =	seq.s32 s10, $0x1;
	s10 =	sld [smem:$0x3FB6];
	_ =	sdelay $0x3  }
0x37: {  	[smem:$0x3FB6] =	sst s10  }
0x38: {  	s10 =	sld [smem:$0x3FB7]  }
0x39: {  	_ = 	snop;
	(pc) =	sbr.ind lr, $3  }
0x3a: {  	_ = 	snop  }
0x3b: {  	_ = 	snop  }
0x3c: {  	p2 =	seq.s32 s10, $0x1;
	s10 =	sld [smem:$0x3FB6]  }
0x3d: {  	_ =	shalt  }
0x3e: {  	_ =	shalt  }
0x3f: {  	_ =	shalt  }
0x40: {  	_ =	shalt  }
0x41: {  	_ =	shalt  }
0x42: {  	_ =	shalt  }
0x43: {  	_ =	shalt  }
0x44: {  	_ =	shalt  }
0x45: {  	_ =	shalt  }
0x46: {  	_ =	shalt  }
0x47: {  	_ =	shalt  }
0x48: {  	_ =	shalt  }
0x49: {  	_ =	shalt  }
0x4a: {  	_ =	shalt  }
0x4b: {  	_ =	shalt  }
0x4c: {  	_ =	shalt  }
0x4d: {  	_ =	shalt  }
0x4e: {  	_ =	shalt  }
0x4f: {  	_ =	shalt  }
0x50: {  	_ =	shalt  }
0x51: {  	_ =	shalt  }
0x52: {  	_ =	shalt  }
0x53: {  	_ =	shalt  }
0x54: {  	_ =	shalt  }
0x55: {  	_ =	shalt  }
0x56: {  	_ =	shalt  }
0x57: {  	_ =	shalt  }
0x58: {  	_ =	shalt  }
0x59: {  	_ =	shalt  }
0x5a: {  	_ =	shalt  }
0x5b: {  	_ =	shalt  }
0x5c: {  	_ =	shalt  }
0x5d: {  	_ =	shalt  }
0x5e: {  	_ =	shalt  }
0x5f: {  	_ =	shalt  }
0x60: {  	_ =	shalt  }
0x61: {  	_ =	shalt  }
0x62: {  	_ =	shalt  }
0x63: {  	_ =	shalt  }
0x64: {  	_ =	shalt  }
0x65: {  	_ =	shalt  }
0x66: {  	_ =	shalt  }
0x67: {  	_ =	shalt  }
0x68: {  	_ =	shalt  }
0x69: {  	_ =	shalt  }
0x6a: {  	_ =	shalt  }
0x6b: {  	_ =	shalt  }
0x6c: {  	_ =	shalt  }
0x6d: {  	_ =	shalt  }
0x6e: {  	_ =	shalt  }
0x6f: {  	_ =	shalt  }
0x70: {  	_ =	shalt  }
0x71: {  	_ =	shalt  }
0x72: {  	_ =	shalt  }
0x73: {  	_ =	shalt  }
0x74: {  	_ =	shalt  }
0x75: {  	_ =	shalt  }
0x76: {  	_ =	shalt  }
0x77: {  	_ =	shalt  }
0x78: {  	_ =	shalt  }
0x79: {  	_ =	shalt  }
0x7a: {  	_ =	shalt  }
0x7b: {  	_ =	shalt  }
0x7c: {  	_ =	shalt  }
0x7d: {  	_ =	shalt  }
0x7e: {  	_ =	shalt  }
0x7f: {  	_ =	shalt  }
0x80: {  	_ =	shalt  }
0x81: {  	_ =	shalt  }
0x82: {  	_ =	shalt  }
0x83: {  	_ =	shalt  }
0x84: {  	_ =	shalt  }
0x85: {  	_ =	shalt  }
0x86: {  	_ =	shalt  }
0x87: {  	_ =	shalt  }
.Lfunc_end0:
.L_simem_size_0:
called_computation_lowered:
.L_overlay_start_0:
0x88: {  	s2 =	sld [smem:$0x3FD9]  }
0x89: {  	s3 =	sld [smem:$0x3FFE];
	_ =	sdelay $0x1  }
0x8a: {  	s1 =	srdreg.scid  }
0x8b: {  	s0 =	sand.u32 $0x1, s1  }
0x8c: {  	s16 =	sshll.u32 s0, $0xA;
	s2 =	sadd.s32 s3, s2  }
0x8d: {  	s2 =	sadd.s32 s2, s16  }
0x8e: {  	[smem:$0x3FC2] =	sst s2  }
0x8f: {  	_ = 	snop  }
0x90: {  	(tm) =	ssettm $0x1  }
0x91: {  	s17 =	sld [smem:$0x3FFB];
	_ =	sdelay $0x3  }
0x92: {  	_ =	strace s17  }
0x93: {  	s2 =	sld [smem:$0x3FFC];
	_ =	sdelay $0x3  }
0x94: {  	_ =	strace s2  }
0x95: {  	s2 =	sld [smem:$0x3FFD];
	_ =	sdelay $0x3  }
0x96: {  	_ =	strace s2  }
0x97: {  	_ =	strace $0x8FFFFFFF  }
0x98: {  	s18 =	sld [smem:$0x3FDB];
	_ =	sdelay $0x1  }
0x99: {  	s19 =	simm.s32 $_scs_section_size  }
0x9a: {  	s4 =	simm.s32 $_size__tile_overlayer_lowered;
	s5 =	simm.s32 $_tile_overlayer_lowered  }
0x9b: {  	s22 =	simm.s32 $0x1BFF;
	s21 =	sshll.u32 s5, $0x1;
	s2 =	sadd.s32 s19, s18  }
0x9c: {  	s6 =	simm.s32 $0x0;
	s20 =	sshll.u32 s4, $0x1;
	s4 =	sadd.s32 s21, s2  }
0x9d: {  	[timem:s6], [sflag:s22] =	dma.local [hbm:s4], s20  }
0x9e: {  	_ =	swait.ge [sflag:s22], s20  }
0x9f: {  	s3 =	ssub.s32 $0x0, s20;
	[sflag:s22] =	ssyncset.done $0x0  }
0xa0: {  	[sflag:s22] =	ssyncadd.s32 s3;
	_ =	sdelay $0x1  }
0xa1: {  	s23 =	simm.s32 $0x1B8B  }
0xa2: {  	_ =	swait.ge [sflag:s23], $0x1  }
0xa3: {  	[sflag:s23] =	ssyncset.done $0x0  }
0xa4: {  	s25 =	simm.s32 $0x1B8E;
	s24 =	sld [smem:$0x3FFE];
	[sflag:s23] =	ssyncadd.s32 $0xFFFFFFFF  }
0xa5: {  	s26 =	simm.s32 $execute0_lowered;
	[smem:$0x3FD2] =	sst s25  }
0xa6: {  	s4 =	sshll.u32 s26, $0x1;
	_ =	strace $0x80000046;
	[dreg:$0x1] =	wrdreg $0xFFFFFFFF  }
0xa7: {  	s28 =	simm.s32 $_size_execute0_lowered;
	s2 =	sadd.s32 s2, s4;
	[dreg:$0x0] =	wrdreg $0x0  }
0xa8: {  	s4 =	sshll.u32 s28, $0x1;
	[dreg:$0x2] =	wrdreg s2  }
0xa9: {  	[dreg:$0x3] =	wrdreg s4  }
0xaa: {  	[dreg:$0x4] =	wrdreg $0xC0  }
0xab: {  	_ =	task [dreg:s6], $0x5FFFF  }
0xac: {  	[dreg:$0x1] =	wrdreg $0xFFFFFFFF  }
0xad: {  	[dreg:$0x0] =	wrdreg $0x60  }
0xae: {  	[dreg:$0x2] =	wrdreg s24  }
0xaf: {  	[dreg:$0x3] =	wrdreg $0x83000  }
0xb0: {  	[dreg:$0x4] =	wrdreg $0x9  }
0xb1: {  	_ =	task.clear_ibuf [dreg:s6], $0x5FFFF;
	_ =	strace $0x90000046  }
0xb2: {  	s29 =	simm.s32 $0x9;
	_ =	strace $0x80000048  }
0xb3: {  	_ =	swait.ge [sflag:s29], $0x1  }
0xb4: {  	[sflag:s29] =	ssyncadd.s32 $0xFFFFFFFF  }
0xb5: {  	_ =	strace $0x90000048  }
0xb6: {  	_ =	sfence  }
0xb7: {  	s30 =	sld [smem:$0x0];
	_ =	sdelay $0x2  }
0xb8: {  	s31 =	sshll.u32 s1, $0xD;
	s1 =	sshrl.u32 s1, $0x2  }
0xb9: {  	s3 =	sand.u32 $0x4000, s31;
	s1 =	sadd.s32 s1, s30  }
0xba: {  	s0 =	sor.u32 s3, s0;
	s1 =	sshll.u32 s1, $0x11  }
0xbb: {  	s0 =	sor.u32 s1, s0  }
0xbc: {  	s0 =	sadd.s32 $0x8F2B, s0  }
0xbd: {  	[sflag:s0] =	ssyncadd.remote.s32 $0x1  }
0xbe: {  	_ =	sfence.sel $0xFFFF  }
0xbf: {  	[dreg:$0x0] =	wrdreg $0xFFFFFFFF;
	(pc) =	sbr.abs _section_cstart, $3  }
0xc0: {  	[dreg:$0x1] =	wrdreg $0xFFFFFFFF  }
0xc1: {  	_ =	task.clear_ibuf [dreg:s6], $0x2FFFF;
	_ =	strace $0x9FFFFFFF  }
0xc2: {  	(tm) =	ssettm $0x7FFFFFFF  }
0xc3: {  	_ =	shalt  }
tec
execute0_lowered:
.L_overlay_start_1:
0x0: {  	(tag) =	ssettag $0x1  }
0x1: {  	s4 =	rddreg [dreg:$0x0]  }
0x2: {  	s2 =	rddreg [dreg:$0x1]  }
0x3: {  	s0 =	rddreg [dreg:$0x2];
	s5 =	srdreg.scid  }
0x4: {  	s1 =	stileid.u32;
	s3 =	simm.s32 $0x0;
	s10 =	simm.s32 $0x28  }
0x5: {  	s11 =	simm.s32 $0x8000;
	s14 =	simm.s32 $0x20;
	s15 =	simm.s32 $0x10  }
0x6: {  	s16 =	simm.s32 $0x0;
	s5 =	sand.u32 $0x1, s5;
	s6 =	smul.u32 $0x500, s1  }
0x7: {  	[smem:$0x7FF] =	sst s3;
	s26 =	smul.u32 $0xA00, s1;
	s29 =	sshll.u32 s1, $0xD  }
0x8: {  	s12 =	sshll.u32 s1, $0x6;
	s7 =	sshll.u32 s5, $0x7;
	_ =	strace $0x80000047  }
0x9: {  	s8 =	sshll.u32 s5, $0xC;
	s28 =	ssub.s32 $0x2, s5;
	s12 =	sor.u32 $0x1C01, s12  }
0xa: {  	s6 =	sor.u32 s7, s6;
	s25 =	sadd.s32 s8, s4;
	s9 =	sshrl.u32 s28, $0x1  }
0xb: {  	s30 =	sshrl.u32 s26, $0x2;
	s8 =	simm.s32 $0x1;
	s6 =	sshrl.u32 s6, $0x3  }
0xc: {  	s5 =	sadd.s32 s29, s25;
	s31 =	ssub.s32 s28, s9;
	s9 =	simm.s32 $0x8080  }
0xd: {  	s6 =	sadd.s32 s6, s4;
	s4 =	sadd.s32 $0x22400, s5;
	s5 =	sadd.s32 s30, s2  }
0xe: {  	v0 =	vimm.f32 $1.000000000e+00;
	v1 =	vimm.f32 $0.0e+00;
	s7 =	smax.u32 s31, $0x1;
	s6 =	sadd.s32 $0x42400, s6;
	s13 =	sshrl.u32 s5, $0x3  }
.LBB2_1:
0xf: {  	[tilespmem:s3], [sflag:$0x1] =	stream.linear.gather [hbm4b:s4+s3], $0x7D00, $0x38;
	[tilespmem:$0x8580] =	vst v63  }
0x10: {  	_ =	swait.ge [sflag:s8], $0x7D00  }
0x11: {  	[sflag:s8] =	ssyncset.done $0x0  }
0x12: {  	[sflag:s8] =	ssyncadd.s32 $0xFFFF8300  }
0x13: {  	[tilespmem:$0x8000] =	vst v0  }
0x14: {  	[tilespmem:$0x8010] =	vst v0  }
0x15: {  	[tilespmem:$0x8020] =	vst v0  }
0x16: {  	[tilespmem:$0x8030] =	vst v0  }
0x17: {  	[tilespmem:$0x8040] =	vst v0  }
0x18: {  	[tilespmem:$0x8080] =	vst v1  }
0x19: {  	[tilespmem:$0x8090] =	vst v1  }
0x1a: {  	[tilespmem:$0x80A0] =	vst v1  }
0x1b: {  	[tilespmem:$0x80B0] =	vst v1  }
0x1c: {  	[tilespmem:$0x80C0] =	vst v1  }
0x1d: {  	[tilespmem:$0x80D0] =	vst v1  }
0x1e: {  	[tilespmem:$0x80E0] =	vst v1  }
0x1f: {  	[tilespmem:$0x80F0] =	vst v1  }
0x20: {  	[tilespmem:$0x8100] =	vst v1  }
0x21: {  	[tilespmem:$0x8110] =	vst v1  }
0x22: {  	[tilespmem:$0x8120] =	vst v1  }
0x23: {  	[tilespmem:$0x8130] =	vst v1  }
0x24: {  	[tilespmem:$0x8140] =	vst v1  }
0x25: {  	[tilespmem:$0x8150] =	vst v1  }
0x26: {  	[tilespmem:$0x8160] =	vst v1  }
0x27: {  	[tilespmem:$0x8170] =	vst v1  }
0x28: {  	[tilespmem:$0x8180] =	vst v1  }
0x29: {  	[tilespmem:$0x8190] =	vst v1  }
0x2a: {  	[tilespmem:$0x81A0] =	vst v1  }
0x2b: {  	[tilespmem:$0x81B0] =	vst v1  }
0x2c: {  	[tilespmem:$0x81C0] =	vst v1  }
0x2d: {  	[tilespmem:$0x81D0] =	vst v1  }
0x2e: {  	[tilespmem:$0x81E0] =	vst v1  }
0x2f: {  	[tilespmem:$0x81F0] =	vst v1  }
0x30: {  	[tilespmem:$0x8200] =	vst v1  }
0x31: {  	[tilespmem:$0x8210] =	vst v1  }
0x32: {  	[tilespmem:$0x8220] =	vst v1  }
0x33: {  	[tilespmem:$0x8230] =	vst v1  }
0x34: {  	[tilespmem:$0x8240] =	vst v1  }
0x35: {  	[tilespmem:$0x8250] =	vst v1  }
0x36: {  	[tilespmem:$0x8260] =	vst v1  }
0x37: {  	[tilespmem:$0x8270] =	vst v1  }
0x38: {  	[tilespmem:$0x8280] =	vst v1  }
0x39: {  	[tilespmem:$0x8290] =	vst v1  }
0x3a: {  	[tilespmem:$0x82A0] =	vst v1  }
0x3b: {  	[tilespmem:$0x82B0] =	vst v1  }
0x3c: {  	[tilespmem:$0x82C0] =	vst v1  }
0x3d: {  	[tilespmem:$0x82D0] =	vst v1  }
0x3e: {  	[tilespmem:$0x82E0] =	vst v1  }
0x3f: {  	[tilespmem:$0x82F0] =	vst v1  }
0x40: {  	[spmem:s5] =	stream.linear.scatter [tilespmem:s9], [sflag:$0x1], $0x280, $0x38;
	[tilespmem:$0x8580] =	vst v63  }
0x41: {  	_ =	swait.ge [sflag:s8], $0x280  }
0x42: {  	[sflag:s8] =	ssyncset.done $0x0  }
0x43: {  	[sflag:s8] =	ssyncadd.s32 $0xFFFFFD80  }
0x44: {  	s17 =	simm.s32 $0x0;
	[bflag:$0x0] =	sbarrier.arrive $0xFFFF  }
0x45: {  	[spmem:s2] =	stream.indirect.scatter.add.f32 [tilespmem:s11], [sflag:$0x1], $0x1, s17, s10, $0xb8;
	[tilespmem:$0x8580] =	vst v63  }
0x46: {  	_ =	swait.ge [sflag:s8], $0x28  }
0x47: {  	s17 =	simm.s32 $0x200;
	[sflag:s8] =	ssyncset.done $0x0  }
.LBB2_2:
0x48: {  	s18 =	sshra.s32 s17, $0x2;
	[sflag:s8] =	ssyncadd.s32 $0xFFFFFFD8;
	p0 =	sne.s32 s17, $0x1F200  }
0x49: {  	[spmem:s2] =	stream.indirect.scatter.add.f32 [tilespmem:s11], [sflag:$0x1], $0x1, s18, s10, $0xb8;
	[tilespmem:$0x8580] =	vst v63  }
.Ltmp0:
0x4a: {  	_ = 	snop;
	(pc) =	sbr.rel @p0 .LBB2_2-.Ltmp0, $4  }
0x4b: {  	_ = 	snop  }
0x4c: {  	s17 =	sadd.s32 $0x200, s17  }
0x4d: {  	_ =	swait.ge [sflag:s8], $0x28  }
0x4e: {  	[sflag:s8] =	ssyncset.done $0x0  }
0x4f: {  	s16 =	sadd.s32 $0x1, s16  }
0x50: {  	[sflag:s8] =	ssyncadd.s32 $0xFFFFFFD8;
	p0 =	sne.s32 s16, s7  }
.Ltmp1:
0x51: {  	[bflag:$0x0] =	sbarrier.arrive $0xFFFF;
	(pc) =	sbr.rel @p0 .LBB2_1-.Ltmp1, $4  }
0x52: {  	[hbm:s6@s14], [sflag:s12] =	dma.strided [spmem:s13@s15], $0x50, s8, $0x10   }
0x53: {  	_ =	swait.ge [sflag:s8], $0x50  }
0x54: {  	[sflag:s8] =	ssyncset.done $0x0  }
0x55: {  	[sflag:s8] =	ssyncadd.s32 $0xFFFFFFB0  }
0x56: {  	_ =	sfence.sel $0x180000  }
0x57: {  	[bflag:$0x0] =	sbarrier.arrive $0xFFFF  }
0x58: {  	p0 =	sne.s32 s1, $0x0;
	_ =	strace $0x90000047  }
0x59: {  	s0 =	sadd.s32 @!p0 $0x100000, s0;
	[bflag:$0x2] =	sbarrier.arrive $0xFFFF  }
0x5a: {  	[sflag:s0] =	ssyncadd.tile.s32 @!p0 $0x1;
	_ =	shalt  }
.Lfunc_end2:
_tile_overlayer_lowered:
.L_overlay_start_2:
0x5b: {  	(tag) =	ssettag $0x2  }
0x5c: {  	s0 =	rddreg [dreg:$0x0];
	s2 =	stileid.u32  }
0x5d: {  	s1 =	rddreg [dreg:$0x1];
	p0 =	sne.s32 s2, $0x0  }
0x5e: {  	s3 =	rddreg [dreg:$0x2];
	[bflag:$0x3] =	sbarrier.arrive $0xFFFF;
	s2 =	simm.s32 @!p0 $0x1C01  }
0x5f: {  	[timem:s3], [sflag:s2] =	dma.local @!p0 [hbm:s0], s1  }
0x60: {  	s0 =	simm.s32 @!p0 $0x1  }
0x61: {  	_ =	swait.ge @!p0 [sflag:s0], s1  }
0x62: {  	s1 =	ssub.s32 @!p0 $0x0, s1;
	[sflag:s0] =	ssyncset.done @!p0 $0x0  }
0x63: {  	[sflag:s0] =	ssyncadd.s32 @!p0 s1  }
0x64: {  	[bflag:$0x3] =	sbarrier.arrive $0xFFFF  }
0x65: {  	_ =	shalt  }

</sc_bundles>
